<compile_context>
chip_gen: v7x
topology: tpu7x:2x2x1
jax: 0.10.2.dev20260603
libtpu: 0.0.44.dev20260713+nightly
codegen_flags: <defaults>
</compile_context>

<pallas_src>
import functools

import jax
import jax.numpy as jnp
from jax import lax
from jax.experimental import pallas as pl
from jax.experimental.pallas import tpu as pltpu
from jax.experimental.pallas import tpu_sc as plsc

N = 2048
B = 2
IN = 64
CH = 64
HALF = CH // 2
R = B * CH
NOUT = N // 2

HT_BLK = 256

NTILES = 32
JPT = NOUT // NTILES
NQ = 8
KQ = N // NQ
L = 16
NCH = KQ // L
NCHUNK = N // L
NG = R // L


def _ht_kernel(adj_ref, x_ref, xb_ref, wl_ref, bl_ref, we_ref, be_ref,
               out_ref, cnt_ref):
    adj_blk = adj_ref[...]

    @pl.when(pl.program_id(0) < NOUT // HT_BLK)
    def _counts():
        nz = (adj_blk != 0.0).astype(jnp.bfloat16)
        kk = jax.lax.broadcasted_iota(jnp.int32, (N, NCHUNK), 0) // L
        cc = jax.lax.broadcasted_iota(jnp.int32, (N, NCHUNK), 1)
        sel = (kk == cc).astype(jnp.bfloat16)
        cnt = jax.lax.dot_general(
            nz, sel, (((1,), (0,)), ((), ())),
            preferred_element_type=jnp.float32)
        cnt_ref[...] = cnt.astype(jnp.int32)
    for b in range(B):
        z = jax.lax.dot_general(
            x_ref[b], wl_ref[...],
            (((1,), (1,)), ((), ())),
            preferred_element_type=jnp.float32)
        lin = jax.lax.dot_general(
            adj_blk, z,
            (((1,), (0,)), ((), ())),
            preferred_element_type=jnp.float32)
        lin = lin + bl_ref[...][None, :]
        eye = jax.lax.dot_general(
            xb_ref[b], we_ref[...],
            (((1,), (1,)), ((), ())),
            preferred_element_type=jnp.float32)
        eye = eye + be_ref[...][None, :]
        out_ref[:, b * CH:b * CH + HALF] = lin
        out_ref[:, b * CH + HALF:(b + 1) * CH] = eye


def _sc_maxpool_body(adj_hbm, ht_hbm, cnt_hbm, out_hbm,
                     ht0_v, ht1_v, ar0_v, ar1_v, cnt_v, acc0_v, acc1_v, nz_v,
                     sem0, sem1):
    nc = 2
    wid = lax.axis_index("s") * nc + lax.axis_index("c")
    j0 = wid * JPT
    acc_bufs = [acc0_v, acc1_v]
    lanes = lax.iota(jnp.int32, L)
    neg_inf = jnp.full((L,), -jnp.inf, dtype=jnp.float32)
    zeros_i = jnp.zeros((L,), dtype=jnp.int32)

    ht_bufs = [ht0_v, ht1_v]
    ar_bufs = [ar0_v, ar1_v]
    sems = [sem0, sem1]

    def start_slice(q):
        h1 = pltpu.async_copy(
            ht_hbm.at[pl.ds(q * KQ * R, KQ * R)], ht_bufs[q % 2], sems[q % 2])
        h2 = pltpu.async_copy(
            adj_hbm.at[pl.ds(j0, JPT), pl.ds(q * KQ, KQ)],
            ar_bufs[q % 2], sems[q % 2])
        return (h1, h2)

    pending = start_slice(0)
    pltpu.sync_copy(cnt_hbm.at[pl.ds(j0, JPT), :], cnt_v)

    for q in range(NQ):
        if q + 1 < NQ:
            nxt = start_slice(q + 1)
        pending[0].wait()
        pending[1].wait()
        ht_v = ht_bufs[q % 2]
        arow_v = ar_bufs[q % 2]

        def row_body(row, _, q=q, ht_v=ht_v, arow_v=arow_v):
            row_splat = jnp.broadcast_to(row, (L,)).astype(jnp.int32)
            if q == 0:
                accs = [neg_inf for _ in range(NG)]
                nzv = zeros_i
            else:
                accs = [acc_bufs[g // 4][row, pl.ds((g % 4) * L, L)]
                        for g in range(NG)]
                nzv = nz_v[pl.ds(row * L, L)]

            cvec = cnt_v[row, pl.ds(q * NCH, L)]
            nzv = nzv + cvec
            om = cvec > 0

            def c_cond(c):
                return jnp.any(c[0])

            def c_body(c):
                om = c[0]
                caccs = list(c[1:])
                ffs_c = plsc.all_reduce_ffs(om)
                col = ffs_c * L + lanes
                av = plsc.load_gather(arow_v, [row_splat, col])
                m = av != 0.0

                def e_cond(e):
                    return jnp.any(e[0])

                def e_body(e, chq=ffs_c):
                    em = e[0]
                    eaccs = list(e[1:])
                    ffs_e = plsc.all_reduce_ffs(em)
                    cole = chq * L + ffs_e
                    vsp = plsc.load_gather(arow_v, [row_splat, cole])
                    kbase = cole * R
                    new = []
                    for g in range(NG):
                        hv = plsc.load_gather(ht_v, [kbase + (g * L) + lanes])
                        new.append(jnp.maximum(eaccs[g], vsp * hv))
                    em = jnp.logical_and(em, lanes != ffs_e)
                    return (em, *new)

                res = lax.while_loop(e_cond, e_body, (m, *caccs))
                om = jnp.logical_and(om, lanes != ffs_c)
                return (om, *res[1:])

            out = lax.while_loop(c_cond, c_body, (om, *accs))
            accs = list(out[1:])

            if q == NQ - 1:
                nnz = jnp.sum(nzv)
                hz = nnz < N
                accs = [jnp.where(hz, jnp.maximum(a, 0.0), a) for a in accs]
            for g in range(NG):
                acc_bufs[g // 4][row, pl.ds((g % 4) * L, L)] = accs[g]
            if q != NQ - 1:
                nz_v[pl.ds(row * L, L)] = nzv
            return 0

        lax.fori_loop(0, JPT, row_body, 0)
        if q + 1 < NQ:
            pending = nxt

    pltpu.sync_copy(acc0_v, out_hbm.at[0, pl.ds(j0, JPT), :])
    pltpu.sync_copy(acc1_v, out_hbm.at[1, pl.ds(j0, JPT), :])


_sc_maxpool = functools.partial(
    pl.kernel,
    out_type=jax.ShapeDtypeStruct((B, NOUT, CH), jnp.float32),
    mesh=plsc.VectorSubcoreMesh(core_axis_name="c", subcore_axis_name="s"),
    scratch_types=[
        pltpu.VMEM((KQ * R,), jnp.float32),
        pltpu.VMEM((KQ * R,), jnp.float32),
        pltpu.VMEM((JPT, KQ), jnp.float32),
        pltpu.VMEM((JPT, KQ), jnp.float32),
        pltpu.VMEM((JPT, NCHUNK), jnp.int32),
        pltpu.VMEM((JPT, CH), jnp.float32),
        pltpu.VMEM((JPT, CH), jnp.float32),
        pltpu.VMEM((JPT * L,), jnp.int32),
        pltpu.SemaphoreType.DMA,
        pltpu.SemaphoreType.DMA,
    ],
    compiler_params=pltpu.CompilerParams(needs_layout_passes=False),
)(_sc_maxpool_body)


@jax.jit
def kernel(x, adj, W_lin, b_lin, W_eye, b_eye):
    hT, counts = pl.pallas_call(
        _ht_kernel,
        grid=(N // HT_BLK,),
        in_specs=[
            pl.BlockSpec((HT_BLK, N), lambda i: (i, 0)),
            pl.BlockSpec((B, N, IN), lambda i: (0, 0, 0)),
            pl.BlockSpec((B, HT_BLK, IN), lambda i: (0, i, 0)),
            pl.BlockSpec((HALF, IN), lambda i: (0, 0)),
            pl.BlockSpec((HALF,), lambda i: (0,)),
            pl.BlockSpec((HALF, IN), lambda i: (0, 0)),
            pl.BlockSpec((HALF,), lambda i: (0,)),
        ],
        out_specs=[
            pl.BlockSpec((HT_BLK, R), lambda i: (i, 0)),
            pl.BlockSpec((HT_BLK, NCHUNK), lambda i: (i, 0)),
        ],
        out_shape=[
            jax.ShapeDtypeStruct((N, R), jnp.float32),
            jax.ShapeDtypeStruct((N, NCHUNK), jnp.int32),
        ],
    )(adj, x, x, W_lin, b_lin, W_eye, b_eye)

    return _sc_maxpool(adj, hT.reshape(-1), counts)

# --- scband reference (transcript-rebuilt; emitter-appended) ---
"""Pipeline reference for scband-gcnlayer-29437705847356 (READ-ONLY COPY).

The authoritative reference and input builder live on the scoring server;
editing this copy changes nothing except your own understanding.
"""

import jax, jax.numpy as jnp
import numpy as np

N = 2048
B = 2
IN = 64
CH = 64  # channels; each conv branch outputs CH//2
AVG_DEGREE = 32.0


def setup_inputs(seed: int = 0) -> dict:
    key = jax.random.key(seed)
    k1, k2, k3, k4, k5 = jax.random.split(key, 5)
    x = jax.random.normal(k1, (B, N, IN), dtype=jnp.float32)
    # sparse adjacency materialized dense (the torch module calls adj.to_dense())
    mask = (jax.random.uniform(k2, (N, N)) < (AVG_DEGREE / N)).astype(jnp.float32)
    vals = jax.random.uniform(k3, (N, N), minval=0.1, maxval=1.0, dtype=jnp.float32)
    adj = mask * vals
    # Conv1d(kernel_size=1) == pointwise linear: weight [out, in], bias [out]
    W_lin = jax.random.normal(k4, (CH // 2, IN), dtype=jnp.float32) * 0.05
    b_lin = jnp.zeros((CH // 2,), dtype=jnp.float32)
    W_eye = jax.random.normal(k5, (CH // 2, IN), dtype=jnp.float32) * 0.05
    b_eye = jnp.zeros((CH // 2,), dtype=jnp.float32)
    return {"x": x, "adj": adj, "W_lin": W_lin, "b_lin": b_lin, "W_eye": W_eye, "b_eye": b_eye}


def reference(x, adj, W_lin, b_lin, W_eye, b_eye):
    B_, N_, IN_ = x.shape
    # x.permute(0, 2, 1) -> [B, in_dim, N]
    xp = jnp.transpose(x, (0, 2, 1))
    # eye_x = eye_linear(x): pointwise conv1d
    eye_x = jnp.einsum('oi,bin->bon', W_eye, xp) + b_eye[None, :, None]
    # _adj_mul: flat [B*in_dim, N]; SparseMM does (adj @ flat.T).T == flat @ adj.T
    flat = xp.reshape(-1, N_)
    agg = (flat @ adj.T).reshape(B_, IN_, N_)
    # linear(x) on aggregated features
    lin_x = jnp.einsum('oi,bin->bon', W_lin, agg) + b_lin[None, :, None]
    # cat along channel dim -> [B, C, N]
    h = jnp.concatenate([lin_x, eye_x], axis=1)
    Bc, C, _ = h.shape
    hf = h.reshape(-1, N_)
    # per-row: (x[i] * adj).max(dim=1)[0]  -> out[j] = max_k x[i,k]*adj[j,k]
    def row_max(r):
        return jnp.max(r[None, :] * adj, axis=1)
    max_value = jax.lax.map(row_max, hf)  # [B*C, N]
    out = max_value[:, : N_ // 2]
    out = out.reshape(Bc, C, N_ // 2)
    return jnp.transpose(out, (0, 2, 1))  # [B, N//2, C]

if __name__ == "__main__":
    import jax
    _d = setup_inputs()
    print(jax.jit(kernel)(*tuple(_d.values())))

</pallas_src>

<mosaic_0001>
#map = affine_map<(d0, d1) -> (0, 0)>
#map1 = affine_map<(d0, d1) -> (0)>
#map2 = affine_map<(d0, d1) -> (0, 0, 0)>
module attributes {stable_mosaic.version = 14 : i64} {
  func.func @_sc_maxpool_body(%arg0: i32, %arg1: i32, %arg2: memref<2048x2048xf32, #tpu.memory_space<hbm>>, %arg3: memref<262144xf32, #tpu.memory_space<hbm>>, %arg4: memref<2048x128xi32, #tpu.memory_space<hbm>>, %arg5: memref<2x1024x64xf32, #tpu.memory_space<hbm>>, %arg6: memref<32768xf32, #tpu.memory_space<vmem>>, %arg7: memref<32768xf32, #tpu.memory_space<vmem>>, %arg8: memref<32x256xf32, #tpu.memory_space<vmem>>, %arg9: memref<32x256xf32, #tpu.memory_space<vmem>>, %arg10: memref<32x128xi32, #tpu.memory_space<vmem>>, %arg11: memref<32x64xf32, #tpu.memory_space<vmem>>, %arg12: memref<32x64xf32, #tpu.memory_space<vmem>>, %arg13: memref<512xi32, #tpu.memory_space<vmem>>, %arg14: memref<!tpu.dma_semaphore, #tpu.memory_space<semaphore_mem>>, %arg15: memref<!tpu.dma_semaphore, #tpu.memory_space<semaphore_mem>>) attributes {dimension_semantics = [#tpu.dimension_semantics<core_parallel>, #tpu.dimension_semantics<subcore_parallel>], iteration_bounds = array<i64: 2, 16>, scalar_prefetch = 0 : i64, scratch_operands = 10 : i64, tpu.core_type = #tpu.core_type<sc_vector_subcore>, window_params = [{transform_indices = #map}, {transform_indices = #map1}, {transform_indices = #map}, {transform_indices = #map2}]} {
    %mul3A = arith.constant 2 : i32
    %mul3A_0 = arith.muli %arg1, %mul3A : i32
    %add3A = arith.addi %mul3A_0, %arg0 : i32
    %mul3A_1 = arith.constant 32 : i32
    %mul3A_2 = arith.muli %add3A, %mul3A_1 : i32
    %iota3A = tpu.iota {dimensions = array<i32: 0>} : vector<16xi32>
    %broadcast_in_dim3A = arith.constant 0xFF800000 : f32
    %broadcast_in_dim3A_3 = vector.broadcast %broadcast_in_dim3A : f32 to vector<16xf32>
    %broadcast_in_dim3A_4 = arith.constant 0 : i32
    %broadcast_in_dim3A_5 = vector.broadcast %broadcast_in_dim3A_4 : i32 to vector<16xi32>
    %dma_start3A = arith.constant 0 : i32
    %dma_start3A_6 = tpu.memref_slice %arg3[%dma_start3A] : memref<262144xf32, #tpu.memory_space<hbm>> -> memref<32768xf32, #tpu.memory_space<hbm>>
    %dma_start3A_7 = arith.constant 0 : i32
    %dma_start3A_8 = tpu.memref_slice %arg3[%dma_start3A_7] : memref<262144xf32, #tpu.memory_space<hbm>> -> memref<32768xf32, #tpu.memory_space<hbm>>
    tpu.enqueue_dma source(%dma_start3A_8 : memref<32768xf32, #tpu.memory_space<hbm>>) target(%arg6 : memref<32768xf32, #tpu.memory_space<vmem>>) target_semaphore(%arg14 : memref<!tpu.dma_semaphore, #tpu.memory_space<semaphore_mem>>)
    %dma_start3A_9 = arith.constant 0 : i32
    %dma_start3A_10 = tpu.memref_slice %arg2[%mul3A_2, %dma_start3A_9] : memref<2048x2048xf32, #tpu.memory_space<hbm>> -> memref<32x256xf32, #tpu.memory_space<hbm>>
    %dma_start3A_11 = arith.constant 0 : i32
    %dma_start3A_12 = tpu.memref_slice %arg2[%mul3A_2, %dma_start3A_11] : memref<2048x2048xf32, #tpu.memory_space<hbm>> -> memref<32x256xf32, #tpu.memory_space<hbm>>
    tpu.enqueue_dma source(%dma_start3A_12 : memref<32x256xf32, #tpu.memory_space<hbm>>) target(%arg8 : memref<32x256xf32, #tpu.memory_space<vmem>>) target_semaphore(%arg14 : memref<!tpu.dma_semaphore, #tpu.memory_space<semaphore_mem>>)
    "tpu.region"() ({
      %run_scoped3A_188 = tpu.sem_alloc : memref<!tpu.dma_semaphore, #tpu.memory_space<semaphore_mem>>
      %dma_start3A_189 = arith.constant 0 : i32
      %dma_start3A_190 = tpu.memref_slice %arg4[%mul3A_2, %dma_start3A_189] : memref<2048x128xi32, #tpu.memory_space<hbm>> -> memref<32x128xi32, #tpu.memory_space<hbm>>
      %dma_start3A_191 = arith.constant 0 : i32
      %dma_start3A_192 = tpu.memref_slice %arg4[%mul3A_2, %dma_start3A_191] : memref<2048x128xi32, #tpu.memory_space<hbm>> -> memref<32x128xi32, #tpu.memory_space<hbm>>
      tpu.enqueue_dma source(%dma_start3A_192 : memref<32x128xi32, #tpu.memory_space<hbm>>) target(%arg10 : memref<32x128xi32, #tpu.memory_space<vmem>>) target_semaphore(%run_scoped3A_188 : memref<!tpu.dma_semaphore, #tpu.memory_space<semaphore_mem>>)
      %dma_wait3A_193 = arith.constant 0 : i32
      %dma_wait3A_194 = tpu.memref_slice %arg4[%mul3A_2, %dma_wait3A_193] : memref<2048x128xi32, #tpu.memory_space<hbm>> -> memref<32x128xi32, #tpu.memory_space<hbm>>
      %dma_wait3A_195 = arith.constant 0 : i32
      %dma_wait3A_196 = tpu.memref_slice %arg4[%mul3A_2, %dma_wait3A_195] : memref<2048x128xi32, #tpu.memory_space<hbm>> -> memref<32x128xi32, #tpu.memory_space<hbm>>
      tpu.wait_dma2 semaphore(%run_scoped3A_188 : memref<!tpu.dma_semaphore, #tpu.memory_space<semaphore_mem>>) src(%dma_wait3A_196 : memref<32x128xi32, #tpu.memory_space<hbm>>) dst(%arg10 : memref<32x128xi32, #tpu.memory_space<vmem>>)
      tpu.yield
    }) : () -> ()
    %dma_start3A_13 = arith.constant 32768 : i32
    %dma_start3A_14 = tpu.memref_slice %arg3[%dma_start3A_13] : memref<262144xf32, #tpu.memory_space<hbm>> -> memref<32768xf32, #tpu.memory_space<hbm>>
    %dma_start3A_15 = arith.constant 32768 : i32
    %dma_start3A_16 = tpu.memref_slice %arg3[%dma_start3A_15] : memref<262144xf32, #tpu.memory_space<hbm>> -> memref<32768xf32, #tpu.memory_space<hbm>>
    tpu.enqueue_dma source(%dma_start3A_16 : memref<32768xf32, #tpu.memory_space<hbm>>) target(%arg7 : memref<32768xf32, #tpu.memory_space<vmem>>) target_semaphore(%arg15 : memref<!tpu.dma_semaphore, #tpu.memory_space<semaphore_mem>>)
    %dma_start3A_17 = arith.constant 256 : i32
    %dma_start3A_18 = tpu.memref_slice %arg2[%mul3A_2, %dma_start3A_17] : memref<2048x2048xf32, #tpu.memory_space<hbm>> -> memref<32x256xf32, #tpu.memory_space<hbm>>
    %dma_start3A_19 = arith.constant 256 : i32
    %dma_start3A_20 = tpu.memref_slice %arg2[%mul3A_2, %dma_start3A_19] : memref<2048x2048xf32, #tpu.memory_space<hbm>> -> memref<32x256xf32, #tpu.memory_space<hbm>>
    tpu.enqueue_dma source(%dma_start3A_20 : memref<32x256xf32, #tpu.memory_space<hbm>>) target(%arg9 : memref<32x256xf32, #tpu.memory_space<vmem>>) target_semaphore(%arg15 : memref<!tpu.dma_semaphore, #tpu.memory_space<semaphore_mem>>)
    %dma_wait3A = arith.constant 0 : i32
    %dma_wait3A_21 = tpu.memref_slice %arg3[%dma_wait3A] : memref<262144xf32, #tpu.memory_space<hbm>> -> memref<32768xf32, #tpu.memory_space<hbm>>
    %dma_wait3A_22 = arith.constant 0 : i32
    %dma_wait3A_23 = tpu.memref_slice %arg3[%dma_wait3A_22] : memref<262144xf32, #tpu.memory_space<hbm>> -> memref<32768xf32, #tpu.memory_space<hbm>>
    tpu.wait_dma2 semaphore(%arg14 : memref<!tpu.dma_semaphore, #tpu.memory_space<semaphore_mem>>) src(%dma_wait3A_23 : memref<32768xf32, #tpu.memory_space<hbm>>) dst(%arg6 : memref<32768xf32, #tpu.memory_space<vmem>>)
    %dma_wait3A_24 = arith.constant 0 : i32
    %dma_wait3A_25 = tpu.memref_slice %arg2[%mul3A_2, %dma_wait3A_24] : memref<2048x2048xf32, #tpu.memory_space<hbm>> -> memref<32x256xf32, #tpu.memory_space<hbm>>
    %dma_wait3A_26 = arith.constant 0 : i32
    %dma_wait3A_27 = tpu.memref_slice %arg2[%mul3A_2, %dma_wait3A_26] : memref<2048x2048xf32, #tpu.memory_space<hbm>> -> memref<32x256xf32, #tpu.memory_space<hbm>>
    tpu.wait_dma2 semaphore(%arg14 : memref<!tpu.dma_semaphore, #tpu.memory_space<semaphore_mem>>) src(%dma_wait3A_27 : memref<32x256xf32, #tpu.memory_space<hbm>>) dst(%arg8 : memref<32x256xf32, #tpu.memory_space<vmem>>)
    %scan3A = arith.constant 0 : i32
    %scan3A_28 = arith.constant 0 : i32
    %scan3A_29 = arith.constant 32 : i32
    %scan3A_30 = arith.addi %scan3A_28, %scan3A_29 : i32
    %scan3A_31 = arith.constant 1 : i32
    %scan3A_32 = scf.for %scan3A_188 = %scan3A_28 to %scan3A_30 step %scan3A_31 iter_args(%scan3A_189 = %scan3A) -> (i32)  : i32 {
      %broadcast_in_dim3A_190 = vector.broadcast %scan3A_188 : i32 to vector<16xi32>
      %get3A = arith.index_cast %scan3A_188 : i32 to index
      %get3A_191 = arith.constant 0 : index
      %get3A_192 = tpu.vector_load %arg10[%get3A, %get3A_191] {strides = array<i32>} : memref<32x128xi32, #tpu.memory_space<vmem>>, vector<16xi32>,
      %add3A_193 = arith.addi %broadcast_in_dim3A_5, %get3A_192 : vector<16xi32>
      %gt3A = arith.constant 0 : i32
      %gt3A_194 = vector.broadcast %gt3A : i32 to vector<16xi32>
      %gt3A_195 = arith.cmpi sgt, %get3A_192, %gt3A_194 : vector<16xi32>
      %while3A:9 = scf.while (%while3A_224 = %gt3A_195, %while3A_225 = %broadcast_in_dim3A_3, %while3A_226 = %broadcast_in_dim3A_3, %while3A_227 = %broadcast_in_dim3A_3, %while3A_228 = %broadcast_in_dim3A_3, %while3A_229 = %broadcast_in_dim3A_3, %while3A_230 = %broadcast_in_dim3A_3, %while3A_231 = %broadcast_in_dim3A_3, %while3A_232 = %broadcast_in_dim3A_3) : (vector<16xi1>, vector<16xf32>, vector<16xf32>, vector<16xf32>, vector<16xf32>, vector<16xf32>, vector<16xf32>, vector<16xf32>, vector<16xf32>) -> (vector<16xi1>, vector<16xf32>, vector<16xf32>, vector<16xf32>, vector<16xf32>, vector<16xf32>, vector<16xf32>, vector<16xf32>, vector<16xf32>) {
        %reduce_or3A = arith.constant 1.000000e+00 : f32
        %reduce_or3A_233 = arith.constant 0.000000e+00 : f32
        %reduce_or3A_234 = vector.broadcast %reduce_or3A : f32 to vector<16xf32>
        %reduce_or3A_235 = vector.broadcast %reduce_or3A_233 : f32 to vector<16xf32>
        %reduce_or3A_236 = arith.select %while3A_224, %reduce_or3A_234, %reduce_or3A_235 : vector<16xi1>, vector<16xf32>
        %reduce_or3A_237 = arith.constant true
        %reduce_or3A_238 = vector.broadcast %reduce_or3A_237 : i1 to vector<16xi1>
        %reduce_or3A_239 = tpu.scan <max>, %reduce_or3A_236 masked %reduce_or3A_238 : vector<16xf32>, vector<16xi1> -> vector<16xf32>
        %reduce_or3A_240 = vector.extract %reduce_or3A_239[15] : f32 from vector<16xf32>
        %reduce_or3A_241 = arith.constant 0.000000e+00 : f32
        %reduce_or3A_242 = arith.cmpf ogt, %reduce_or3A_240, %reduce_or3A_241 : f32
        scf.condition(%reduce_or3A_242) %while3A_224, %while3A_225, %while3A_226, %while3A_227, %while3A_228, %while3A_229, %while3A_230, %while3A_231, %while3A_232 : vector<16xi1>, vector<16xf32>, vector<16xf32>, vector<16xf32>, vector<16xf32>, vector<16xf32>, vector<16xf32>, vector<16xf32>, vector<16xf32>
      } do {
      ^bb0(%while3A_224: vector<16xi1>, %while3A_225: vector<16xf32>, %while3A_226: vector<16xf32>, %while3A_227: vector<16xf32>, %while3A_228: vector<16xf32>, %while3A_229: vector<16xf32>, %while3A_230: vector<16xf32>, %while3A_231: vector<16xf32>, %while3A_232: vector<16xf32>):
        %all_reduce_ffs3A = tpu.all_reduce %while3A_224 {dim = 0 : i64, kind = #tpu.reduction_kind<find_first_set>} : vector<16xi1> -> vector<16xi32>
        %mul3A_233 = arith.constant 16 : i32
        %mul3A_234 = vector.broadcast %mul3A_233 : i32 to vector<16xi32>
        %mul3A_235 = arith.muli %all_reduce_ffs3A, %mul3A_234 : vector<16xi32>
        %add3A_236 = arith.addi %mul3A_235, %iota3A : vector<16xi32>
        %gather3A = tpu.vector_load_idx %arg8[%broadcast_in_dim3A_190, %add3A_236] : memref<32x256xf32, #tpu.memory_space<vmem>>[vector<16xi32>, vector<16xi32>], vector<16xf32>,
        %ne3A = arith.constant 0.000000e+00 : f32
        %ne3A_237 = vector.broadcast %ne3A : f32 to vector<16xf32>
        %ne3A_238 = arith.cmpf one, %gather3A, %ne3A_237 : vector<16xf32>
        %while3A_239:9 = scf.while (%while3A_241 = %ne3A_238, %while3A_242 = %while3A_225, %while3A_243 = %while3A_226, %while3A_244 = %while3A_227, %while3A_245 = %while3A_228, %while3A_246 = %while3A_229, %while3A_247 = %while3A_230, %while3A_248 = %while3A_231, %while3A_249 = %while3A_232) : (vector<16xi1>, vector<16xf32>, vector<16xf32>, vector<16xf32>, vector<16xf32>, vector<16xf32>, vector<16xf32>, vector<16xf32>, vector<16xf32>) -> (vector<16xi1>, vector<16xf32>, vector<16xf32>, vector<16xf32>, vector<16xf32>, vector<16xf32>, vector<16xf32>, vector<16xf32>, vector<16xf32>) {
          %reduce_or3A = arith.constant 1.000000e+00 : f32
          %reduce_or3A_250 = arith.constant 0.000000e+00 : f32
          %reduce_or3A_251 = vector.broadcast %reduce_or3A : f32 to vector<16xf32>
          %reduce_or3A_252 = vector.broadcast %reduce_or3A_250 : f32 to vector<16xf32>
          %reduce_or3A_253 = arith.select %while3A_241, %reduce_or3A_251, %reduce_or3A_252 : vector<16xi1>, vector<16xf32>
          %reduce_or3A_254 = arith.constant true
          %reduce_or3A_255 = vector.broadcast %reduce_or3A_254 : i1 to vector<16xi1>
          %reduce_or3A_256 = tpu.scan <max>, %reduce_or3A_253 masked %reduce_or3A_255 : vector<16xf32>, vector<16xi1> -> vector<16xf32>
          %reduce_or3A_257 = vector.extract %reduce_or3A_256[15] : f32 from vector<16xf32>
          %reduce_or3A_258 = arith.constant 0.000000e+00 : f32
          %reduce_or3A_259 = arith.cmpf ogt, %reduce_or3A_257, %reduce_or3A_258 : f32
          scf.condition(%reduce_or3A_259) %while3A_241, %while3A_242, %while3A_243, %while3A_244, %while3A_245, %while3A_246, %while3A_247, %while3A_248, %while3A_249 : vector<16xi1>, vector<16xf32>, vector<16xf32>, vector<16xf32>, vector<16xf32>, vector<16xf32>, vector<16xf32>, vector<16xf32>, vector<16xf32>
        } do {
        ^bb0(%while3A_241: vector<16xi1>, %while3A_242: vector<16xf32>, %while3A_243: vector<16xf32>, %while3A_244: vector<16xf32>, %while3A_245: vector<16xf32>, %while3A_246: vector<16xf32>, %while3A_247: vector<16xf32>, %while3A_248: vector<16xf32>, %while3A_249: vector<16xf32>):
          %all_reduce_ffs3A_250 = tpu.all_reduce %while3A_241 {dim = 0 : i64, kind = #tpu.reduction_kind<find_first_set>} : vector<16xi1> -> vector<16xi32>
          %mul3A_251 = arith.constant 16 : i32
          %mul3A_252 = vector.broadcast %mul3A_251 : i32 to vector<16xi32>
          %mul3A_253 = arith.muli %all_reduce_ffs3A, %mul3A_252 : vector<16xi32>
          %add3A_254 = arith.addi %mul3A_253, %all_reduce_ffs3A_250 : vector<16xi32>
          %gather3A_255 = tpu.vector_load_idx %arg8[%broadcast_in_dim3A_190, %add3A_254] : memref<32x256xf32, #tpu.memory_space<vmem>>[vector<16xi32>, vector<16xi32>], vector<16xf32>,
          %mul3A_256 = arith.constant 128 : i32
          %mul3A_257 = vector.broadcast %mul3A_256 : i32 to vector<16xi32>
          %mul3A_258 = arith.muli %add3A_254, %mul3A_257 : vector<16xi32>
          %add3A_259 = arith.constant 0 : i32
          %add3A_260 = vector.broadcast %add3A_259 : i32 to vector<16xi32>
          %add3A_261 = arith.addi %mul3A_258, %add3A_260 : vector<16xi32>
          %add3A_262 = arith.addi %add3A_261, %iota3A : vector<16xi32>
          %gather3A_263 = tpu.vector_load_idx %arg6[%add3A_262] : memref<32768xf32, #tpu.memory_space<vmem>>[vector<16xi32>], vector<16xf32>,
          %mul3A_264 = arith.mulf %gather3A_255, %gather3A_263 : vector<16xf32>
          %max3A = arith.maximumf %while3A_242, %mul3A_264 : vector<16xf32>
          %add3A_265 = arith.constant 16 : i32
          %add3A_266 = vector.broadcast %add3A_265 : i32 to vector<16xi32>
          %add3A_267 = arith.addi %mul3A_258, %add3A_266 : vector<16xi32>
          %add3A_268 = arith.addi %add3A_267, %iota3A : vector<16xi32>
          %gather3A_269 = tpu.vector_load_idx %arg6[%add3A_268] : memref<32768xf32, #tpu.memory_space<vmem>>[vector<16xi32>], vector<16xf32>,
          %mul3A_270 = arith.mulf %gather3A_255, %gather3A_269 : vector<16xf32>
          %max3A_271 = arith.maximumf %while3A_243, %mul3A_270 : vector<16xf32>
          %add3A_272 = arith.constant 32 : i32
          %add3A_273 = vector.broadcast %add3A_272 : i32 to vector<16xi32>
          %add3A_274 = arith.addi %mul3A_258, %add3A_273 : vector<16xi32>
          %add3A_275 = arith.addi %add3A_274, %iota3A : vector<16xi32>
          %gather3A_276 = tpu.vector_load_idx %arg6[%add3A_275] : memref<32768xf32, #tpu.memory_space<vmem>>[vector<16xi32>], vector<16xf32>,
          %mul3A_277 = arith.mulf %gather3A_255, %gather3A_276 : vector<16xf32>
          %max3A_278 = arith.maximumf %while3A_244, %mul3A_277 : vector<16xf32>
          %add3A_279 = arith.constant 48 : i32
          %add3A_280 = vector.broadcast %add3A_279 : i32 to vector<16xi32>
          %add3A_281 = arith.addi %mul3A_258, %add3A_280 : vector<16xi32>
          %add3A_282 = arith.addi %add3A_281, %iota3A : vector<16xi32>
          %gather3A_283 = tpu.vector_load_idx %arg6[%add3A_282] : memref<32768xf32, #tpu.memory_space<vmem>>[vector<16xi32>], vector<16xf32>,
          %mul3A_284 = arith.mulf %gather3A_255, %gather3A_283 : vector<16xf32>
          %max3A_285 = arith.maximumf %while3A_245, %mul3A_284 : vector<16xf32>
          %add3A_286 = arith.constant 64 : i32
          %add3A_287 = vector.broadcast %add3A_286 : i32 to vector<16xi32>
          %add3A_288 = arith.addi %mul3A_258, %add3A_287 : vector<16xi32>
          %add3A_289 = arith.addi %add3A_288, %iota3A : vector<16xi32>
          %gather3A_290 = tpu.vector_load_idx %arg6[%add3A_289] : memref<32768xf32, #tpu.memory_space<vmem>>[vector<16xi32>], vector<16xf32>,
          %mul3A_291 = arith.mulf %gather3A_255, %gather3A_290 : vector<16xf32>
          %max3A_292 = arith.maximumf %while3A_246, %mul3A_291 : vector<16xf32>
          %add3A_293 = arith.constant 80 : i32
          %add3A_294 = vector.broadcast %add3A_293 : i32 to vector<16xi32>
          %add3A_295 = arith.addi %mul3A_258, %add3A_294 : vector<16xi32>
          %add3A_296 = arith.addi %add3A_295, %iota3A : vector<16xi32>
          %gather3A_297 = tpu.vector_load_idx %arg6[%add3A_296] : memref<32768xf32, #tpu.memory_space<vmem>>[vector<16xi32>], vector<16xf32>,
          %mul3A_298 = arith.mulf %gather3A_255, %gather3A_297 : vector<16xf32>
          %max3A_299 = arith.maximumf %while3A_247, %mul3A_298 : vector<16xf32>
          %add3A_300 = arith.constant 96 : i32
          %add3A_301 = vector.broadcast %add3A_300 : i32 to vector<16xi32>
          %add3A_302 = arith.addi %mul3A_258, %add3A_301 : vector<16xi32>
          %add3A_303 = arith.addi %add3A_302, %iota3A : vector<16xi32>
          %gather3A_304 = tpu.vector_load_idx %arg6[%add3A_303] : memref<32768xf32, #tpu.memory_space<vmem>>[vector<16xi32>], vector<16xf32>,
          %mul3A_305 = arith.mulf %gather3A_255, %gather3A_304 : vector<16xf32>
          %max3A_306 = arith.maximumf %while3A_248, %mul3A_305 : vector<16xf32>
          %add3A_307 = arith.constant 112 : i32
          %add3A_308 = vector.broadcast %add3A_307 : i32 to vector<16xi32>
          %add3A_309 = arith.addi %mul3A_258, %add3A_308 : vector<16xi32>
          %add3A_310 = arith.addi %add3A_309, %iota3A : vector<16xi32>
          %gather3A_311 = tpu.vector_load_idx %arg6[%add3A_310] : memref<32768xf32, #tpu.memory_space<vmem>>[vector<16xi32>], vector<16xf32>,
          %mul3A_312 = arith.mulf %gather3A_255, %gather3A_311 : vector<16xf32>
          %max3A_313 = arith.maximumf %while3A_249, %mul3A_312 : vector<16xf32>
          %ne3A_314 = arith.cmpi ne, %iota3A, %all_reduce_ffs3A_250 : vector<16xi32>
          %and3A_315 = arith.andi %while3A_241, %ne3A_314 : vector<16xi1>
          scf.yield %and3A_315, %max3A, %max3A_271, %max3A_278, %max3A_285, %max3A_292, %max3A_299, %max3A_306, %max3A_313 : vector<16xi1>, vector<16xf32>, vector<16xf32>, vector<16xf32>, vector<16xf32>, vector<16xf32>, vector<16xf32>, vector<16xf32>, vector<16xf32>
        }
        %ne3A_240 = arith.cmpi ne, %iota3A, %all_reduce_ffs3A : vector<16xi32>
        %and3A = arith.andi %while3A_224, %ne3A_240 : vector<16xi1>
        scf.yield %and3A, %while3A_239#1, %while3A_239#2, %while3A_239#3, %while3A_239#4, %while3A_239#5, %while3A_239#6, %while3A_239#7, %while3A_239#8 : vector<16xi1>, vector<16xf32>, vector<16xf32>, vector<16xf32>, vector<16xf32>, vector<16xf32>, vector<16xf32>, vector<16xf32>, vector<16xf32>
      }
      %swap3A = arith.index_cast %scan3A_188 : i32 to index
      %swap3A_196 = arith.constant 0 : index
      %swap3A_197 = tpu.vector_load %arg11[%swap3A, %swap3A_196] {strides = array<i32>} : memref<32x64xf32, #tpu.memory_space<vmem>>, vector<16xf32>,
      tpu.vector_store %arg11[%swap3A, %swap3A_196], %while3A#1 {strides = array<i32>} : memref<32x64xf32, #tpu.memory_space<vmem>>, vector<16xf32>,
      %swap3A_198 = arith.index_cast %scan3A_188 : i32 to index
      %swap3A_199 = arith.constant 16 : index
      %swap3A_200 = tpu.vector_load %arg11[%swap3A_198, %swap3A_199] {strides = array<i32>} : memref<32x64xf32, #tpu.memory_space<vmem>>, vector<16xf32>,
      tpu.vector_store %arg11[%swap3A_198, %swap3A_199], %while3A#2 {strides = array<i32>} : memref<32x64xf32, #tpu.memory_space<vmem>>, vector<16xf32>,
      %swap3A_201 = arith.index_cast %scan3A_188 : i32 to index
      %swap3A_202 = arith.constant 32 : index
      %swap3A_203 = tpu.vector_load %arg11[%swap3A_201, %swap3A_202] {strides = array<i32>} : memref<32x64xf32, #tpu.memory_space<vmem>>, vector<16xf32>,
      tpu.vector_store %arg11[%swap3A_201, %swap3A_202], %while3A#3 {strides = array<i32>} : memref<32x64xf32, #tpu.memory_space<vmem>>, vector<16xf32>,
      %swap3A_204 = arith.index_cast %scan3A_188 : i32 to index
      %swap3A_205 = arith.constant 48 : index
      %swap3A_206 = tpu.vector_load %arg11[%swap3A_204, %swap3A_205] {strides = array<i32>} : memref<32x64xf32, #tpu.memory_space<vmem>>, vector<16xf32>,
      tpu.vector_store %arg11[%swap3A_204, %swap3A_205], %while3A#4 {strides = array<i32>} : memref<32x64xf32, #tpu.memory_space<vmem>>, vector<16xf32>,
      %swap3A_207 = arith.index_cast %scan3A_188 : i32 to index
      %swap3A_208 = arith.constant 0 : index
      %swap3A_209 = tpu.vector_load %arg12[%swap3A_207, %swap3A_208] {strides = array<i32>} : memref<32x64xf32, #tpu.memory_space<vmem>>, vector<16xf32>,
      tpu.vector_store %arg12[%swap3A_207, %swap3A_208], %while3A#5 {strides = array<i32>} : memref<32x64xf32, #tpu.memory_space<vmem>>, vector<16xf32>,
      %swap3A_210 = arith.index_cast %scan3A_188 : i32 to index
      %swap3A_211 = arith.constant 16 : index
      %swap3A_212 = tpu.vector_load %arg12[%swap3A_210, %swap3A_211] {strides = array<i32>} : memref<32x64xf32, #tpu.memory_space<vmem>>, vector<16xf32>,
      tpu.vector_store %arg12[%swap3A_210, %swap3A_211], %while3A#6 {strides = array<i32>} : memref<32x64xf32, #tpu.memory_space<vmem>>, vector<16xf32>,
      %swap3A_213 = arith.index_cast %scan3A_188 : i32 to index
      %swap3A_214 = arith.constant 32 : index
      %swap3A_215 = tpu.vector_load %arg12[%swap3A_213, %swap3A_214] {strides = array<i32>} : memref<32x64xf32, #tpu.memory_space<vmem>>, vector<16xf32>,
      tpu.vector_store %arg12[%swap3A_213, %swap3A_214], %while3A#7 {strides = array<i32>} : memref<32x64xf32, #tpu.memory_space<vmem>>, vector<16xf32>,
      %swap3A_216 = arith.index_cast %scan3A_188 : i32 to index
      %swap3A_217 = arith.constant 48 : index
      %swap3A_218 = tpu.vector_load %arg12[%swap3A_216, %swap3A_217] {strides = array<i32>} : memref<32x64xf32, #tpu.memory_space<vmem>>, vector<16xf32>,
      tpu.vector_store %arg12[%swap3A_216, %swap3A_217], %while3A#8 {strides = array<i32>} : memref<32x64xf32, #tpu.memory_space<vmem>>, vector<16xf32>,
      %mul3A_219 = arith.constant 16 : i32
      %mul3A_220 = arith.muli %scan3A_188, %mul3A_219 : i32
      %swap3A_221 = arith.index_cast %mul3A_220 : i32 to index
      %swap3A_222 = tpu.vector_load %arg13[%swap3A_221] {strides = array<i32>} : memref<512xi32, #tpu.memory_space<vmem>>, vector<16xi32>,
      tpu.vector_store %arg13[%swap3A_221], %add3A_193 {strides = array<i32>} : memref<512xi32, #tpu.memory_space<vmem>>, vector<16xi32>,
      %scan3A_223 = arith.constant 0 : i32
      scf.yield %scan3A_223 : i32
    }
    %scan3A_33 = arith.constant 32 : i32
    %dma_start3A_34 = arith.constant 65536 : i32
    %dma_start3A_35 = tpu.memref_slice %arg3[%dma_start3A_34] : memref<262144xf32, #tpu.memory_space<hbm>> -> memref<32768xf32, #tpu.memory_space<hbm>>
    %dma_start3A_36 = arith.constant 65536 : i32
    %dma_start3A_37 = tpu.memref_slice %arg3[%dma_start3A_36] : memref<262144xf32, #tpu.memory_space<hbm>> -> memref<32768xf32, #tpu.memory_space<hbm>>
    tpu.enqueue_dma source(%dma_start3A_37 : memref<32768xf32, #tpu.memory_space<hbm>>) target(%arg6 : memref<32768xf32, #tpu.memory_space<vmem>>) target_semaphore(%arg14 : memref<!tpu.dma_semaphore, #tpu.memory_space<semaphore_mem>>)
    %dma_start3A_38 = arith.constant 512 : i32
    %dma_start3A_39 = tpu.memref_slice %arg2[%mul3A_2, %dma_start3A_38] : memref<2048x2048xf32, #tpu.memory_space<hbm>> -> memref<32x256xf32, #tpu.memory_space<hbm>>
    %dma_start3A_40 = arith.constant 512 : i32
    %dma_start3A_41 = tpu.memref_slice %arg2[%mul3A_2, %dma_start3A_40] : memref<2048x2048xf32, #tpu.memory_space<hbm>> -> memref<32x256xf32, #tpu.memory_space<hbm>>
    tpu.enqueue_dma source(%dma_start3A_41 : memref<32x256xf32, #tpu.memory_space<hbm>>) target(%arg8 : memref<32x256xf32, #tpu.memory_space<vmem>>) target_semaphore(%arg14 : memref<!tpu.dma_semaphore, #tpu.memory_space<semaphore_mem>>)
    %dma_wait3A_42 = arith.constant 32768 : i32
    %dma_wait3A_43 = tpu.memref_slice %arg3[%dma_wait3A_42] : memref<262144xf32, #tpu.memory_space<hbm>> -> memref<32768xf32, #tpu.memory_space<hbm>>
    %dma_wait3A_44 = arith.constant 32768 : i32
    %dma_wait3A_45 = tpu.memref_slice %arg3[%dma_wait3A_44] : memref<262144xf32, #tpu.memory_space<hbm>> -> memref<32768xf32, #tpu.memory_space<hbm>>
    tpu.wait_dma2 semaphore(%arg15 : memref<!tpu.dma_semaphore, #tpu.memory_space<semaphore_mem>>) src(%dma_wait3A_45 : memref<32768xf32, #tpu.memory_space<hbm>>) dst(%arg7 : memref<32768xf32, #tpu.memory_space<vmem>>)
    %dma_wait3A_46 = arith.constant 256 : i32
    %dma_wait3A_47 = tpu.memref_slice %arg2[%mul3A_2, %dma_wait3A_46] : memref<2048x2048xf32, #tpu.memory_space<hbm>> -> memref<32x256xf32, #tpu.memory_space<hbm>>
    %dma_wait3A_48 = arith.constant 256 : i32
    %dma_wait3A_49 = tpu.memref_slice %arg2[%mul3A_2, %dma_wait3A_48] : memref<2048x2048xf32, #tpu.memory_space<hbm>> -> memref<32x256xf32, #tpu.memory_space<hbm>>
    tpu.wait_dma2 semaphore(%arg15 : memref<!tpu.dma_semaphore, #tpu.memory_space<semaphore_mem>>) src(%dma_wait3A_49 : memref<32x256xf32, #tpu.memory_space<hbm>>) dst(%arg9 : memref<32x256xf32, #tpu.memory_space<vmem>>)
    %scan3A_50 = arith.constant 0 : i32
    %scan3A_51 = arith.constant 0 : i32
    %scan3A_52 = arith.constant 32 : i32
    %scan3A_53 = arith.addi %scan3A_51, %scan3A_52 : i32
    %scan3A_54 = arith.constant 1 : i32
    %scan3A_55 = scf.for %scan3A_188 = %scan3A_51 to %scan3A_53 step %scan3A_54 iter_args(%scan3A_189 = %scan3A_50) -> (i32)  : i32 {
      %broadcast_in_dim3A_190 = vector.broadcast %scan3A_188 : i32 to vector<16xi32>
      %get3A = arith.index_cast %scan3A_188 : i32 to index
      %get3A_191 = arith.constant 0 : index
      %get3A_192 = tpu.vector_load %arg11[%get3A, %get3A_191] {strides = array<i32>} : memref<32x64xf32, #tpu.memory_space<vmem>>, vector<16xf32>,
      %get3A_193 = arith.index_cast %scan3A_188 : i32 to index
      %get3A_194 = arith.constant 16 : index
      %get3A_195 = tpu.vector_load %arg11[%get3A_193, %get3A_194] {strides = array<i32>} : memref<32x64xf32, #tpu.memory_space<vmem>>, vector<16xf32>,
      %get3A_196 = arith.index_cast %scan3A_188 : i32 to index
      %get3A_197 = arith.constant 32 : index
      %get3A_198 = tpu.vector_load %arg11[%get3A_196, %get3A_197] {strides = array<i32>} : memref<32x64xf32, #tpu.memory_space<vmem>>, vector<16xf32>,
      %get3A_199 = arith.index_cast %scan3A_188 : i32 to index
      %get3A_200 = arith.constant 48 : index
      %get3A_201 = tpu.vector_load %arg11[%get3A_199, %get3A_200] {strides = array<i32>} : memref<32x64xf32, #tpu.memory_space<vmem>>, vector<16xf32>,
      %get3A_202 = arith.index_cast %scan3A_188 : i32 to index
      %get3A_203 = arith.constant 0 : index
      %get3A_204 = tpu.vector_load %arg12[%get3A_202, %get3A_203] {strides = array<i32>} : memref<32x64xf32, #tpu.memory_space<vmem>>, vector<16xf32>,
      %get3A_205 = arith.index_cast %scan3A_188 : i32 to index
      %get3A_206 = arith.constant 16 : index
      %get3A_207 = tpu.vector_load %arg12[%get3A_205, %get3A_206] {strides = array<i32>} : memref<32x64xf32, #tpu.memory_space<vmem>>, vector<16xf32>,
      %get3A_208 = arith.index_cast %scan3A_188 : i32 to index
      %get3A_209 = arith.constant 32 : index
      %get3A_210 = tpu.vector_load %arg12[%get3A_208, %get3A_209] {strides = array<i32>} : memref<32x64xf32, #tpu.memory_space<vmem>>, vector<16xf32>,
      %get3A_211 = arith.index_cast %scan3A_188 : i32 to index
      %get3A_212 = arith.constant 48 : index
      %get3A_213 = tpu.vector_load %arg12[%get3A_211, %get3A_212] {strides = array<i32>} : memref<32x64xf32, #tpu.memory_space<vmem>>, vector<16xf32>,
      %mul3A_214 = arith.constant 16 : i32
      %mul3A_215 = arith.muli %scan3A_188, %mul3A_214 : i32
      %get3A_216 = arith.index_cast %mul3A_215 : i32 to index
      %get3A_217 = tpu.vector_load %arg13[%get3A_216] {strides = array<i32>} : memref<512xi32, #tpu.memory_space<vmem>>, vector<16xi32>,
      %get3A_218 = arith.index_cast %scan3A_188 : i32 to index
      %get3A_219 = arith.constant 16 : index
      %get3A_220 = tpu.vector_load %arg10[%get3A_218, %get3A_219] {strides = array<i32>} : memref<32x128xi32, #tpu.memory_space<vmem>>, vector<16xi32>,
      %add3A_221 = arith.addi %get3A_217, %get3A_220 : vector<16xi32>
      %gt3A = arith.constant 0 : i32
      %gt3A_222 = vector.broadcast %gt3A : i32 to vector<16xi32>
      %gt3A_223 = arith.cmpi sgt, %get3A_220, %gt3A_222 : vector<16xi32>
      %while3A:9 = scf.while (%while3A_252 = %gt3A_223, %while3A_253 = %get3A_192, %while3A_254 = %get3A_195, %while3A_255 = %get3A_198, %while3A_256 = %get3A_201, %while3A_257 = %get3A_204, %while3A_258 = %get3A_207, %while3A_259 = %get3A_210, %while3A_260 = %get3A_213) : (vector<16xi1>, vector<16xf32>, vector<16xf32>, vector<16xf32>, vector<16xf32>, vector<16xf32>, vector<16xf32>, vector<16xf32>, vector<16xf32>) -> (vector<16xi1>, vector<16xf32>, vector<16xf32>, vector<16xf32>, vector<16xf32>, vector<16xf32>, vector<16xf32>, vector<16xf32>, vector<16xf32>) {
        %reduce_or3A = arith.constant 1.000000e+00 : f32
        %reduce_or3A_261 = arith.constant 0.000000e+00 : f32
        %reduce_or3A_262 = vector.broadcast %reduce_or3A : f32 to vector<16xf32>
        %reduce_or3A_263 = vector.broadcast %reduce_or3A_261 : f32 to vector<16xf32>
        %reduce_or3A_264 = arith.select %while3A_252, %reduce_or3A_262, %reduce_or3A_263 : vector<16xi1>, vector<16xf32>
        %reduce_or3A_265 = arith.constant true
        %reduce_or3A_266 = vector.broadcast %reduce_or3A_265 : i1 to vector<16xi1>
        %reduce_or3A_267 = tpu.scan <max>, %reduce_or3A_264 masked %reduce_or3A_266 : vector<16xf32>, vector<16xi1> -> vector<16xf32>
        %reduce_or3A_268 = vector.extract %reduce_or3A_267[15] : f32 from vector<16xf32>
        %reduce_or3A_269 = arith.constant 0.000000e+00 : f32
        %reduce_or3A_270 = arith.cmpf ogt, %reduce_or3A_268, %reduce_or3A_269 : f32
        scf.condition(%reduce_or3A_270) %while3A_252, %while3A_253, %while3A_254, %while3A_255, %while3A_256, %while3A_257, %while3A_258, %while3A_259, %while3A_260 : vector<16xi1>, vector<16xf32>, vector<16xf32>, vector<16xf32>, vector<16xf32>, vector<16xf32>, vector<16xf32>, vector<16xf32>, vector<16xf32>
      } do {
      ^bb0(%while3A_252: vector<16xi1>, %while3A_253: vector<16xf32>, %while3A_254: vector<16xf32>, %while3A_255: vector<16xf32>, %while3A_256: vector<16xf32>, %while3A_257: vector<16xf32>, %while3A_258: vector<16xf32>, %while3A_259: vector<16xf32>, %while3A_260: vector<16xf32>):
        %all_reduce_ffs3A = tpu.all_reduce %while3A_252 {dim = 0 : i64, kind = #tpu.reduction_kind<find_first_set>} : vector<16xi1> -> vector<16xi32>
        %mul3A_261 = arith.constant 16 : i32
        %mul3A_262 = vector.broadcast %mul3A_261 : i32 to vector<16xi32>
        %mul3A_263 = arith.muli %all_reduce_ffs3A, %mul3A_262 : vector<16xi32>
        %add3A_264 = arith.addi %mul3A_263, %iota3A : vector<16xi32>
        %gather3A = tpu.vector_load_idx %arg9[%broadcast_in_dim3A_190, %add3A_264] : memref<32x256xf32, #tpu.memory_space<vmem>>[vector<16xi32>, vector<16xi32>], vector<16xf32>,
        %ne3A = arith.constant 0.000000e+00 : f32
        %ne3A_265 = vector.broadcast %ne3A : f32 to vector<16xf32>
        %ne3A_266 = arith.cmpf one, %gather3A, %ne3A_265 : vector<16xf32>
        %while3A_267:9 = scf.while (%while3A_269 = %ne3A_266, %while3A_270 = %while3A_253, %while3A_271 = %while3A_254, %while3A_272 = %while3A_255, %while3A_273 = %while3A_256, %while3A_274 = %while3A_257, %while3A_275 = %while3A_258, %while3A_276 = %while3A_259, %while3A_277 = %while3A_260) : (vector<16xi1>, vector<16xf32>, vector<16xf32>, vector<16xf32>, vector<16xf32>, vector<16xf32>, vector<16xf32>, vector<16xf32>, vector<16xf32>) -> (vector<16xi1>, vector<16xf32>, vector<16xf32>, vector<16xf32>, vector<16xf32>, vector<16xf32>, vector<16xf32>, vector<16xf32>, vector<16xf32>) {
          %reduce_or3A = arith.constant 1.000000e+00 : f32
          %reduce_or3A_278 = arith.constant 0.000000e+00 : f32
          %reduce_or3A_279 = vector.broadcast %reduce_or3A : f32 to vector<16xf32>
          %reduce_or3A_280 = vector.broadcast %reduce_or3A_278 : f32 to vector<16xf32>
          %reduce_or3A_281 = arith.select %while3A_269, %reduce_or3A_279, %reduce_or3A_280 : vector<16xi1>, vector<16xf32>
          %reduce_or3A_282 = arith.constant true
          %reduce_or3A_283 = vector.broadcast %reduce_or3A_282 : i1 to vector<16xi1>
          %reduce_or3A_284 = tpu.scan <max>, %reduce_or3A_281 masked %reduce_or3A_283 : vector<16xf32>, vector<16xi1> -> vector<16xf32>
          %reduce_or3A_285 = vector.extract %reduce_or3A_284[15] : f32 from vector<16xf32>
          %reduce_or3A_286 = arith.constant 0.000000e+00 : f32
          %reduce_or3A_287 = arith.cmpf ogt, %reduce_or3A_285, %reduce_or3A_286 : f32
          scf.condition(%reduce_or3A_287) %while3A_269, %while3A_270, %while3A_271, %while3A_272, %while3A_273, %while3A_274, %while3A_275, %while3A_276, %while3A_277 : vector<16xi1>, vector<16xf32>, vector<16xf32>, vector<16xf32>, vector<16xf32>, vector<16xf32>, vector<16xf32>, vector<16xf32>, vector<16xf32>
        } do {
        ^bb0(%while3A_269: vector<16xi1>, %while3A_270: vector<16xf32>, %while3A_271: vector<16xf32>, %while3A_272: vector<16xf32>, %while3A_273: vector<16xf32>, %while3A_274: vector<16xf32>, %while3A_275: vector<16xf32>, %while3A_276: vector<16xf32>, %while3A_277: vector<16xf32>):
          %all_reduce_ffs3A_278 = tpu.all_reduce %while3A_269 {dim = 0 : i64, kind = #tpu.reduction_kind<find_first_set>} : vector<16xi1> -> vector<16xi32>
          %mul3A_279 = arith.constant 16 : i32
          %mul3A_280 = vector.broadcast %mul3A_279 : i32 to vector<16xi32>
          %mul3A_281 = arith.muli %all_reduce_ffs3A, %mul3A_280 : vector<16xi32>
          %add3A_282 = arith.addi %mul3A_281, %all_reduce_ffs3A_278 : vector<16xi32>
          %gather3A_283 = tpu.vector_load_idx %arg9[%broadcast_in_dim3A_190, %add3A_282] : memref<32x256xf32, #tpu.memory_space<vmem>>[vector<16xi32>, vector<16xi32>], vector<16xf32>,
          %mul3A_284 = arith.constant 128 : i32
          %mul3A_285 = vector.broadcast %mul3A_284 : i32 to vector<16xi32>
          %mul3A_286 = arith.muli %add3A_282, %mul3A_285 : vector<16xi32>
          %add3A_287 = arith.constant 0 : i32
          %add3A_288 = vector.broadcast %add3A_287 : i32 to vector<16xi32>
          %add3A_289 = arith.addi %mul3A_286, %add3A_288 : vector<16xi32>
          %add3A_290 = arith.addi %add3A_289, %iota3A : vector<16xi32>
          %gather3A_291 = tpu.vector_load_idx %arg7[%add3A_290] : memref<32768xf32, #tpu.memory_space<vmem>>[vector<16xi32>], vector<16xf32>,
          %mul3A_292 = arith.mulf %gather3A_283, %gather3A_291 : vector<16xf32>
          %max3A = arith.maximumf %while3A_270, %mul3A_292 : vector<16xf32>
          %add3A_293 = arith.constant 16 : i32
          %add3A_294 = vector.broadcast %add3A_293 : i32 to vector<16xi32>
          %add3A_295 = arith.addi %mul3A_286, %add3A_294 : vector<16xi32>
          %add3A_296 = arith.addi %add3A_295, %iota3A : vector<16xi32>
          %gather3A_297 = tpu.vector_load_idx %arg7[%add3A_296] : memref<32768xf32, #tpu.memory_space<vmem>>[vector<16xi32>], vector<16xf32>,
          %mul3A_298 = arith.mulf %gather3A_283, %gather3A_297 : vector<16xf32>
          %max3A_299 = arith.maximumf %while3A_271, %mul3A_298 : vector<16xf32>
          %add3A_300 = arith.constant 32 : i32
          %add3A_301 = vector.broadcast %add3A_300 : i32 to vector<16xi32>
          %add3A_302 = arith.addi %mul3A_286, %add3A_301 : vector<16xi32>
          %add3A_303 = arith.addi %add3A_302, %iota3A : vector<16xi32>
          %gather3A_304 = tpu.vector_load_idx %arg7[%add3A_303] : memref<32768xf32, #tpu.memory_space<vmem>>[vector<16xi32>], vector<16xf32>,
          %mul3A_305 = arith.mulf %gather3A_283, %gather3A_304 : vector<16xf32>
          %max3A_306 = arith.maximumf %while3A_272, %mul3A_305 : vector<16xf32>
          %add3A_307 = arith.constant 48 : i32
          %add3A_308 = vector.broadcast %add3A_307 : i32 to vector<16xi32>
          %add3A_309 = arith.addi %mul3A_286, %add3A_308 : vector<16xi32>
          %add3A_310 = arith.addi %add3A_309, %iota3A : vector<16xi32>
          %gather3A_311 = tpu.vector_load_idx %arg7[%add3A_310] : memref<32768xf32, #tpu.memory_space<vmem>>[vector<16xi32>], vector<16xf32>,
          %mul3A_312 = arith.mulf %gather3A_283, %gather3A_311 : vector<16xf32>
          %max3A_313 = arith.maximumf %while3A_273, %mul3A_312 : vector<16xf32>
          %add3A_314 = arith.constant 64 : i32
          %add3A_315 = vector.broadcast %add3A_314 : i32 to vector<16xi32>
          %add3A_316 = arith.addi %mul3A_286, %add3A_315 : vector<16xi32>
          %add3A_317 = arith.addi %add3A_316, %iota3A : vector<16xi32>
          %gather3A_318 = tpu.vector_load_idx %arg7[%add3A_317] : memref<32768xf32, #tpu.memory_space<vmem>>[vector<16xi32>], vector<16xf32>,
          %mul3A_319 = arith.mulf %gather3A_283, %gather3A_318 : vector<16xf32>
          %max3A_320 = arith.maximumf %while3A_274, %mul3A_319 : vector<16xf32>
          %add3A_321 = arith.constant 80 : i32
          %add3A_322 = vector.broadcast %add3A_321 : i32 to vector<16xi32>
          %add3A_323 = arith.addi %mul3A_286, %add3A_322 : vector<16xi32>
          %add3A_324 = arith.addi %add3A_323, %iota3A : vector<16xi32>
          %gather3A_325 = tpu.vector_load_idx %arg7[%add3A_324] : memref<32768xf32, #tpu.memory_space<vmem>>[vector<16xi32>], vector<16xf32>,
          %mul3A_326 = arith.mulf %gather3A_283, %gather3A_325 : vector<16xf32>
          %max3A_327 = arith.maximumf %while3A_275, %mul3A_326 : vector<16xf32>
          %add3A_328 = arith.constant 96 : i32
          %add3A_329 = vector.broadcast %add3A_328 : i32 to vector<16xi32>
          %add3A_330 = arith.addi %mul3A_286, %add3A_329 : vector<16xi32>
          %add3A_331 = arith.addi %add3A_330, %iota3A : vector<16xi32>
          %gather3A_332 = tpu.vector_load_idx %arg7[%add3A_331] : memref<32768xf32, #tpu.memory_space<vmem>>[vector<16xi32>], vector<16xf32>,
          %mul3A_333 = arith.mulf %gather3A_283, %gather3A_332 : vector<16xf32>
          %max3A_334 = arith.maximumf %while3A_276, %mul3A_333 : vector<16xf32>
          %add3A_335 = arith.constant 112 : i32
          %add3A_336 = vector.broadcast %add3A_335 : i32 to vector<16xi32>
          %add3A_337 = arith.addi %mul3A_286, %add3A_336 : vector<16xi32>
          %add3A_338 = arith.addi %add3A_337, %iota3A : vector<16xi32>
          %gather3A_339 = tpu.vector_load_idx %arg7[%add3A_338] : memref<32768xf32, #tpu.memory_space<vmem>>[vector<16xi32>], vector<16xf32>,
          %mul3A_340 = arith.mulf %gather3A_283, %gather3A_339 : vector<16xf32>
          %max3A_341 = arith.maximumf %while3A_277, %mul3A_340 : vector<16xf32>
          %ne3A_342 = arith.cmpi ne, %iota3A, %all_reduce_ffs3A_278 : vector<16xi32>
          %and3A_343 = arith.andi %while3A_269, %ne3A_342 : vector<16xi1>
          scf.yield %and3A_343, %max3A, %max3A_299, %max3A_306, %max3A_313, %max3A_320, %max3A_327, %max3A_334, %max3A_341 : vector<16xi1>, vector<16xf32>, vector<16xf32>, vector<16xf32>, vector<16xf32>, vector<16xf32>, vector<16xf32>, vector<16xf32>, vector<16xf32>
        }
        %ne3A_268 = arith.cmpi ne, %iota3A, %all_reduce_ffs3A : vector<16xi32>
        %and3A = arith.andi %while3A_252, %ne3A_268 : vector<16xi1>
        scf.yield %and3A, %while3A_267#1, %while3A_267#2, %while3A_267#3, %while3A_267#4, %while3A_267#5, %while3A_267#6, %while3A_267#7, %while3A_267#8 : vector<16xi1>, vector<16xf32>, vector<16xf32>, vector<16xf32>, vector<16xf32>, vector<16xf32>, vector<16xf32>, vector<16xf32>, vector<16xf32>
      }
      %swap3A = arith.index_cast %scan3A_188 : i32 to index
      %swap3A_224 = arith.constant 0 : index
      %swap3A_225 = tpu.vector_load %arg11[%swap3A, %swap3A_224] {strides = array<i32>} : memref<32x64xf32, #tpu.memory_space<vmem>>, vector<16xf32>,
      tpu.vector_store %arg11[%swap3A, %swap3A_224], %while3A#1 {strides = array<i32>} : memref<32x64xf32, #tpu.memory_space<vmem>>, vector<16xf32>,
      %swap3A_226 = arith.index_cast %scan3A_188 : i32 to index
      %swap3A_227 = arith.constant 16 : index
      %swap3A_228 = tpu.vector_load %arg11[%swap3A_226, %swap3A_227] {strides = array<i32>} : memref<32x64xf32, #tpu.memory_space<vmem>>, vector<16xf32>,
      tpu.vector_store %arg11[%swap3A_226, %swap3A_227], %while3A#2 {strides = array<i32>} : memref<32x64xf32, #tpu.memory_space<vmem>>, vector<16xf32>,
      %swap3A_229 = arith.index_cast %scan3A_188 : i32 to index
      %swap3A_230 = arith.constant 32 : index
      %swap3A_231 = tpu.vector_load %arg11[%swap3A_229, %swap3A_230] {strides = array<i32>} : memref<32x64xf32, #tpu.memory_space<vmem>>, vector<16xf32>,
      tpu.vector_store %arg11[%swap3A_229, %swap3A_230], %while3A#3 {strides = array<i32>} : memref<32x64xf32, #tpu.memory_space<vmem>>, vector<16xf32>,
      %swap3A_232 = arith.index_cast %scan3A_188 : i32 to index
      %swap3A_233 = arith.constant 48 : index
      %swap3A_234 = tpu.vector_load %arg11[%swap3A_232, %swap3A_233] {strides = array<i32>} : memref<32x64xf32, #tpu.memory_space<vmem>>, vector<16xf32>,
      tpu.vector_store %arg11[%swap3A_232, %swap3A_233], %while3A#4 {strides = array<i32>} : memref<32x64xf32, #tpu.memory_space<vmem>>, vector<16xf32>,
      %swap3A_235 = arith.index_cast %scan3A_188 : i32 to index
      %swap3A_236 = arith.constant 0 : index
      %swap3A_237 = tpu.vector_load %arg12[%swap3A_235, %swap3A_236] {strides = array<i32>} : memref<32x64xf32, #tpu.memory_space<vmem>>, vector<16xf32>,
      tpu.vector_store %arg12[%swap3A_235, %swap3A_236], %while3A#5 {strides = array<i32>} : memref<32x64xf32, #tpu.memory_space<vmem>>, vector<16xf32>,
      %swap3A_238 = arith.index_cast %scan3A_188 : i32 to index
      %swap3A_239 = arith.constant 16 : index
      %swap3A_240 = tpu.vector_load %arg12[%swap3A_238, %swap3A_239] {strides = array<i32>} : memref<32x64xf32, #tpu.memory_space<vmem>>, vector<16xf32>,
      tpu.vector_store %arg12[%swap3A_238, %swap3A_239], %while3A#6 {strides = array<i32>} : memref<32x64xf32, #tpu.memory_space<vmem>>, vector<16xf32>,
      %swap3A_241 = arith.index_cast %scan3A_188 : i32 to index
      %swap3A_242 = arith.constant 32 : index
      %swap3A_243 = tpu.vector_load %arg12[%swap3A_241, %swap3A_242] {strides = array<i32>} : memref<32x64xf32, #tpu.memory_space<vmem>>, vector<16xf32>,
      tpu.vector_store %arg12[%swap3A_241, %swap3A_242], %while3A#7 {strides = array<i32>} : memref<32x64xf32, #tpu.memory_space<vmem>>, vector<16xf32>,
      %swap3A_244 = arith.index_cast %scan3A_188 : i32 to index
      %swap3A_245 = arith.constant 48 : index
      %swap3A_246 = tpu.vector_load %arg12[%swap3A_244, %swap3A_245] {strides = array<i32>} : memref<32x64xf32, #tpu.memory_space<vmem>>, vector<16xf32>,
      tpu.vector_store %arg12[%swap3A_244, %swap3A_245], %while3A#8 {strides = array<i32>} : memref<32x64xf32, #tpu.memory_space<vmem>>, vector<16xf32>,
      %mul3A_247 = arith.constant 16 : i32
      %mul3A_248 = arith.muli %scan3A_188, %mul3A_247 : i32
      %swap3A_249 = arith.index_cast %mul3A_248 : i32 to index
      %swap3A_250 = tpu.vector_load %arg13[%swap3A_249] {strides = array<i32>} : memref<512xi32, #tpu.memory_space<vmem>>, vector<16xi32>,
      tpu.vector_store %arg13[%swap3A_249], %add3A_221 {strides = array<i32>} : memref<512xi32, #tpu.memory_space<vmem>>, vector<16xi32>,
      %scan3A_251 = arith.constant 0 : i32
      scf.yield %scan3A_251 : i32
    }
    %scan3A_56 = arith.constant 32 : i32
    %dma_start3A_57 = arith.constant 98304 : i32
    %dma_start3A_58 = tpu.memref_slice %arg3[%dma_start3A_57] : memref<262144xf32, #tpu.memory_space<hbm>> -> memref<32768xf32, #tpu.memory_space<hbm>>
    %dma_start3A_59 = arith.constant 98304 : i32
    %dma_start3A_60 = tpu.memref_slice %arg3[%dma_start3A_59] : memref<262144xf32, #tpu.memory_space<hbm>> -> memref<32768xf32, #tpu.memory_space<hbm>>
    tpu.enqueue_dma source(%dma_start3A_60 : memref<32768xf32, #tpu.memory_space<hbm>>) target(%arg7 : memref<32768xf32, #tpu.memory_space<vmem>>) target_semaphore(%arg15 : memref<!tpu.dma_semaphore, #tpu.memory_space<semaphore_mem>>)
    %dma_start3A_61 = arith.constant 768 : i32
    %dma_start3A_62 = tpu.memref_slice %arg2[%mul3A_2, %dma_start3A_61] : memref<2048x2048xf32, #tpu.memory_space<hbm>> -> memref<32x256xf32, #tpu.memory_space<hbm>>
    %dma_start3A_63 = arith.constant 768 : i32
    %dma_start3A_64 = tpu.memref_slice %arg2[%mul3A_2, %dma_start3A_63] : memref<2048x2048xf32, #tpu.memory_space<hbm>> -> memref<32x256xf32, #tpu.memory_space<hbm>>
    tpu.enqueue_dma source(%dma_start3A_64 : memref<32x256xf32, #tpu.memory_space<hbm>>) target(%arg9 : memref<32x256xf32, #tpu.memory_space<vmem>>) target_semaphore(%arg15 : memref<!tpu.dma_semaphore, #tpu.memory_space<semaphore_mem>>)
    %dma_wait3A_65 = arith.constant 65536 : i32
    %dma_wait3A_66 = tpu.memref_slice %arg3[%dma_wait3A_65] : memref<262144xf32, #tpu.memory_space<hbm>> -> memref<32768xf32, #tpu.memory_space<hbm>>
    %dma_wait3A_67 = arith.constant 65536 : i32
    %dma_wait3A_68 = tpu.memref_slice %arg3[%dma_wait3A_67] : memref<262144xf32, #tpu.memory_space<hbm>> -> memref<32768xf32, #tpu.memory_space<hbm>>
    tpu.wait_dma2 semaphore(%arg14 : memref<!tpu.dma_semaphore, #tpu.memory_space<semaphore_mem>>) src(%dma_wait3A_68 : memref<32768xf32, #tpu.memory_space<hbm>>) dst(%arg6 : memref<32768xf32, #tpu.memory_space<vmem>>)
    %dma_wait3A_69 = arith.constant 512 : i32
    %dma_wait3A_70 = tpu.memref_slice %arg2[%mul3A_2, %dma_wait3A_69] : memref<2048x2048xf32, #tpu.memory_space<hbm>> -> memref<32x256xf32, #tpu.memory_space<hbm>>
    %dma_wait3A_71 = arith.constant 512 : i32
    %dma_wait3A_72 = tpu.memref_slice %arg2[%mul3A_2, %dma_wait3A_71] : memref<2048x2048xf32, #tpu.memory_space<hbm>> -> memref<32x256xf32, #tpu.memory_space<hbm>>
    tpu.wait_dma2 semaphore(%arg14 : memref<!tpu.dma_semaphore, #tpu.memory_space<semaphore_mem>>) src(%dma_wait3A_72 : memref<32x256xf32, #tpu.memory_space<hbm>>) dst(%arg8 : memref<32x256xf32, #tpu.memory_space<vmem>>)
    %scan3A_73 = arith.constant 0 : i32
    %scan3A_74 = arith.constant 0 : i32
    %scan3A_75 = arith.constant 32 : i32
    %scan3A_76 = arith.addi %scan3A_74, %scan3A_75 : i32
    %scan3A_77 = arith.constant 1 : i32
    %scan3A_78 = scf.for %scan3A_188 = %scan3A_74 to %scan3A_76 step %scan3A_77 iter_args(%scan3A_189 = %scan3A_73) -> (i32)  : i32 {
      %broadcast_in_dim3A_190 = vector.broadcast %scan3A_188 : i32 to vector<16xi32>
      %get3A = arith.index_cast %scan3A_188 : i32 to index
      %get3A_191 = arith.constant 0 : index
      %get3A_192 = tpu.vector_load %arg11[%get3A, %get3A_191] {strides = array<i32>} : memref<32x64xf32, #tpu.memory_space<vmem>>, vector<16xf32>,
      %get3A_193 = arith.index_cast %scan3A_188 : i32 to index
      %get3A_194 = arith.constant 16 : index
      %get3A_195 = tpu.vector_load %arg11[%get3A_193, %get3A_194] {strides = array<i32>} : memref<32x64xf32, #tpu.memory_space<vmem>>, vector<16xf32>,
      %get3A_196 = arith.index_cast %scan3A_188 : i32 to index
      %get3A_197 = arith.constant 32 : index
      %get3A_198 = tpu.vector_load %arg11[%get3A_196, %get3A_197] {strides = array<i32>} : memref<32x64xf32, #tpu.memory_space<vmem>>, vector<16xf32>,
      %get3A_199 = arith.index_cast %scan3A_188 : i32 to index
      %get3A_200 = arith.constant 48 : index
      %get3A_201 = tpu.vector_load %arg11[%get3A_199, %get3A_200] {strides = array<i32>} : memref<32x64xf32, #tpu.memory_space<vmem>>, vector<16xf32>,
      %get3A_202 = arith.index_cast %scan3A_188 : i32 to index
      %get3A_203 = arith.constant 0 : index
      %get3A_204 = tpu.vector_load %arg12[%get3A_202, %get3A_203] {strides = array<i32>} : memref<32x64xf32, #tpu.memory_space<vmem>>, vector<16xf32>,
      %get3A_205 = arith.index_cast %scan3A_188 : i32 to index
      %get3A_206 = arith.constant 16 : index
      %get3A_207 = tpu.vector_load %arg12[%get3A_205, %get3A_206] {strides = array<i32>} : memref<32x64xf32, #tpu.memory_space<vmem>>, vector<16xf32>,
      %get3A_208 = arith.index_cast %scan3A_188 : i32 to index
      %get3A_209 = arith.constant 32 : index
      %get3A_210 = tpu.vector_load %arg12[%get3A_208, %get3A_209] {strides = array<i32>} : memref<32x64xf32, #tpu.memory_space<vmem>>, vector<16xf32>,
      %get3A_211 = arith.index_cast %scan3A_188 : i32 to index
      %get3A_212 = arith.constant 48 : index
      %get3A_213 = tpu.vector_load %arg12[%get3A_211, %get3A_212] {strides = array<i32>} : memref<32x64xf32, #tpu.memory_space<vmem>>, vector<16xf32>,
      %mul3A_214 = arith.constant 16 : i32
      %mul3A_215 = arith.muli %scan3A_188, %mul3A_214 : i32
      %get3A_216 = arith.index_cast %mul3A_215 : i32 to index
      %get3A_217 = tpu.vector_load %arg13[%get3A_216] {strides = array<i32>} : memref<512xi32, #tpu.memory_space<vmem>>, vector<16xi32>,
      %get3A_218 = arith.index_cast %scan3A_188 : i32 to index
      %get3A_219 = arith.constant 32 : index
      %get3A_220 = tpu.vector_load %arg10[%get3A_218, %get3A_219] {strides = array<i32>} : memref<32x128xi32, #tpu.memory_space<vmem>>, vector<16xi32>,
      %add3A_221 = arith.addi %get3A_217, %get3A_220 : vector<16xi32>
      %gt3A = arith.constant 0 : i32
      %gt3A_222 = vector.broadcast %gt3A : i32 to vector<16xi32>
      %gt3A_223 = arith.cmpi sgt, %get3A_220, %gt3A_222 : vector<16xi32>
      %while3A:9 = scf.while (%while3A_252 = %gt3A_223, %while3A_253 = %get3A_192, %while3A_254 = %get3A_195, %while3A_255 = %get3A_198, %while3A_256 = %get3A_201, %while3A_257 = %get3A_204, %while3A_258 = %get3A_207, %while3A_259 = %get3A_210, %while3A_260 = %get3A_213) : (vector<16xi1>, vector<16xf32>, vector<16xf32>, vector<16xf32>, vector<16xf32>, vector<16xf32>, vector<16xf32>, vector<16xf32>, vector<16xf32>) -> (vector<16xi1>, vector<16xf32>, vector<16xf32>, vector<16xf32>, vector<16xf32>, vector<16xf32>, vector<16xf32>, vector<16xf32>, vector<16xf32>) {
        %reduce_or3A = arith.constant 1.000000e+00 : f32
        %reduce_or3A_261 = arith.constant 0.000000e+00 : f32
        %reduce_or3A_262 = vector.broadcast %reduce_or3A : f32 to vector<16xf32>
        %reduce_or3A_263 = vector.broadcast %reduce_or3A_261 : f32 to vector<16xf32>
        %reduce_or3A_264 = arith.select %while3A_252, %reduce_or3A_262, %reduce_or3A_263 : vector<16xi1>, vector<16xf32>
        %reduce_or3A_265 = arith.constant true
        %reduce_or3A_266 = vector.broadcast %reduce_or3A_265 : i1 to vector<16xi1>
        %reduce_or3A_267 = tpu.scan <max>, %reduce_or3A_264 masked %reduce_or3A_266 : vector<16xf32>, vector<16xi1> -> vector<16xf32>
        %reduce_or3A_268 = vector.extract %reduce_or3A_267[15] : f32 from vector<16xf32>
        %reduce_or3A_269 = arith.constant 0.000000e+00 : f32
        %reduce_or3A_270 = arith.cmpf ogt, %reduce_or3A_268, %reduce_or3A_269 : f32
        scf.condition(%reduce_or3A_270) %while3A_252, %while3A_253, %while3A_254, %while3A_255, %while3A_256, %while3A_257, %while3A_258, %while3A_259, %while3A_260 : vector<16xi1>, vector<16xf32>, vector<16xf32>, vector<16xf32>, vector<16xf32>, vector<16xf32>, vector<16xf32>, vector<16xf32>, vector<16xf32>
      } do {
      ^bb0(%while3A_252: vector<16xi1>, %while3A_253: vector<16xf32>, %while3A_254: vector<16xf32>, %while3A_255: vector<16xf32>, %while3A_256: vector<16xf32>, %while3A_257: vector<16xf32>, %while3A_258: vector<16xf32>, %while3A_259: vector<16xf32>, %while3A_260: vector<16xf32>):
        %all_reduce_ffs3A = tpu.all_reduce %while3A_252 {dim = 0 : i64, kind = #tpu.reduction_kind<find_first_set>} : vector<16xi1> -> vector<16xi32>
        %mul3A_261 = arith.constant 16 : i32
        %mul3A_262 = vector.broadcast %mul3A_261 : i32 to vector<16xi32>
        %mul3A_263 = arith.muli %all_reduce_ffs3A, %mul3A_262 : vector<16xi32>
        %add3A_264 = arith.addi %mul3A_263, %iota3A : vector<16xi32>
        %gather3A = tpu.vector_load_idx %arg8[%broadcast_in_dim3A_190, %add3A_264] : memref<32x256xf32, #tpu.memory_space<vmem>>[vector<16xi32>, vector<16xi32>], vector<16xf32>,
        %ne3A = arith.constant 0.000000e+00 : f32
        %ne3A_265 = vector.broadcast %ne3A : f32 to vector<16xf32>
        %ne3A_266 = arith.cmpf one, %gather3A, %ne3A_265 : vector<16xf32>
        %while3A_267:9 = scf.while (%while3A_269 = %ne3A_266, %while3A_270 = %while3A_253, %while3A_271 = %while3A_254, %while3A_272 = %while3A_255, %while3A_273 = %while3A_256, %while3A_274 = %while3A_257, %while3A_275 = %while3A_258, %while3A_276 = %while3A_259, %while3A_277 = %while3A_260) : (vector<16xi1>, vector<16xf32>, vector<16xf32>, vector<16xf32>, vector<16xf32>, vector<16xf32>, vector<16xf32>, vector<16xf32>, vector<16xf32>) -> (vector<16xi1>, vector<16xf32>, vector<16xf32>, vector<16xf32>, vector<16xf32>, vector<16xf32>, vector<16xf32>, vector<16xf32>, vector<16xf32>) {
          %reduce_or3A = arith.constant 1.000000e+00 : f32
          %reduce_or3A_278 = arith.constant 0.000000e+00 : f32
          %reduce_or3A_279 = vector.broadcast %reduce_or3A : f32 to vector<16xf32>
          %reduce_or3A_280 = vector.broadcast %reduce_or3A_278 : f32 to vector<16xf32>
          %reduce_or3A_281 = arith.select %while3A_269, %reduce_or3A_279, %reduce_or3A_280 : vector<16xi1>, vector<16xf32>
          %reduce_or3A_282 = arith.constant true
          %reduce_or3A_283 = vector.broadcast %reduce_or3A_282 : i1 to vector<16xi1>
          %reduce_or3A_284 = tpu.scan <max>, %reduce_or3A_281 masked %reduce_or3A_283 : vector<16xf32>, vector<16xi1> -> vector<16xf32>
          %reduce_or3A_285 = vector.extract %reduce_or3A_284[15] : f32 from vector<16xf32>
          %reduce_or3A_286 = arith.constant 0.000000e+00 : f32
          %reduce_or3A_287 = arith.cmpf ogt, %reduce_or3A_285, %reduce_or3A_286 : f32
          scf.condition(%reduce_or3A_287) %while3A_269, %while3A_270, %while3A_271, %while3A_272, %while3A_273, %while3A_274, %while3A_275, %while3A_276, %while3A_277 : vector<16xi1>, vector<16xf32>, vector<16xf32>, vector<16xf32>, vector<16xf32>, vector<16xf32>, vector<16xf32>, vector<16xf32>, vector<16xf32>
        } do {
        ^bb0(%while3A_269: vector<16xi1>, %while3A_270: vector<16xf32>, %while3A_271: vector<16xf32>, %while3A_272: vector<16xf32>, %while3A_273: vector<16xf32>, %while3A_274: vector<16xf32>, %while3A_275: vector<16xf32>, %while3A_276: vector<16xf32>, %while3A_277: vector<16xf32>):
          %all_reduce_ffs3A_278 = tpu.all_reduce %while3A_269 {dim = 0 : i64, kind = #tpu.reduction_kind<find_first_set>} : vector<16xi1> -> vector<16xi32>
          %mul3A_279 = arith.constant 16 : i32
          %mul3A_280 = vector.broadcast %mul3A_279 : i32 to vector<16xi32>
          %mul3A_281 = arith.muli %all_reduce_ffs3A, %mul3A_280 : vector<16xi32>
          %add3A_282 = arith.addi %mul3A_281, %all_reduce_ffs3A_278 : vector<16xi32>
          %gather3A_283 = tpu.vector_load_idx %arg8[%broadcast_in_dim3A_190, %add3A_282] : memref<32x256xf32, #tpu.memory_space<vmem>>[vector<16xi32>, vector<16xi32>], vector<16xf32>,
          %mul3A_284 = arith.constant 128 : i32
          %mul3A_285 = vector.broadcast %mul3A_284 : i32 to vector<16xi32>
          %mul3A_286 = arith.muli %add3A_282, %mul3A_285 : vector<16xi32>
          %add3A_287 = arith.constant 0 : i32
          %add3A_288 = vector.broadcast %add3A_287 : i32 to vector<16xi32>
          %add3A_289 = arith.addi %mul3A_286, %add3A_288 : vector<16xi32>
          %add3A_290 = arith.addi %add3A_289, %iota3A : vector<16xi32>
          %gather3A_291 = tpu.vector_load_idx %arg6[%add3A_290] : memref<32768xf32, #tpu.memory_space<vmem>>[vector<16xi32>], vector<16xf32>,
          %mul3A_292 = arith.mulf %gather3A_283, %gather3A_291 : vector<16xf32>
          %max3A = arith.maximumf %while3A_270, %mul3A_292 : vector<16xf32>
          %add3A_293 = arith.constant 16 : i32
          %add3A_294 = vector.broadcast %add3A_293 : i32 to vector<16xi32>
          %add3A_295 = arith.addi %mul3A_286, %add3A_294 : vector<16xi32>
          %add3A_296 = arith.addi %add3A_295, %iota3A : vector<16xi32>
          %gather3A_297 = tpu.vector_load_idx %arg6[%add3A_296] : memref<32768xf32, #tpu.memory_space<vmem>>[vector<16xi32>], vector<16xf32>,
          %mul3A_298 = arith.mulf %gather3A_283, %gather3A_297 : vector<16xf32>
          %max3A_299 = arith.maximumf %while3A_271, %mul3A_298 : vector<16xf32>
          %add3A_300 = arith.constant 32 : i32
          %add3A_301 = vector.broadcast %add3A_300 : i32 to vector<16xi32>
          %add3A_302 = arith.addi %mul3A_286, %add3A_301 : vector<16xi32>
          %add3A_303 = arith.addi %add3A_302, %iota3A : vector<16xi32>
          %gather3A_304 = tpu.vector_load_idx %arg6[%add3A_303] : memref<32768xf32, #tpu.memory_space<vmem>>[vector<16xi32>], vector<16xf32>,
          %mul3A_305 = arith.mulf %gather3A_283, %gather3A_304 : vector<16xf32>
          %max3A_306 = arith.maximumf %while3A_272, %mul3A_305 : vector<16xf32>
          %add3A_307 = arith.constant 48 : i32
          %add3A_308 = vector.broadcast %add3A_307 : i32 to vector<16xi32>
          %add3A_309 = arith.addi %mul3A_286, %add3A_308 : vector<16xi32>
          %add3A_310 = arith.addi %add3A_309, %iota3A : vector<16xi32>
          %gather3A_311 = tpu.vector_load_idx %arg6[%add3A_310] : memref<32768xf32, #tpu.memory_space<vmem>>[vector<16xi32>], vector<16xf32>,
          %mul3A_312 = arith.mulf %gather3A_283, %gather3A_311 : vector<16xf32>
          %max3A_313 = arith.maximumf %while3A_273, %mul3A_312 : vector<16xf32>
          %add3A_314 = arith.constant 64 : i32
          %add3A_315 = vector.broadcast %add3A_314 : i32 to vector<16xi32>
          %add3A_316 = arith.addi %mul3A_286, %add3A_315 : vector<16xi32>
          %add3A_317 = arith.addi %add3A_316, %iota3A : vector<16xi32>
          %gather3A_318 = tpu.vector_load_idx %arg6[%add3A_317] : memref<32768xf32, #tpu.memory_space<vmem>>[vector<16xi32>], vector<16xf32>,
          %mul3A_319 = arith.mulf %gather3A_283, %gather3A_318 : vector<16xf32>
          %max3A_320 = arith.maximumf %while3A_274, %mul3A_319 : vector<16xf32>
          %add3A_321 = arith.constant 80 : i32
          %add3A_322 = vector.broadcast %add3A_321 : i32 to vector<16xi32>
          %add3A_323 = arith.addi %mul3A_286, %add3A_322 : vector<16xi32>
          %add3A_324 = arith.addi %add3A_323, %iota3A : vector<16xi32>
          %gather3A_325 = tpu.vector_load_idx %arg6[%add3A_324] : memref<32768xf32, #tpu.memory_space<vmem>>[vector<16xi32>], vector<16xf32>,
          %mul3A_326 = arith.mulf %gather3A_283, %gather3A_325 : vector<16xf32>
          %max3A_327 = arith.maximumf %while3A_275, %mul3A_326 : vector<16xf32>
          %add3A_328 = arith.constant 96 : i32
          %add3A_329 = vector.broadcast %add3A_328 : i32 to vector<16xi32>
          %add3A_330 = arith.addi %mul3A_286, %add3A_329 : vector<16xi32>
          %add3A_331 = arith.addi %add3A_330, %iota3A : vector<16xi32>
          %gather3A_332 = tpu.vector_load_idx %arg6[%add3A_331] : memref<32768xf32, #tpu.memory_space<vmem>>[vector<16xi32>], vector<16xf32>,
          %mul3A_333 = arith.mulf %gather3A_283, %gather3A_332 : vector<16xf32>
          %max3A_334 = arith.maximumf %while3A_276, %mul3A_333 : vector<16xf32>
          %add3A_335 = arith.constant 112 : i32
          %add3A_336 = vector.broadcast %add3A_335 : i32 to vector<16xi32>
          %add3A_337 = arith.addi %mul3A_286, %add3A_336 : vector<16xi32>
          %add3A_338 = arith.addi %add3A_337, %iota3A : vector<16xi32>
          %gather3A_339 = tpu.vector_load_idx %arg6[%add3A_338] : memref<32768xf32, #tpu.memory_space<vmem>>[vector<16xi32>], vector<16xf32>,
          %mul3A_340 = arith.mulf %gather3A_283, %gather3A_339 : vector<16xf32>
          %max3A_341 = arith.maximumf %while3A_277, %mul3A_340 : vector<16xf32>
          %ne3A_342 = arith.cmpi ne, %iota3A, %all_reduce_ffs3A_278 : vector<16xi32>
          %and3A_343 = arith.andi %while3A_269, %ne3A_342 : vector<16xi1>
          scf.yield %and3A_343, %max3A, %max3A_299, %max3A_306, %max3A_313, %max3A_320, %max3A_327, %max3A_334, %max3A_341 : vector<16xi1>, vector<16xf32>, vector<16xf32>, vector<16xf32>, vector<16xf32>, vector<16xf32>, vector<16xf32>, vector<16xf32>, vector<16xf32>
        }
        %ne3A_268 = arith.cmpi ne, %iota3A, %all_reduce_ffs3A : vector<16xi32>
        %and3A = arith.andi %while3A_252, %ne3A_268 : vector<16xi1>
        scf.yield %and3A, %while3A_267#1, %while3A_267#2, %while3A_267#3, %while3A_267#4, %while3A_267#5, %while3A_267#6, %while3A_267#7, %while3A_267#8 : vector<16xi1>, vector<16xf32>, vector<16xf32>, vector<16xf32>, vector<16xf32>, vector<16xf32>, vector<16xf32>, vector<16xf32>, vector<16xf32>
      }
      %swap3A = arith.index_cast %scan3A_188 : i32 to index
      %swap3A_224 = arith.constant 0 : index
      %swap3A_225 = tpu.vector_load %arg11[%swap3A, %swap3A_224] {strides = array<i32>} : memref<32x64xf32, #tpu.memory_space<vmem>>, vector<16xf32>,
      tpu.vector_store %arg11[%swap3A, %swap3A_224], %while3A#1 {strides = array<i32>} : memref<32x64xf32, #tpu.memory_space<vmem>>, vector<16xf32>,
      %swap3A_226 = arith.index_cast %scan3A_188 : i32 to index
      %swap3A_227 = arith.constant 16 : index
      %swap3A_228 = tpu.vector_load %arg11[%swap3A_226, %swap3A_227] {strides = array<i32>} : memref<32x64xf32, #tpu.memory_space<vmem>>, vector<16xf32>,
      tpu.vector_store %arg11[%swap3A_226, %swap3A_227], %while3A#2 {strides = array<i32>} : memref<32x64xf32, #tpu.memory_space<vmem>>, vector<16xf32>,
      %swap3A_229 = arith.index_cast %scan3A_188 : i32 to index
      %swap3A_230 = arith.constant 32 : index
      %swap3A_231 = tpu.vector_load %arg11[%swap3A_229, %swap3A_230] {strides = array<i32>} : memref<32x64xf32, #tpu.memory_space<vmem>>, vector<16xf32>,
      tpu.vector_store %arg11[%swap3A_229, %swap3A_230], %while3A#3 {strides = array<i32>} : memref<32x64xf32, #tpu.memory_space<vmem>>, vector<16xf32>,
      %swap3A_232 = arith.index_cast %scan3A_188 : i32 to index
      %swap3A_233 = arith.constant 48 : index
      %swap3A_234 = tpu.vector_load %arg11[%swap3A_232, %swap3A_233] {strides = array<i32>} : memref<32x64xf32, #tpu.memory_space<vmem>>, vector<16xf32>,
      tpu.vector_store %arg11[%swap3A_232, %swap3A_233], %while3A#4 {strides = array<i32>} : memref<32x64xf32, #tpu.memory_space<vmem>>, vector<16xf32>,
      %swap3A_235 = arith.index_cast %scan3A_188 : i32 to index
      %swap3A_236 = arith.constant 0 : index
      %swap3A_237 = tpu.vector_load %arg12[%swap3A_235, %swap3A_236] {strides = array<i32>} : memref<32x64xf32, #tpu.memory_space<vmem>>, vector<16xf32>,
      tpu.vector_store %arg12[%swap3A_235, %swap3A_236], %while3A#5 {strides = array<i32>} : memref<32x64xf32, #tpu.memory_space<vmem>>, vector<16xf32>,
      %swap3A_238 = arith.index_cast %scan3A_188 : i32 to index
      %swap3A_239 = arith.constant 16 : index
      %swap3A_240 = tpu.vector_load %arg12[%swap3A_238, %swap3A_239] {strides = array<i32>} : memref<32x64xf32, #tpu.memory_space<vmem>>, vector<16xf32>,
      tpu.vector_store %arg12[%swap3A_238, %swap3A_239], %while3A#6 {strides = array<i32>} : memref<32x64xf32, #tpu.memory_space<vmem>>, vector<16xf32>,
      %swap3A_241 = arith.index_cast %scan3A_188 : i32 to index
      %swap3A_242 = arith.constant 32 : index
      %swap3A_243 = tpu.vector_load %arg12[%swap3A_241, %swap3A_242] {strides = array<i32>} : memref<32x64xf32, #tpu.memory_space<vmem>>, vector<16xf32>,
      tpu.vector_store %arg12[%swap3A_241, %swap3A_242], %while3A#7 {strides = array<i32>} : memref<32x64xf32, #tpu.memory_space<vmem>>, vector<16xf32>,
      %swap3A_244 = arith.index_cast %scan3A_188 : i32 to index
      %swap3A_245 = arith.constant 48 : index
      %swap3A_246 = tpu.vector_load %arg12[%swap3A_244, %swap3A_245] {strides = array<i32>} : memref<32x64xf32, #tpu.memory_space<vmem>>, vector<16xf32>,
      tpu.vector_store %arg12[%swap3A_244, %swap3A_245], %while3A#8 {strides = array<i32>} : memref<32x64xf32, #tpu.memory_space<vmem>>, vector<16xf32>,
      %mul3A_247 = arith.constant 16 : i32
      %mul3A_248 = arith.muli %scan3A_188, %mul3A_247 : i32
      %swap3A_249 = arith.index_cast %mul3A_248 : i32 to index
      %swap3A_250 = tpu.vector_load %arg13[%swap3A_249] {strides = array<i32>} : memref<512xi32, #tpu.memory_space<vmem>>, vector<16xi32>,
      tpu.vector_store %arg13[%swap3A_249], %add3A_221 {strides = array<i32>} : memref<512xi32, #tpu.memory_space<vmem>>, vector<16xi32>,
      %scan3A_251 = arith.constant 0 : i32
      scf.yield %scan3A_251 : i32
    }
    %scan3A_79 = arith.constant 32 : i32
    %dma_start3A_80 = arith.constant 131072 : i32
    %dma_start3A_81 = tpu.memref_slice %arg3[%dma_start3A_80] : memref<262144xf32, #tpu.memory_space<hbm>> -> memref<32768xf32, #tpu.memory_space<hbm>>
    %dma_start3A_82 = arith.constant 131072 : i32
    %dma_start3A_83 = tpu.memref_slice %arg3[%dma_start3A_82] : memref<262144xf32, #tpu.memory_space<hbm>> -> memref<32768xf32, #tpu.memory_space<hbm>>
    tpu.enqueue_dma source(%dma_start3A_83 : memref<32768xf32, #tpu.memory_space<hbm>>) target(%arg6 : memref<32768xf32, #tpu.memory_space<vmem>>) target_semaphore(%arg14 : memref<!tpu.dma_semaphore, #tpu.memory_space<semaphore_mem>>)
    %dma_start3A_84 = arith.constant 1024 : i32
    %dma_start3A_85 = tpu.memref_slice %arg2[%mul3A_2, %dma_start3A_84] : memref<2048x2048xf32, #tpu.memory_space<hbm>> -> memref<32x256xf32, #tpu.memory_space<hbm>>
    %dma_start3A_86 = arith.constant 1024 : i32
    %dma_start3A_87 = tpu.memref_slice %arg2[%mul3A_2, %dma_start3A_86] : memref<2048x2048xf32, #tpu.memory_space<hbm>> -> memref<32x256xf32, #tpu.memory_space<hbm>>
    tpu.enqueue_dma source(%dma_start3A_87 : memref<32x256xf32, #tpu.memory_space<hbm>>) target(%arg8 : memref<32x256xf32, #tpu.memory_space<vmem>>) target_semaphore(%arg14 : memref<!tpu.dma_semaphore, #tpu.memory_space<semaphore_mem>>)
    %dma_wait3A_88 = arith.constant 98304 : i32
    %dma_wait3A_89 = tpu.memref_slice %arg3[%dma_wait3A_88] : memref<262144xf32, #tpu.memory_space<hbm>> -> memref<32768xf32, #tpu.memory_space<hbm>>
    %dma_wait3A_90 = arith.constant 98304 : i32
    %dma_wait3A_91 = tpu.memref_slice %arg3[%dma_wait3A_90] : memref<262144xf32, #tpu.memory_space<hbm>> -> memref<32768xf32, #tpu.memory_space<hbm>>
    tpu.wait_dma2 semaphore(%arg15 : memref<!tpu.dma_semaphore, #tpu.memory_space<semaphore_mem>>) src(%dma_wait3A_91 : memref<32768xf32, #tpu.memory_space<hbm>>) dst(%arg7 : memref<32768xf32, #tpu.memory_space<vmem>>)
    %dma_wait3A_92 = arith.constant 768 : i32
    %dma_wait3A_93 = tpu.memref_slice %arg2[%mul3A_2, %dma_wait3A_92] : memref<2048x2048xf32, #tpu.memory_space<hbm>> -> memref<32x256xf32, #tpu.memory_space<hbm>>
    %dma_wait3A_94 = arith.constant 768 : i32
    %dma_wait3A_95 = tpu.memref_slice %arg2[%mul3A_2, %dma_wait3A_94] : memref<2048x2048xf32, #tpu.memory_space<hbm>> -> memref<32x256xf32, #tpu.memory_space<hbm>>
    tpu.wait_dma2 semaphore(%arg15 : memref<!tpu.dma_semaphore, #tpu.memory_space<semaphore_mem>>) src(%dma_wait3A_95 : memref<32x256xf32, #tpu.memory_space<hbm>>) dst(%arg9 : memref<32x256xf32, #tpu.memory_space<vmem>>)
    %scan3A_96 = arith.constant 0 : i32
    %scan3A_97 = arith.constant 0 : i32
    %scan3A_98 = arith.constant 32 : i32
    %scan3A_99 = arith.addi %scan3A_97, %scan3A_98 : i32
    %scan3A_100 = arith.constant 1 : i32
    %scan3A_101 = scf.for %scan3A_188 = %scan3A_97 to %scan3A_99 step %scan3A_100 iter_args(%scan3A_189 = %scan3A_96) -> (i32)  : i32 {
      %broadcast_in_dim3A_190 = vector.broadcast %scan3A_188 : i32 to vector<16xi32>
      %get3A = arith.index_cast %scan3A_188 : i32 to index
      %get3A_191 = arith.constant 0 : index
      %get3A_192 = tpu.vector_load %arg11[%get3A, %get3A_191] {strides = array<i32>} : memref<32x64xf32, #tpu.memory_space<vmem>>, vector<16xf32>,
      %get3A_193 = arith.index_cast %scan3A_188 : i32 to index
      %get3A_194 = arith.constant 16 : index
      %get3A_195 = tpu.vector_load %arg11[%get3A_193, %get3A_194] {strides = array<i32>} : memref<32x64xf32, #tpu.memory_space<vmem>>, vector<16xf32>,
      %get3A_196 = arith.index_cast %scan3A_188 : i32 to index
      %get3A_197 = arith.constant 32 : index
      %get3A_198 = tpu.vector_load %arg11[%get3A_196, %get3A_197] {strides = array<i32>} : memref<32x64xf32, #tpu.memory_space<vmem>>, vector<16xf32>,
      %get3A_199 = arith.index_cast %scan3A_188 : i32 to index
      %get3A_200 = arith.constant 48 : index
      %get3A_201 = tpu.vector_load %arg11[%get3A_199, %get3A_200] {strides = array<i32>} : memref<32x64xf32, #tpu.memory_space<vmem>>, vector<16xf32>,
      %get3A_202 = arith.index_cast %scan3A_188 : i32 to index
      %get3A_203 = arith.constant 0 : index
      %get3A_204 = tpu.vector_load %arg12[%get3A_202, %get3A_203] {strides = array<i32>} : memref<32x64xf32, #tpu.memory_space<vmem>>, vector<16xf32>,
      %get3A_205 = arith.index_cast %scan3A_188 : i32 to index
      %get3A_206 = arith.constant 16 : index
      %get3A_207 = tpu.vector_load %arg12[%get3A_205, %get3A_206] {strides = array<i32>} : memref<32x64xf32, #tpu.memory_space<vmem>>, vector<16xf32>,
      %get3A_208 = arith.index_cast %scan3A_188 : i32 to index
      %get3A_209 = arith.constant 32 : index
      %get3A_210 = tpu.vector_load %arg12[%get3A_208, %get3A_209] {strides = array<i32>} : memref<32x64xf32, #tpu.memory_space<vmem>>, vector<16xf32>,
      %get3A_211 = arith.index_cast %scan3A_188 : i32 to index
      %get3A_212 = arith.constant 48 : index
      %get3A_213 = tpu.vector_load %arg12[%get3A_211, %get3A_212] {strides = array<i32>} : memref<32x64xf32, #tpu.memory_space<vmem>>, vector<16xf32>,
      %mul3A_214 = arith.constant 16 : i32
      %mul3A_215 = arith.muli %scan3A_188, %mul3A_214 : i32
      %get3A_216 = arith.index_cast %mul3A_215 : i32 to index
      %get3A_217 = tpu.vector_load %arg13[%get3A_216] {strides = array<i32>} : memref<512xi32, #tpu.memory_space<vmem>>, vector<16xi32>,
      %get3A_218 = arith.index_cast %scan3A_188 : i32 to index
      %get3A_219 = arith.constant 48 : index
      %get3A_220 = tpu.vector_load %arg10[%get3A_218, %get3A_219] {strides = array<i32>} : memref<32x128xi32, #tpu.memory_space<vmem>>, vector<16xi32>,
      %add3A_221 = arith.addi %get3A_217, %get3A_220 : vector<16xi32>
      %gt3A = arith.constant 0 : i32
      %gt3A_222 = vector.broadcast %gt3A : i32 to vector<16xi32>
      %gt3A_223 = arith.cmpi sgt, %get3A_220, %gt3A_222 : vector<16xi32>
      %while3A:9 = scf.while (%while3A_252 = %gt3A_223, %while3A_253 = %get3A_192, %while3A_254 = %get3A_195, %while3A_255 = %get3A_198, %while3A_256 = %get3A_201, %while3A_257 = %get3A_204, %while3A_258 = %get3A_207, %while3A_259 = %get3A_210, %while3A_260 = %get3A_213) : (vector<16xi1>, vector<16xf32>, vector<16xf32>, vector<16xf32>, vector<16xf32>, vector<16xf32>, vector<16xf32>, vector<16xf32>, vector<16xf32>) -> (vector<16xi1>, vector<16xf32>, vector<16xf32>, vector<16xf32>, vector<16xf32>, vector<16xf32>, vector<16xf32>, vector<16xf32>, vector<16xf32>) {
        %reduce_or3A = arith.constant 1.000000e+00 : f32
        %reduce_or3A_261 = arith.constant 0.000000e+00 : f32
        %reduce_or3A_262 = vector.broadcast %reduce_or3A : f32 to vector<16xf32>
        %reduce_or3A_263 = vector.broadcast %reduce_or3A_261 : f32 to vector<16xf32>
        %reduce_or3A_264 = arith.select %while3A_252, %reduce_or3A_262, %reduce_or3A_263 : vector<16xi1>, vector<16xf32>
        %reduce_or3A_265 = arith.constant true
        %reduce_or3A_266 = vector.broadcast %reduce_or3A_265 : i1 to vector<16xi1>
        %reduce_or3A_267 = tpu.scan <max>, %reduce_or3A_264 masked %reduce_or3A_266 : vector<16xf32>, vector<16xi1> -> vector<16xf32>
        %reduce_or3A_268 = vector.extract %reduce_or3A_267[15] : f32 from vector<16xf32>
        %reduce_or3A_269 = arith.constant 0.000000e+00 : f32
        %reduce_or3A_270 = arith.cmpf ogt, %reduce_or3A_268, %reduce_or3A_269 : f32
        scf.condition(%reduce_or3A_270) %while3A_252, %while3A_253, %while3A_254, %while3A_255, %while3A_256, %while3A_257, %while3A_258, %while3A_259, %while3A_260 : vector<16xi1>, vector<16xf32>, vector<16xf32>, vector<16xf32>, vector<16xf32>, vector<16xf32>, vector<16xf32>, vector<16xf32>, vector<16xf32>
      } do {
      ^bb0(%while3A_252: vector<16xi1>, %while3A_253: vector<16xf32>, %while3A_254: vector<16xf32>, %while3A_255: vector<16xf32>, %while3A_256: vector<16xf32>, %while3A_257: vector<16xf32>, %while3A_258: vector<16xf32>, %while3A_259: vector<16xf32>, %while3A_260: vector<16xf32>):
        %all_reduce_ffs3A = tpu.all_reduce %while3A_252 {dim = 0 : i64, kind = #tpu.reduction_kind<find_first_set>} : vector<16xi1> -> vector<16xi32>
        %mul3A_261 = arith.constant 16 : i32
        %mul3A_262 = vector.broadcast %mul3A_261 : i32 to vector<16xi32>
        %mul3A_263 = arith.muli %all_reduce_ffs3A, %mul3A_262 : vector<16xi32>
        %add3A_264 = arith.addi %mul3A_263, %iota3A : vector<16xi32>
        %gather3A = tpu.vector_load_idx %arg9[%broadcast_in_dim3A_190, %add3A_264] : memref<32x256xf32, #tpu.memory_space<vmem>>[vector<16xi32>, vector<16xi32>], vector<16xf32>,
        %ne3A = arith.constant 0.000000e+00 : f32
        %ne3A_265 = vector.broadcast %ne3A : f32 to vector<16xf32>
        %ne3A_266 = arith.cmpf one, %gather3A, %ne3A_265 : vector<16xf32>
        %while3A_267:9 = scf.while (%while3A_269 = %ne3A_266, %while3A_270 = %while3A_253, %while3A_271 = %while3A_254, %while3A_272 = %while3A_255, %while3A_273 = %while3A_256, %while3A_274 = %while3A_257, %while3A_275 = %while3A_258, %while3A_276 = %while3A_259, %while3A_277 = %while3A_260) : (vector<16xi1>, vector<16xf32>, vector<16xf32>, vector<16xf32>, vector<16xf32>, vector<16xf32>, vector<16xf32>, vector<16xf32>, vector<16xf32>) -> (vector<16xi1>, vector<16xf32>, vector<16xf32>, vector<16xf32>, vector<16xf32>, vector<16xf32>, vector<16xf32>, vector<16xf32>, vector<16xf32>) {
          %reduce_or3A = arith.constant 1.000000e+00 : f32
          %reduce_or3A_278 = arith.constant 0.000000e+00 : f32
          %reduce_or3A_279 = vector.broadcast %reduce_or3A : f32 to vector<16xf32>
          %reduce_or3A_280 = vector.broadcast %reduce_or3A_278 : f32 to vector<16xf32>
          %reduce_or3A_281 = arith.select %while3A_269, %reduce_or3A_279, %reduce_or3A_280 : vector<16xi1>, vector<16xf32>
          %reduce_or3A_282 = arith.constant true
          %reduce_or3A_283 = vector.broadcast %reduce_or3A_282 : i1 to vector<16xi1>
          %reduce_or3A_284 = tpu.scan <max>, %reduce_or3A_281 masked %reduce_or3A_283 : vector<16xf32>, vector<16xi1> -> vector<16xf32>
          %reduce_or3A_285 = vector.extract %reduce_or3A_284[15] : f32 from vector<16xf32>
          %reduce_or3A_286 = arith.constant 0.000000e+00 : f32
          %reduce_or3A_287 = arith.cmpf ogt, %reduce_or3A_285, %reduce_or3A_286 : f32
          scf.condition(%reduce_or3A_287) %while3A_269, %while3A_270, %while3A_271, %while3A_272, %while3A_273, %while3A_274, %while3A_275, %while3A_276, %while3A_277 : vector<16xi1>, vector<16xf32>, vector<16xf32>, vector<16xf32>, vector<16xf32>, vector<16xf32>, vector<16xf32>, vector<16xf32>, vector<16xf32>
        } do {
        ^bb0(%while3A_269: vector<16xi1>, %while3A_270: vector<16xf32>, %while3A_271: vector<16xf32>, %while3A_272: vector<16xf32>, %while3A_273: vector<16xf32>, %while3A_274: vector<16xf32>, %while3A_275: vector<16xf32>, %while3A_276: vector<16xf32>, %while3A_277: vector<16xf32>):
          %all_reduce_ffs3A_278 = tpu.all_reduce %while3A_269 {dim = 0 : i64, kind = #tpu.reduction_kind<find_first_set>} : vector<16xi1> -> vector<16xi32>
          %mul3A_279 = arith.constant 16 : i32
          %mul3A_280 = vector.broadcast %mul3A_279 : i32 to vector<16xi32>
          %mul3A_281 = arith.muli %all_reduce_ffs3A, %mul3A_280 : vector<16xi32>
          %add3A_282 = arith.addi %mul3A_281, %all_reduce_ffs3A_278 : vector<16xi32>
          %gather3A_283 = tpu.vector_load_idx %arg9[%broadcast_in_dim3A_190, %add3A_282] : memref<32x256xf32, #tpu.memory_space<vmem>>[vector<16xi32>, vector<16xi32>], vector<16xf32>,
          %mul3A_284 = arith.constant 128 : i32
          %mul3A_285 = vector.broadcast %mul3A_284 : i32 to vector<16xi32>
          %mul3A_286 = arith.muli %add3A_282, %mul3A_285 : vector<16xi32>
          %add3A_287 = arith.constant 0 : i32
          %add3A_288 = vector.broadcast %add3A_287 : i32 to vector<16xi32>
          %add3A_289 = arith.addi %mul3A_286, %add3A_288 : vector<16xi32>
          %add3A_290 = arith.addi %add3A_289, %iota3A : vector<16xi32>
          %gather3A_291 = tpu.vector_load_idx %arg7[%add3A_290] : memref<32768xf32, #tpu.memory_space<vmem>>[vector<16xi32>], vector<16xf32>,
          %mul3A_292 = arith.mulf %gather3A_283, %gather3A_291 : vector<16xf32>
          %max3A = arith.maximumf %while3A_270, %mul3A_292 : vector<16xf32>
          %add3A_293 = arith.constant 16 : i32
          %add3A_294 = vector.broadcast %add3A_293 : i32 to vector<16xi32>
          %add3A_295 = arith.addi %mul3A_286, %add3A_294 : vector<16xi32>
          %add3A_296 = arith.addi %add3A_295, %iota3A : vector<16xi32>
          %gather3A_297 = tpu.vector_load_idx %arg7[%add3A_296] : memref<32768xf32, #tpu.memory_space<vmem>>[vector<16xi32>], vector<16xf32>,
          %mul3A_298 = arith.mulf %gather3A_283, %gather3A_297 : vector<16xf32>
          %max3A_299 = arith.maximumf %while3A_271, %mul3A_298 : vector<16xf32>
          %add3A_300 = arith.constant 32 : i32
          %add3A_301 = vector.broadcast %add3A_300 : i32 to vector<16xi32>
          %add3A_302 = arith.addi %mul3A_286, %add3A_301 : vector<16xi32>
          %add3A_303 = arith.addi %add3A_302, %iota3A : vector<16xi32>
          %gather3A_304 = tpu.vector_load_idx %arg7[%add3A_303] : memref<32768xf32, #tpu.memory_space<vmem>>[vector<16xi32>], vector<16xf32>,
          %mul3A_305 = arith.mulf %gather3A_283, %gather3A_304 : vector<16xf32>
          %max3A_306 = arith.maximumf %while3A_272, %mul3A_305 : vector<16xf32>
          %add3A_307 = arith.constant 48 : i32
          %add3A_308 = vector.broadcast %add3A_307 : i32 to vector<16xi32>
          %add3A_309 = arith.addi %mul3A_286, %add3A_308 : vector<16xi32>
          %add3A_310 = arith.addi %add3A_309, %iota3A : vector<16xi32>
          %gather3A_311 = tpu.vector_load_idx %arg7[%add3A_310] : memref<32768xf32, #tpu.memory_space<vmem>>[vector<16xi32>], vector<16xf32>,
          %mul3A_312 = arith.mulf %gather3A_283, %gather3A_311 : vector<16xf32>
          %max3A_313 = arith.maximumf %while3A_273, %mul3A_312 : vector<16xf32>
          %add3A_314 = arith.constant 64 : i32
          %add3A_315 = vector.broadcast %add3A_314 : i32 to vector<16xi32>
          %add3A_316 = arith.addi %mul3A_286, %add3A_315 : vector<16xi32>
          %add3A_317 = arith.addi %add3A_316, %iota3A : vector<16xi32>
          %gather3A_318 = tpu.vector_load_idx %arg7[%add3A_317] : memref<32768xf32, #tpu.memory_space<vmem>>[vector<16xi32>], vector<16xf32>,
          %mul3A_319 = arith.mulf %gather3A_283, %gather3A_318 : vector<16xf32>
          %max3A_320 = arith.maximumf %while3A_274, %mul3A_319 : vector<16xf32>
          %add3A_321 = arith.constant 80 : i32
          %add3A_322 = vector.broadcast %add3A_321 : i32 to vector<16xi32>
          %add3A_323 = arith.addi %mul3A_286, %add3A_322 : vector<16xi32>
          %add3A_324 = arith.addi %add3A_323, %iota3A : vector<16xi32>
          %gather3A_325 = tpu.vector_load_idx %arg7[%add3A_324] : memref<32768xf32, #tpu.memory_space<vmem>>[vector<16xi32>], vector<16xf32>,
          %mul3A_326 = arith.mulf %gather3A_283, %gather3A_325 : vector<16xf32>
          %max3A_327 = arith.maximumf %while3A_275, %mul3A_326 : vector<16xf32>
          %add3A_328 = arith.constant 96 : i32
          %add3A_329 = vector.broadcast %add3A_328 : i32 to vector<16xi32>
          %add3A_330 = arith.addi %mul3A_286, %add3A_329 : vector<16xi32>
          %add3A_331 = arith.addi %add3A_330, %iota3A : vector<16xi32>
          %gather3A_332 = tpu.vector_load_idx %arg7[%add3A_331] : memref<32768xf32, #tpu.memory_space<vmem>>[vector<16xi32>], vector<16xf32>,
          %mul3A_333 = arith.mulf %gather3A_283, %gather3A_332 : vector<16xf32>
          %max3A_334 = arith.maximumf %while3A_276, %mul3A_333 : vector<16xf32>
          %add3A_335 = arith.constant 112 : i32
          %add3A_336 = vector.broadcast %add3A_335 : i32 to vector<16xi32>
          %add3A_337 = arith.addi %mul3A_286, %add3A_336 : vector<16xi32>
          %add3A_338 = arith.addi %add3A_337, %iota3A : vector<16xi32>
          %gather3A_339 = tpu.vector_load_idx %arg7[%add3A_338] : memref<32768xf32, #tpu.memory_space<vmem>>[vector<16xi32>], vector<16xf32>,
          %mul3A_340 = arith.mulf %gather3A_283, %gather3A_339 : vector<16xf32>
          %max3A_341 = arith.maximumf %while3A_277, %mul3A_340 : vector<16xf32>
          %ne3A_342 = arith.cmpi ne, %iota3A, %all_reduce_ffs3A_278 : vector<16xi32>
          %and3A_343 = arith.andi %while3A_269, %ne3A_342 : vector<16xi1>
          scf.yield %and3A_343, %max3A, %max3A_299, %max3A_306, %max3A_313, %max3A_320, %max3A_327, %max3A_334, %max3A_341 : vector<16xi1>, vector<16xf32>, vector<16xf32>, vector<16xf32>, vector<16xf32>, vector<16xf32>, vector<16xf32>, vector<16xf32>, vector<16xf32>
        }
        %ne3A_268 = arith.cmpi ne, %iota3A, %all_reduce_ffs3A : vector<16xi32>
        %and3A = arith.andi %while3A_252, %ne3A_268 : vector<16xi1>
        scf.yield %and3A, %while3A_267#1, %while3A_267#2, %while3A_267#3, %while3A_267#4, %while3A_267#5, %while3A_267#6, %while3A_267#7, %while3A_267#8 : vector<16xi1>, vector<16xf32>, vector<16xf32>, vector<16xf32>, vector<16xf32>, vector<16xf32>, vector<16xf32>, vector<16xf32>, vector<16xf32>
      }
      %swap3A = arith.index_cast %scan3A_188 : i32 to index
      %swap3A_224 = arith.constant 0 : index
      %swap3A_225 = tpu.vector_load %arg11[%swap3A, %swap3A_224] {strides = array<i32>} : memref<32x64xf32, #tpu.memory_space<vmem>>, vector<16xf32>,
      tpu.vector_store %arg11[%swap3A, %swap3A_224], %while3A#1 {strides = array<i32>} : memref<32x64xf32, #tpu.memory_space<vmem>>, vector<16xf32>,
      %swap3A_226 = arith.index_cast %scan3A_188 : i32 to index
      %swap3A_227 = arith.constant 16 : index
      %swap3A_228 = tpu.vector_load %arg11[%swap3A_226, %swap3A_227] {strides = array<i32>} : memref<32x64xf32, #tpu.memory_space<vmem>>, vector<16xf32>,
      tpu.vector_store %arg11[%swap3A_226, %swap3A_227], %while3A#2 {strides = array<i32>} : memref<32x64xf32, #tpu.memory_space<vmem>>, vector<16xf32>,
      %swap3A_229 = arith.index_cast %scan3A_188 : i32 to index
      %swap3A_230 = arith.constant 32 : index
      %swap3A_231 = tpu.vector_load %arg11[%swap3A_229, %swap3A_230] {strides = array<i32>} : memref<32x64xf32, #tpu.memory_space<vmem>>, vector<16xf32>,
      tpu.vector_store %arg11[%swap3A_229, %swap3A_230], %while3A#3 {strides = array<i32>} : memref<32x64xf32, #tpu.memory_space<vmem>>, vector<16xf32>,
      %swap3A_232 = arith.index_cast %scan3A_188 : i32 to index
      %swap3A_233 = arith.constant 48 : index
      %swap3A_234 = tpu.vector_load %arg11[%swap3A_232, %swap3A_233] {strides = array<i32>} : memref<32x64xf32, #tpu.memory_space<vmem>>, vector<16xf32>,
      tpu.vector_store %arg11[%swap3A_232, %swap3A_233], %while3A#4 {strides = array<i32>} : memref<32x64xf32, #tpu.memory_space<vmem>>, vector<16xf32>,
      %swap3A_235 = arith.index_cast %scan3A_188 : i32 to index
      %swap3A_236 = arith.constant 0 : index
      %swap3A_237 = tpu.vector_load %arg12[%swap3A_235, %swap3A_236] {strides = array<i32>} : memref<32x64xf32, #tpu.memory_space<vmem>>, vector<16xf32>,
      tpu.vector_store %arg12[%swap3A_235, %swap3A_236], %while3A#5 {strides = array<i32>} : memref<32x64xf32, #tpu.memory_space<vmem>>, vector<16xf32>,
      %swap3A_238 = arith.index_cast %scan3A_188 : i32 to index
      %swap3A_239 = arith.constant 16 : index
      %swap3A_240 = tpu.vector_load %arg12[%swap3A_238, %swap3A_239] {strides = array<i32>} : memref<32x64xf32, #tpu.memory_space<vmem>>, vector<16xf32>,
      tpu.vector_store %arg12[%swap3A_238, %swap3A_239], %while3A#6 {strides = array<i32>} : memref<32x64xf32, #tpu.memory_space<vmem>>, vector<16xf32>,
      %swap3A_241 = arith.index_cast %scan3A_188 : i32 to index
      %swap3A_242 = arith.constant 32 : index
      %swap3A_243 = tpu.vector_load %arg12[%swap3A_241, %swap3A_242] {strides = array<i32>} : memref<32x64xf32, #tpu.memory_space<vmem>>, vector<16xf32>,
      tpu.vector_store %arg12[%swap3A_241, %swap3A_242], %while3A#7 {strides = array<i32>} : memref<32x64xf32, #tpu.memory_space<vmem>>, vector<16xf32>,
      %swap3A_244 = arith.index_cast %scan3A_188 : i32 to index
      %swap3A_245 = arith.constant 48 : index
      %swap3A_246 = tpu.vector_load %arg12[%swap3A_244, %swap3A_245] {strides = array<i32>} : memref<32x64xf32, #tpu.memory_space<vmem>>, vector<16xf32>,
      tpu.vector_store %arg12[%swap3A_244, %swap3A_245], %while3A#8 {strides = array<i32>} : memref<32x64xf32, #tpu.memory_space<vmem>>, vector<16xf32>,
      %mul3A_247 = arith.constant 16 : i32
      %mul3A_248 = arith.muli %scan3A_188, %mul3A_247 : i32
      %swap3A_249 = arith.index_cast %mul3A_248 : i32 to index
      %swap3A_250 = tpu.vector_load %arg13[%swap3A_249] {strides = array<i32>} : memref<512xi32, #tpu.memory_space<vmem>>, vector<16xi32>,
      tpu.vector_store %arg13[%swap3A_249], %add3A_221 {strides = array<i32>} : memref<512xi32, #tpu.memory_space<vmem>>, vector<16xi32>,
      %scan3A_251 = arith.constant 0 : i32
      scf.yield %scan3A_251 : i32
    }
    %scan3A_102 = arith.constant 32 : i32
    %dma_start3A_103 = arith.constant 163840 : i32
    %dma_start3A_104 = tpu.memref_slice %arg3[%dma_start3A_103] : memref<262144xf32, #tpu.memory_space<hbm>> -> memref<32768xf32, #tpu.memory_space<hbm>>
    %dma_start3A_105 = arith.constant 163840 : i32
    %dma_start3A_106 = tpu.memref_slice %arg3[%dma_start3A_105] : memref<262144xf32, #tpu.memory_space<hbm>> -> memref<32768xf32, #tpu.memory_space<hbm>>
    tpu.enqueue_dma source(%dma_start3A_106 : memref<32768xf32, #tpu.memory_space<hbm>>) target(%arg7 : memref<32768xf32, #tpu.memory_space<vmem>>) target_semaphore(%arg15 : memref<!tpu.dma_semaphore, #tpu.memory_space<semaphore_mem>>)
    %dma_start3A_107 = arith.constant 1280 : i32
    %dma_start3A_108 = tpu.memref_slice %arg2[%mul3A_2, %dma_start3A_107] : memref<2048x2048xf32, #tpu.memory_space<hbm>> -> memref<32x256xf32, #tpu.memory_space<hbm>>
    %dma_start3A_109 = arith.constant 1280 : i32
    %dma_start3A_110 = tpu.memref_slice %arg2[%mul3A_2, %dma_start3A_109] : memref<2048x2048xf32, #tpu.memory_space<hbm>> -> memref<32x256xf32, #tpu.memory_space<hbm>>
    tpu.enqueue_dma source(%dma_start3A_110 : memref<32x256xf32, #tpu.memory_space<hbm>>) target(%arg9 : memref<32x256xf32, #tpu.memory_space<vmem>>) target_semaphore(%arg15 : memref<!tpu.dma_semaphore, #tpu.memory_space<semaphore_mem>>)
    %dma_wait3A_111 = arith.constant 131072 : i32
    %dma_wait3A_112 = tpu.memref_slice %arg3[%dma_wait3A_111] : memref<262144xf32, #tpu.memory_space<hbm>> -> memref<32768xf32, #tpu.memory_space<hbm>>
    %dma_wait3A_113 = arith.constant 131072 : i32
    %dma_wait3A_114 = tpu.memref_slice %arg3[%dma_wait3A_113] : memref<262144xf32, #tpu.memory_space<hbm>> -> memref<32768xf32, #tpu.memory_space<hbm>>
    tpu.wait_dma2 semaphore(%arg14 : memref<!tpu.dma_semaphore, #tpu.memory_space<semaphore_mem>>) src(%dma_wait3A_114 : memref<32768xf32, #tpu.memory_space<hbm>>) dst(%arg6 : memref<32768xf32, #tpu.memory_space<vmem>>)
    %dma_wait3A_115 = arith.constant 1024 : i32
    %dma_wait3A_116 = tpu.memref_slice %arg2[%mul3A_2, %dma_wait3A_115] : memref<2048x2048xf32, #tpu.memory_space<hbm>> -> memref<32x256xf32, #tpu.memory_space<hbm>>
    %dma_wait3A_117 = arith.constant 1024 : i32
    %dma_wait3A_118 = tpu.memref_slice %arg2[%mul3A_2, %dma_wait3A_117] : memref<2048x2048xf32, #tpu.memory_space<hbm>> -> memref<32x256xf32, #tpu.memory_space<hbm>>
    tpu.wait_dma2 semaphore(%arg14 : memref<!tpu.dma_semaphore, #tpu.memory_space<semaphore_mem>>) src(%dma_wait3A_118 : memref<32x256xf32, #tpu.memory_space<hbm>>) dst(%arg8 : memref<32x256xf32, #tpu.memory_space<vmem>>)
    %scan3A_119 = arith.constant 0 : i32
    %scan3A_120 = arith.constant 0 : i32
    %scan3A_121 = arith.constant 32 : i32
    %scan3A_122 = arith.addi %scan3A_120, %scan3A_121 : i32
    %scan3A_123 = arith.constant 1 : i32
    %scan3A_124 = scf.for %scan3A_188 = %scan3A_120 to %scan3A_122 step %scan3A_123 iter_args(%scan3A_189 = %scan3A_119) -> (i32)  : i32 {
      %broadcast_in_dim3A_190 = vector.broadcast %scan3A_188 : i32 to vector<16xi32>
      %get3A = arith.index_cast %scan3A_188 : i32 to index
      %get3A_191 = arith.constant 0 : index
      %get3A_192 = tpu.vector_load %arg11[%get3A, %get3A_191] {strides = array<i32>} : memref<32x64xf32, #tpu.memory_space<vmem>>, vector<16xf32>,
      %get3A_193 = arith.index_cast %scan3A_188 : i32 to index
      %get3A_194 = arith.constant 16 : index
      %get3A_195 = tpu.vector_load %arg11[%get3A_193, %get3A_194] {strides = array<i32>} : memref<32x64xf32, #tpu.memory_space<vmem>>, vector<16xf32>,
      %get3A_196 = arith.index_cast %scan3A_188 : i32 to index
      %get3A_197 = arith.constant 32 : index
      %get3A_198 = tpu.vector_load %arg11[%get3A_196, %get3A_197] {strides = array<i32>} : memref<32x64xf32, #tpu.memory_space<vmem>>, vector<16xf32>,
      %get3A_199 = arith.index_cast %scan3A_188 : i32 to index
      %get3A_200 = arith.constant 48 : index
      %get3A_201 = tpu.vector_load %arg11[%get3A_199, %get3A_200] {strides = array<i32>} : memref<32x64xf32, #tpu.memory_space<vmem>>, vector<16xf32>,
      %get3A_202 = arith.index_cast %scan3A_188 : i32 to index
      %get3A_203 = arith.constant 0 : index
      %get3A_204 = tpu.vector_load %arg12[%get3A_202, %get3A_203] {strides = array<i32>} : memref<32x64xf32, #tpu.memory_space<vmem>>, vector<16xf32>,
      %get3A_205 = arith.index_cast %scan3A_188 : i32 to index
      %get3A_206 = arith.constant 16 : index
      %get3A_207 = tpu.vector_load %arg12[%get3A_205, %get3A_206] {strides = array<i32>} : memref<32x64xf32, #tpu.memory_space<vmem>>, vector<16xf32>,
      %get3A_208 = arith.index_cast %scan3A_188 : i32 to index
      %get3A_209 = arith.constant 32 : index
      %get3A_210 = tpu.vector_load %arg12[%get3A_208, %get3A_209] {strides = array<i32>} : memref<32x64xf32, #tpu.memory_space<vmem>>, vector<16xf32>,
      %get3A_211 = arith.index_cast %scan3A_188 : i32 to index
      %get3A_212 = arith.constant 48 : index
      %get3A_213 = tpu.vector_load %arg12[%get3A_211, %get3A_212] {strides = array<i32>} : memref<32x64xf32, #tpu.memory_space<vmem>>, vector<16xf32>,
      %mul3A_214 = arith.constant 16 : i32
      %mul3A_215 = arith.muli %scan3A_188, %mul3A_214 : i32
      %get3A_216 = arith.index_cast %mul3A_215 : i32 to index
      %get3A_217 = tpu.vector_load %arg13[%get3A_216] {strides = array<i32>} : memref<512xi32, #tpu.memory_space<vmem>>, vector<16xi32>,
      %get3A_218 = arith.index_cast %scan3A_188 : i32 to index
      %get3A_219 = arith.constant 64 : index
      %get3A_220 = tpu.vector_load %arg10[%get3A_218, %get3A_219] {strides = array<i32>} : memref<32x128xi32, #tpu.memory_space<vmem>>, vector<16xi32>,
      %add3A_221 = arith.addi %get3A_217, %get3A_220 : vector<16xi32>
      %gt3A = arith.constant 0 : i32
      %gt3A_222 = vector.broadcast %gt3A : i32 to vector<16xi32>
      %gt3A_223 = arith.cmpi sgt, %get3A_220, %gt3A_222 : vector<16xi32>
      %while3A:9 = scf.while (%while3A_252 = %gt3A_223, %while3A_253 = %get3A_192, %while3A_254 = %get3A_195, %while3A_255 = %get3A_198, %while3A_256 = %get3A_201, %while3A_257 = %get3A_204, %while3A_258 = %get3A_207, %while3A_259 = %get3A_210, %while3A_260 = %get3A_213) : (vector<16xi1>, vector<16xf32>, vector<16xf32>, vector<16xf32>, vector<16xf32>, vector<16xf32>, vector<16xf32>, vector<16xf32>, vector<16xf32>) -> (vector<16xi1>, vector<16xf32>, vector<16xf32>, vector<16xf32>, vector<16xf32>, vector<16xf32>, vector<16xf32>, vector<16xf32>, vector<16xf32>) {
        %reduce_or3A = arith.constant 1.000000e+00 : f32
        %reduce_or3A_261 = arith.constant 0.000000e+00 : f32
        %reduce_or3A_262 = vector.broadcast %reduce_or3A : f32 to vector<16xf32>
        %reduce_or3A_263 = vector.broadcast %reduce_or3A_261 : f32 to vector<16xf32>
        %reduce_or3A_264 = arith.select %while3A_252, %reduce_or3A_262, %reduce_or3A_263 : vector<16xi1>, vector<16xf32>
        %reduce_or3A_265 = arith.constant true
        %reduce_or3A_266 = vector.broadcast %reduce_or3A_265 : i1 to vector<16xi1>
        %reduce_or3A_267 = tpu.scan <max>, %reduce_or3A_264 masked %reduce_or3A_266 : vector<16xf32>, vector<16xi1> -> vector<16xf32>
        %reduce_or3A_268 = vector.extract %reduce_or3A_267[15] : f32 from vector<16xf32>
        %reduce_or3A_269 = arith.constant 0.000000e+00 : f32
        %reduce_or3A_270 = arith.cmpf ogt, %reduce_or3A_268, %reduce_or3A_269 : f32
        scf.condition(%reduce_or3A_270) %while3A_252, %while3A_253, %while3A_254, %while3A_255, %while3A_256, %while3A_257, %while3A_258, %while3A_259, %while3A_260 : vector<16xi1>, vector<16xf32>, vector<16xf32>, vector<16xf32>, vector<16xf32>, vector<16xf32>, vector<16xf32>, vector<16xf32>, vector<16xf32>
      } do {
      ^bb0(%while3A_252: vector<16xi1>, %while3A_253: vector<16xf32>, %while3A_254: vector<16xf32>, %while3A_255: vector<16xf32>, %while3A_256: vector<16xf32>, %while3A_257: vector<16xf32>, %while3A_258: vector<16xf32>, %while3A_259: vector<16xf32>, %while3A_260: vector<16xf32>):
        %all_reduce_ffs3A = tpu.all_reduce %while3A_252 {dim = 0 : i64, kind = #tpu.reduction_kind<find_first_set>} : vector<16xi1> -> vector<16xi32>
        %mul3A_261 = arith.constant 16 : i32
        %mul3A_262 = vector.broadcast %mul3A_261 : i32 to vector<16xi32>
        %mul3A_263 = arith.muli %all_reduce_ffs3A, %mul3A_262 : vector<16xi32>
        %add3A_264 = arith.addi %mul3A_263, %iota3A : vector<16xi32>
        %gather3A = tpu.vector_load_idx %arg8[%broadcast_in_dim3A_190, %add3A_264] : memref<32x256xf32, #tpu.memory_space<vmem>>[vector<16xi32>, vector<16xi32>], vector<16xf32>,
        %ne3A = arith.constant 0.000000e+00 : f32
        %ne3A_265 = vector.broadcast %ne3A : f32 to vector<16xf32>
        %ne3A_266 = arith.cmpf one, %gather3A, %ne3A_265 : vector<16xf32>
        %while3A_267:9 = scf.while (%while3A_269 = %ne3A_266, %while3A_270 = %while3A_253, %while3A_271 = %while3A_254, %while3A_272 = %while3A_255, %while3A_273 = %while3A_256, %while3A_274 = %while3A_257, %while3A_275 = %while3A_258, %while3A_276 = %while3A_259, %while3A_277 = %while3A_260) : (vector<16xi1>, vector<16xf32>, vector<16xf32>, vector<16xf32>, vector<16xf32>, vector<16xf32>, vector<16xf32>, vector<16xf32>, vector<16xf32>) -> (vector<16xi1>, vector<16xf32>, vector<16xf32>, vector<16xf32>, vector<16xf32>, vector<16xf32>, vector<16xf32>, vector<16xf32>, vector<16xf32>) {
          %reduce_or3A = arith.constant 1.000000e+00 : f32
          %reduce_or3A_278 = arith.constant 0.000000e+00 : f32
          %reduce_or3A_279 = vector.broadcast %reduce_or3A : f32 to vector<16xf32>
          %reduce_or3A_280 = vector.broadcast %reduce_or3A_278 : f32 to vector<16xf32>
          %reduce_or3A_281 = arith.select %while3A_269, %reduce_or3A_279, %reduce_or3A_280 : vector<16xi1>, vector<16xf32>
          %reduce_or3A_282 = arith.constant true
          %reduce_or3A_283 = vector.broadcast %reduce_or3A_282 : i1 to vector<16xi1>
          %reduce_or3A_284 = tpu.scan <max>, %reduce_or3A_281 masked %reduce_or3A_283 : vector<16xf32>, vector<16xi1> -> vector<16xf32>
          %reduce_or3A_285 = vector.extract %reduce_or3A_284[15] : f32 from vector<16xf32>
          %reduce_or3A_286 = arith.constant 0.000000e+00 : f32
          %reduce_or3A_287 = arith.cmpf ogt, %reduce_or3A_285, %reduce_or3A_286 : f32
          scf.condition(%reduce_or3A_287) %while3A_269, %while3A_270, %while3A_271, %while3A_272, %while3A_273, %while3A_274, %while3A_275, %while3A_276, %while3A_277 : vector<16xi1>, vector<16xf32>, vector<16xf32>, vector<16xf32>, vector<16xf32>, vector<16xf32>, vector<16xf32>, vector<16xf32>, vector<16xf32>
        } do {
        ^bb0(%while3A_269: vector<16xi1>, %while3A_270: vector<16xf32>, %while3A_271: vector<16xf32>, %while3A_272: vector<16xf32>, %while3A_273: vector<16xf32>, %while3A_274: vector<16xf32>, %while3A_275: vector<16xf32>, %while3A_276: vector<16xf32>, %while3A_277: vector<16xf32>):
          %all_reduce_ffs3A_278 = tpu.all_reduce %while3A_269 {dim = 0 : i64, kind = #tpu.reduction_kind<find_first_set>} : vector<16xi1> -> vector<16xi32>
          %mul3A_279 = arith.constant 16 : i32
          %mul3A_280 = vector.broadcast %mul3A_279 : i32 to vector<16xi32>
          %mul3A_281 = arith.muli %all_reduce_ffs3A, %mul3A_280 : vector<16xi32>
          %add3A_282 = arith.addi %mul3A_281, %all_reduce_ffs3A_278 : vector<16xi32>
          %gather3A_283 = tpu.vector_load_idx %arg8[%broadcast_in_dim3A_190, %add3A_282] : memref<32x256xf32, #tpu.memory_space<vmem>>[vector<16xi32>, vector<16xi32>], vector<16xf32>,
          %mul3A_284 = arith.constant 128 : i32
          %mul3A_285 = vector.broadcast %mul3A_284 : i32 to vector<16xi32>
          %mul3A_286 = arith.muli %add3A_282, %mul3A_285 : vector<16xi32>
          %add3A_287 = arith.constant 0 : i32
          %add3A_288 = vector.broadcast %add3A_287 : i32 to vector<16xi32>
          %add3A_289 = arith.addi %mul3A_286, %add3A_288 : vector<16xi32>
          %add3A_290 = arith.addi %add3A_289, %iota3A : vector<16xi32>
          %gather3A_291 = tpu.vector_load_idx %arg6[%add3A_290] : memref<32768xf32, #tpu.memory_space<vmem>>[vector<16xi32>], vector<16xf32>,
          %mul3A_292 = arith.mulf %gather3A_283, %gather3A_291 : vector<16xf32>
          %max3A = arith.maximumf %while3A_270, %mul3A_292 : vector<16xf32>
          %add3A_293 = arith.constant 16 : i32
          %add3A_294 = vector.broadcast %add3A_293 : i32 to vector<16xi32>
          %add3A_295 = arith.addi %mul3A_286, %add3A_294 : vector<16xi32>
          %add3A_296 = arith.addi %add3A_295, %iota3A : vector<16xi32>
          %gather3A_297 = tpu.vector_load_idx %arg6[%add3A_296] : memref<32768xf32, #tpu.memory_space<vmem>>[vector<16xi32>], vector<16xf32>,
          %mul3A_298 = arith.mulf %gather3A_283, %gather3A_297 : vector<16xf32>
          %max3A_299 = arith.maximumf %while3A_271, %mul3A_298 : vector<16xf32>
          %add3A_300 = arith.constant 32 : i32
          %add3A_301 = vector.broadcast %add3A_300 : i32 to vector<16xi32>
          %add3A_302 = arith.addi %mul3A_286, %add3A_301 : vector<16xi32>
          %add3A_303 = arith.addi %add3A_302, %iota3A : vector<16xi32>
          %gather3A_304 = tpu.vector_load_idx %arg6[%add3A_303] : memref<32768xf32, #tpu.memory_space<vmem>>[vector<16xi32>], vector<16xf32>,
          %mul3A_305 = arith.mulf %gather3A_283, %gather3A_304 : vector<16xf32>
          %max3A_306 = arith.maximumf %while3A_272, %mul3A_305 : vector<16xf32>
          %add3A_307 = arith.constant 48 : i32
          %add3A_308 = vector.broadcast %add3A_307 : i32 to vector<16xi32>
          %add3A_309 = arith.addi %mul3A_286, %add3A_308 : vector<16xi32>
          %add3A_310 = arith.addi %add3A_309, %iota3A : vector<16xi32>
          %gather3A_311 = tpu.vector_load_idx %arg6[%add3A_310] : memref<32768xf32, #tpu.memory_space<vmem>>[vector<16xi32>], vector<16xf32>,
          %mul3A_312 = arith.mulf %gather3A_283, %gather3A_311 : vector<16xf32>
          %max3A_313 = arith.maximumf %while3A_273, %mul3A_312 : vector<16xf32>
          %add3A_314 = arith.constant 64 : i32
          %add3A_315 = vector.broadcast %add3A_314 : i32 to vector<16xi32>
          %add3A_316 = arith.addi %mul3A_286, %add3A_315 : vector<16xi32>
          %add3A_317 = arith.addi %add3A_316, %iota3A : vector<16xi32>
          %gather3A_318 = tpu.vector_load_idx %arg6[%add3A_317] : memref<32768xf32, #tpu.memory_space<vmem>>[vector<16xi32>], vector<16xf32>,
          %mul3A_319 = arith.mulf %gather3A_283, %gather3A_318 : vector<16xf32>
          %max3A_320 = arith.maximumf %while3A_274, %mul3A_319 : vector<16xf32>
          %add3A_321 = arith.constant 80 : i32
          %add3A_322 = vector.broadcast %add3A_321 : i32 to vector<16xi32>
          %add3A_323 = arith.addi %mul3A_286, %add3A_322 : vector<16xi32>
          %add3A_324 = arith.addi %add3A_323, %iota3A : vector<16xi32>
          %gather3A_325 = tpu.vector_load_idx %arg6[%add3A_324] : memref<32768xf32, #tpu.memory_space<vmem>>[vector<16xi32>], vector<16xf32>,
          %mul3A_326 = arith.mulf %gather3A_283, %gather3A_325 : vector<16xf32>
          %max3A_327 = arith.maximumf %while3A_275, %mul3A_326 : vector<16xf32>
          %add3A_328 = arith.constant 96 : i32
          %add3A_329 = vector.broadcast %add3A_328 : i32 to vector<16xi32>
          %add3A_330 = arith.addi %mul3A_286, %add3A_329 : vector<16xi32>
          %add3A_331 = arith.addi %add3A_330, %iota3A : vector<16xi32>
          %gather3A_332 = tpu.vector_load_idx %arg6[%add3A_331] : memref<32768xf32, #tpu.memory_space<vmem>>[vector<16xi32>], vector<16xf32>,
          %mul3A_333 = arith.mulf %gather3A_283, %gather3A_332 : vector<16xf32>
          %max3A_334 = arith.maximumf %while3A_276, %mul3A_333 : vector<16xf32>
          %add3A_335 = arith.constant 112 : i32
          %add3A_336 = vector.broadcast %add3A_335 : i32 to vector<16xi32>
          %add3A_337 = arith.addi %mul3A_286, %add3A_336 : vector<16xi32>
          %add3A_338 = arith.addi %add3A_337, %iota3A : vector<16xi32>
          %gather3A_339 = tpu.vector_load_idx %arg6[%add3A_338] : memref<32768xf32, #tpu.memory_space<vmem>>[vector<16xi32>], vector<16xf32>,
          %mul3A_340 = arith.mulf %gather3A_283, %gather3A_339 : vector<16xf32>
          %max3A_341 = arith.maximumf %while3A_277, %mul3A_340 : vector<16xf32>
          %ne3A_342 = arith.cmpi ne, %iota3A, %all_reduce_ffs3A_278 : vector<16xi32>
          %and3A_343 = arith.andi %while3A_269, %ne3A_342 : vector<16xi1>
          scf.yield %and3A_343, %max3A, %max3A_299, %max3A_306, %max3A_313, %max3A_320, %max3A_327, %max3A_334, %max3A_341 : vector<16xi1>, vector<16xf32>, vector<16xf32>, vector<16xf32>, vector<16xf32>, vector<16xf32>, vector<16xf32>, vector<16xf32>, vector<16xf32>
        }
        %ne3A_268 = arith.cmpi ne, %iota3A, %all_reduce_ffs3A : vector<16xi32>
        %and3A = arith.andi %while3A_252, %ne3A_268 : vector<16xi1>
        scf.yield %and3A, %while3A_267#1, %while3A_267#2, %while3A_267#3, %while3A_267#4, %while3A_267#5, %while3A_267#6, %while3A_267#7, %while3A_267#8 : vector<16xi1>, vector<16xf32>, vector<16xf32>, vector<16xf32>, vector<16xf32>, vector<16xf32>, vector<16xf32>, vector<16xf32>, vector<16xf32>
      }
      %swap3A = arith.index_cast %scan3A_188 : i32 to index
      %swap3A_224 = arith.constant 0 : index
      %swap3A_225 = tpu.vector_load %arg11[%swap3A, %swap3A_224] {strides = array<i32>} : memref<32x64xf32, #tpu.memory_space<vmem>>, vector<16xf32>,
      tpu.vector_store %arg11[%swap3A, %swap3A_224], %while3A#1 {strides = array<i32>} : memref<32x64xf32, #tpu.memory_space<vmem>>, vector<16xf32>,
      %swap3A_226 = arith.index_cast %scan3A_188 : i32 to index
      %swap3A_227 = arith.constant 16 : index
      %swap3A_228 = tpu.vector_load %arg11[%swap3A_226, %swap3A_227] {strides = array<i32>} : memref<32x64xf32, #tpu.memory_space<vmem>>, vector<16xf32>,
      tpu.vector_store %arg11[%swap3A_226, %swap3A_227], %while3A#2 {strides = array<i32>} : memref<32x64xf32, #tpu.memory_space<vmem>>, vector<16xf32>,
      %swap3A_229 = arith.index_cast %scan3A_188 : i32 to index
      %swap3A_230 = arith.constant 32 : index
      %swap3A_231 = tpu.vector_load %arg11[%swap3A_229, %swap3A_230] {strides = array<i32>} : memref<32x64xf32, #tpu.memory_space<vmem>>, vector<16xf32>,
      tpu.vector_store %arg11[%swap3A_229, %swap3A_230], %while3A#3 {strides = array<i32>} : memref<32x64xf32, #tpu.memory_space<vmem>>, vector<16xf32>,
      %swap3A_232 = arith.index_cast %scan3A_188 : i32 to index
      %swap3A_233 = arith.constant 48 : index
      %swap3A_234 = tpu.vector_load %arg11[%swap3A_232, %swap3A_233] {strides = array<i32>} : memref<32x64xf32, #tpu.memory_space<vmem>>, vector<16xf32>,
      tpu.vector_store %arg11[%swap3A_232, %swap3A_233], %while3A#4 {strides = array<i32>} : memref<32x64xf32, #tpu.memory_space<vmem>>, vector<16xf32>,
      %swap3A_235 = arith.index_cast %scan3A_188 : i32 to index
      %swap3A_236 = arith.constant 0 : index
      %swap3A_237 = tpu.vector_load %arg12[%swap3A_235, %swap3A_236] {strides = array<i32>} : memref<32x64xf32, #tpu.memory_space<vmem>>, vector<16xf32>,
      tpu.vector_store %arg12[%swap3A_235, %swap3A_236], %while3A#5 {strides = array<i32>} : memref<32x64xf32, #tpu.memory_space<vmem>>, vector<16xf32>,
      %swap3A_238 = arith.index_cast %scan3A_188 : i32 to index
      %swap3A_239 = arith.constant 16 : index
      %swap3A_240 = tpu.vector_load %arg12[%swap3A_238, %swap3A_239] {strides = array<i32>} : memref<32x64xf32, #tpu.memory_space<vmem>>, vector<16xf32>,
      tpu.vector_store %arg12[%swap3A_238, %swap3A_239], %while3A#6 {strides = array<i32>} : memref<32x64xf32, #tpu.memory_space<vmem>>, vector<16xf32>,
      %swap3A_241 = arith.index_cast %scan3A_188 : i32 to index
      %swap3A_242 = arith.constant 32 : index
      %swap3A_243 = tpu.vector_load %arg12[%swap3A_241, %swap3A_242] {strides = array<i32>} : memref<32x64xf32, #tpu.memory_space<vmem>>, vector<16xf32>,
      tpu.vector_store %arg12[%swap3A_241, %swap3A_242], %while3A#7 {strides = array<i32>} : memref<32x64xf32, #tpu.memory_space<vmem>>, vector<16xf32>,
      %swap3A_244 = arith.index_cast %scan3A_188 : i32 to index
      %swap3A_245 = arith.constant 48 : index
      %swap3A_246 = tpu.vector_load %arg12[%swap3A_244, %swap3A_245] {strides = array<i32>} : memref<32x64xf32, #tpu.memory_space<vmem>>, vector<16xf32>,
      tpu.vector_store %arg12[%swap3A_244, %swap3A_245], %while3A#8 {strides = array<i32>} : memref<32x64xf32, #tpu.memory_space<vmem>>, vector<16xf32>,
      %mul3A_247 = arith.constant 16 : i32
      %mul3A_248 = arith.muli %scan3A_188, %mul3A_247 : i32
      %swap3A_249 = arith.index_cast %mul3A_248 : i32 to index
      %swap3A_250 = tpu.vector_load %arg13[%swap3A_249] {strides = array<i32>} : memref<512xi32, #tpu.memory_space<vmem>>, vector<16xi32>,
      tpu.vector_store %arg13[%swap3A_249], %add3A_221 {strides = array<i32>} : memref<512xi32, #tpu.memory_space<vmem>>, vector<16xi32>,
      %scan3A_251 = arith.constant 0 : i32
      scf.yield %scan3A_251 : i32
    }
    %scan3A_125 = arith.constant 32 : i32
    %dma_start3A_126 = arith.constant 196608 : i32
    %dma_start3A_127 = tpu.memref_slice %arg3[%dma_start3A_126] : memref<262144xf32, #tpu.memory_space<hbm>> -> memref<32768xf32, #tpu.memory_space<hbm>>
    %dma_start3A_128 = arith.constant 196608 : i32
    %dma_start3A_129 = tpu.memref_slice %arg3[%dma_start3A_128] : memref<262144xf32, #tpu.memory_space<hbm>> -> memref<32768xf32, #tpu.memory_space<hbm>>
    tpu.enqueue_dma source(%dma_start3A_129 : memref<32768xf32, #tpu.memory_space<hbm>>) target(%arg6 : memref<32768xf32, #tpu.memory_space<vmem>>) target_semaphore(%arg14 : memref<!tpu.dma_semaphore, #tpu.memory_space<semaphore_mem>>)
    %dma_start3A_130 = arith.constant 1536 : i32
    %dma_start3A_131 = tpu.memref_slice %arg2[%mul3A_2, %dma_start3A_130] : memref<2048x2048xf32, #tpu.memory_space<hbm>> -> memref<32x256xf32, #tpu.memory_space<hbm>>
    %dma_start3A_132 = arith.constant 1536 : i32
    %dma_start3A_133 = tpu.memref_slice %arg2[%mul3A_2, %dma_start3A_132] : memref<2048x2048xf32, #tpu.memory_space<hbm>> -> memref<32x256xf32, #tpu.memory_space<hbm>>
    tpu.enqueue_dma source(%dma_start3A_133 : memref<32x256xf32, #tpu.memory_space<hbm>>) target(%arg8 : memref<32x256xf32, #tpu.memory_space<vmem>>) target_semaphore(%arg14 : memref<!tpu.dma_semaphore, #tpu.memory_space<semaphore_mem>>)
    %dma_wait3A_134 = arith.constant 163840 : i32
    %dma_wait3A_135 = tpu.memref_slice %arg3[%dma_wait3A_134] : memref<262144xf32, #tpu.memory_space<hbm>> -> memref<32768xf32, #tpu.memory_space<hbm>>
    %dma_wait3A_136 = arith.constant 163840 : i32
    %dma_wait3A_137 = tpu.memref_slice %arg3[%dma_wait3A_136] : memref<262144xf32, #tpu.memory_space<hbm>> -> memref<32768xf32, #tpu.memory_space<hbm>>
    tpu.wait_dma2 semaphore(%arg15 : memref<!tpu.dma_semaphore, #tpu.memory_space<semaphore_mem>>) src(%dma_wait3A_137 : memref<32768xf32, #tpu.memory_space<hbm>>) dst(%arg7 : memref<32768xf32, #tpu.memory_space<vmem>>)
    %dma_wait3A_138 = arith.constant 1280 : i32
    %dma_wait3A_139 = tpu.memref_slice %arg2[%mul3A_2, %dma_wait3A_138] : memref<2048x2048xf32, #tpu.memory_space<hbm>> -> memref<32x256xf32, #tpu.memory_space<hbm>>
    %dma_wait3A_140 = arith.constant 1280 : i32
    %dma_wait3A_141 = tpu.memref_slice %arg2[%mul3A_2, %dma_wait3A_140] : memref<2048x2048xf32, #tpu.memory_space<hbm>> -> memref<32x256xf32, #tpu.memory_space<hbm>>
    tpu.wait_dma2 semaphore(%arg15 : memref<!tpu.dma_semaphore, #tpu.memory_space<semaphore_mem>>) src(%dma_wait3A_141 : memref<32x256xf32, #tpu.memory_space<hbm>>) dst(%arg9 : memref<32x256xf32, #tpu.memory_space<vmem>>)
    %scan3A_142 = arith.constant 0 : i32
    %scan3A_143 = arith.constant 0 : i32
    %scan3A_144 = arith.constant 32 : i32
    %scan3A_145 = arith.addi %scan3A_143, %scan3A_144 : i32
    %scan3A_146 = arith.constant 1 : i32
    %scan3A_147 = scf.for %scan3A_188 = %scan3A_143 to %scan3A_145 step %scan3A_146 iter_args(%scan3A_189 = %scan3A_142) -> (i32)  : i32 {
      %broadcast_in_dim3A_190 = vector.broadcast %scan3A_188 : i32 to vector<16xi32>
      %get3A = arith.index_cast %scan3A_188 : i32 to index
      %get3A_191 = arith.constant 0 : index
      %get3A_192 = tpu.vector_load %arg11[%get3A, %get3A_191] {strides = array<i32>} : memref<32x64xf32, #tpu.memory_space<vmem>>, vector<16xf32>,
      %get3A_193 = arith.index_cast %scan3A_188 : i32 to index
      %get3A_194 = arith.constant 16 : index
      %get3A_195 = tpu.vector_load %arg11[%get3A_193, %get3A_194] {strides = array<i32>} : memref<32x64xf32, #tpu.memory_space<vmem>>, vector<16xf32>,
      %get3A_196 = arith.index_cast %scan3A_188 : i32 to index
      %get3A_197 = arith.constant 32 : index
      %get3A_198 = tpu.vector_load %arg11[%get3A_196, %get3A_197] {strides = array<i32>} : memref<32x64xf32, #tpu.memory_space<vmem>>, vector<16xf32>,
      %get3A_199 = arith.index_cast %scan3A_188 : i32 to index
      %get3A_200 = arith.constant 48 : index
      %get3A_201 = tpu.vector_load %arg11[%get3A_199, %get3A_200] {strides = array<i32>} : memref<32x64xf32, #tpu.memory_space<vmem>>, vector<16xf32>,
      %get3A_202 = arith.index_cast %scan3A_188 : i32 to index
      %get3A_203 = arith.constant 0 : index
      %get3A_204 = tpu.vector_load %arg12[%get3A_202, %get3A_203] {strides = array<i32>} : memref<32x64xf32, #tpu.memory_space<vmem>>, vector<16xf32>,
      %get3A_205 = arith.index_cast %scan3A_188 : i32 to index
      %get3A_206 = arith.constant 16 : index
      %get3A_207 = tpu.vector_load %arg12[%get3A_205, %get3A_206] {strides = array<i32>} : memref<32x64xf32, #tpu.memory_space<vmem>>, vector<16xf32>,
      %get3A_208 = arith.index_cast %scan3A_188 : i32 to index
      %get3A_209 = arith.constant 32 : index
      %get3A_210 = tpu.vector_load %arg12[%get3A_208, %get3A_209] {strides = array<i32>} : memref<32x64xf32, #tpu.memory_space<vmem>>, vector<16xf32>,
      %get3A_211 = arith.index_cast %scan3A_188 : i32 to index
      %get3A_212 = arith.constant 48 : index
      %get3A_213 = tpu.vector_load %arg12[%get3A_211, %get3A_212] {strides = array<i32>} : memref<32x64xf32, #tpu.memory_space<vmem>>, vector<16xf32>,
      %mul3A_214 = arith.constant 16 : i32
      %mul3A_215 = arith.muli %scan3A_188, %mul3A_214 : i32
      %get3A_216 = arith.index_cast %mul3A_215 : i32 to index
      %get3A_217 = tpu.vector_load %arg13[%get3A_216] {strides = array<i32>} : memref<512xi32, #tpu.memory_space<vmem>>, vector<16xi32>,
      %get3A_218 = arith.index_cast %scan3A_188 : i32 to index
      %get3A_219 = arith.constant 80 : index
      %get3A_220 = tpu.vector_load %arg10[%get3A_218, %get3A_219] {strides = array<i32>} : memref<32x128xi32, #tpu.memory_space<vmem>>, vector<16xi32>,
      %add3A_221 = arith.addi %get3A_217, %get3A_220 : vector<16xi32>
      %gt3A = arith.constant 0 : i32
      %gt3A_222 = vector.broadcast %gt3A : i32 to vector<16xi32>
      %gt3A_223 = arith.cmpi sgt, %get3A_220, %gt3A_222 : vector<16xi32>
      %while3A:9 = scf.while (%while3A_252 = %gt3A_223, %while3A_253 = %get3A_192, %while3A_254 = %get3A_195, %while3A_255 = %get3A_198, %while3A_256 = %get3A_201, %while3A_257 = %get3A_204, %while3A_258 = %get3A_207, %while3A_259 = %get3A_210, %while3A_260 = %get3A_213) : (vector<16xi1>, vector<16xf32>, vector<16xf32>, vector<16xf32>, vector<16xf32>, vector<16xf32>, vector<16xf32>, vector<16xf32>, vector<16xf32>) -> (vector<16xi1>, vector<16xf32>, vector<16xf32>, vector<16xf32>, vector<16xf32>, vector<16xf32>, vector<16xf32>, vector<16xf32>, vector<16xf32>) {
        %reduce_or3A = arith.constant 1.000000e+00 : f32
        %reduce_or3A_261 = arith.constant 0.000000e+00 : f32
        %reduce_or3A_262 = vector.broadcast %reduce_or3A : f32 to vector<16xf32>
        %reduce_or3A_263 = vector.broadcast %reduce_or3A_261 : f32 to vector<16xf32>
        %reduce_or3A_264 = arith.select %while3A_252, %reduce_or3A_262, %reduce_or3A_263 : vector<16xi1>, vector<16xf32>
        %reduce_or3A_265 = arith.constant true
        %reduce_or3A_266 = vector.broadcast %reduce_or3A_265 : i1 to vector<16xi1>
        %reduce_or3A_267 = tpu.scan <max>, %reduce_or3A_264 masked %reduce_or3A_266 : vector<16xf32>, vector<16xi1> -> vector<16xf32>
        %reduce_or3A_268 = vector.extract %reduce_or3A_267[15] : f32 from vector<16xf32>
        %reduce_or3A_269 = arith.constant 0.000000e+00 : f32
        %reduce_or3A_270 = arith.cmpf ogt, %reduce_or3A_268, %reduce_or3A_269 : f32
        scf.condition(%reduce_or3A_270) %while3A_252, %while3A_253, %while3A_254, %while3A_255, %while3A_256, %while3A_257, %while3A_258, %while3A_259, %while3A_260 : vector<16xi1>, vector<16xf32>, vector<16xf32>, vector<16xf32>, vector<16xf32>, vector<16xf32>, vector<16xf32>, vector<16xf32>, vector<16xf32>
      } do {
      ^bb0(%while3A_252: vector<16xi1>, %while3A_253: vector<16xf32>, %while3A_254: vector<16xf32>, %while3A_255: vector<16xf32>, %while3A_256: vector<16xf32>, %while3A_257: vector<16xf32>, %while3A_258: vector<16xf32>, %while3A_259: vector<16xf32>, %while3A_260: vector<16xf32>):
        %all_reduce_ffs3A = tpu.all_reduce %while3A_252 {dim = 0 : i64, kind = #tpu.reduction_kind<find_first_set>} : vector<16xi1> -> vector<16xi32>
        %mul3A_261 = arith.constant 16 : i32
        %mul3A_262 = vector.broadcast %mul3A_261 : i32 to vector<16xi32>
        %mul3A_263 = arith.muli %all_reduce_ffs3A, %mul3A_262 : vector<16xi32>
        %add3A_264 = arith.addi %mul3A_263, %iota3A : vector<16xi32>
        %gather3A = tpu.vector_load_idx %arg9[%broadcast_in_dim3A_190, %add3A_264] : memref<32x256xf32, #tpu.memory_space<vmem>>[vector<16xi32>, vector<16xi32>], vector<16xf32>,
        %ne3A = arith.constant 0.000000e+00 : f32
        %ne3A_265 = vector.broadcast %ne3A : f32 to vector<16xf32>
        %ne3A_266 = arith.cmpf one, %gather3A, %ne3A_265 : vector<16xf32>
        %while3A_267:9 = scf.while (%while3A_269 = %ne3A_266, %while3A_270 = %while3A_253, %while3A_271 = %while3A_254, %while3A_272 = %while3A_255, %while3A_273 = %while3A_256, %while3A_274 = %while3A_257, %while3A_275 = %while3A_258, %while3A_276 = %while3A_259, %while3A_277 = %while3A_260) : (vector<16xi1>, vector<16xf32>, vector<16xf32>, vector<16xf32>, vector<16xf32>, vector<16xf32>, vector<16xf32>, vector<16xf32>, vector<16xf32>) -> (vector<16xi1>, vector<16xf32>, vector<16xf32>, vector<16xf32>, vector<16xf32>, vector<16xf32>, vector<16xf32>, vector<16xf32>, vector<16xf32>) {
          %reduce_or3A = arith.constant 1.000000e+00 : f32
          %reduce_or3A_278 = arith.constant 0.000000e+00 : f32
          %reduce_or3A_279 = vector.broadcast %reduce_or3A : f32 to vector<16xf32>
          %reduce_or3A_280 = vector.broadcast %reduce_or3A_278 : f32 to vector<16xf32>
          %reduce_or3A_281 = arith.select %while3A_269, %reduce_or3A_279, %reduce_or3A_280 : vector<16xi1>, vector<16xf32>
          %reduce_or3A_282 = arith.constant true
          %reduce_or3A_283 = vector.broadcast %reduce_or3A_282 : i1 to vector<16xi1>
          %reduce_or3A_284 = tpu.scan <max>, %reduce_or3A_281 masked %reduce_or3A_283 : vector<16xf32>, vector<16xi1> -> vector<16xf32>
          %reduce_or3A_285 = vector.extract %reduce_or3A_284[15] : f32 from vector<16xf32>
          %reduce_or3A_286 = arith.constant 0.000000e+00 : f32
          %reduce_or3A_287 = arith.cmpf ogt, %reduce_or3A_285, %reduce_or3A_286 : f32
          scf.condition(%reduce_or3A_287) %while3A_269, %while3A_270, %while3A_271, %while3A_272, %while3A_273, %while3A_274, %while3A_275, %while3A_276, %while3A_277 : vector<16xi1>, vector<16xf32>, vector<16xf32>, vector<16xf32>, vector<16xf32>, vector<16xf32>, vector<16xf32>, vector<16xf32>, vector<16xf32>
        } do {
        ^bb0(%while3A_269: vector<16xi1>, %while3A_270: vector<16xf32>, %while3A_271: vector<16xf32>, %while3A_272: vector<16xf32>, %while3A_273: vector<16xf32>, %while3A_274: vector<16xf32>, %while3A_275: vector<16xf32>, %while3A_276: vector<16xf32>, %while3A_277: vector<16xf32>):
          %all_reduce_ffs3A_278 = tpu.all_reduce %while3A_269 {dim = 0 : i64, kind = #tpu.reduction_kind<find_first_set>} : vector<16xi1> -> vector<16xi32>
          %mul3A_279 = arith.constant 16 : i32
          %mul3A_280 = vector.broadcast %mul3A_279 : i32 to vector<16xi32>
          %mul3A_281 = arith.muli %all_reduce_ffs3A, %mul3A_280 : vector<16xi32>
          %add3A_282 = arith.addi %mul3A_281, %all_reduce_ffs3A_278 : vector<16xi32>
          %gather3A_283 = tpu.vector_load_idx %arg9[%broadcast_in_dim3A_190, %add3A_282] : memref<32x256xf32, #tpu.memory_space<vmem>>[vector<16xi32>, vector<16xi32>], vector<16xf32>,
          %mul3A_284 = arith.constant 128 : i32
          %mul3A_285 = vector.broadcast %mul3A_284 : i32 to vector<16xi32>
          %mul3A_286 = arith.muli %add3A_282, %mul3A_285 : vector<16xi32>
          %add3A_287 = arith.constant 0 : i32
          %add3A_288 = vector.broadcast %add3A_287 : i32 to vector<16xi32>
          %add3A_289 = arith.addi %mul3A_286, %add3A_288 : vector<16xi32>
          %add3A_290 = arith.addi %add3A_289, %iota3A : vector<16xi32>
          %gather3A_291 = tpu.vector_load_idx %arg7[%add3A_290] : memref<32768xf32, #tpu.memory_space<vmem>>[vector<16xi32>], vector<16xf32>,
          %mul3A_292 = arith.mulf %gather3A_283, %gather3A_291 : vector<16xf32>
          %max3A = arith.maximumf %while3A_270, %mul3A_292 : vector<16xf32>
          %add3A_293 = arith.constant 16 : i32
          %add3A_294 = vector.broadcast %add3A_293 : i32 to vector<16xi32>
          %add3A_295 = arith.addi %mul3A_286, %add3A_294 : vector<16xi32>
          %add3A_296 = arith.addi %add3A_295, %iota3A : vector<16xi32>
          %gather3A_297 = tpu.vector_load_idx %arg7[%add3A_296] : memref<32768xf32, #tpu.memory_space<vmem>>[vector<16xi32>], vector<16xf32>,
          %mul3A_298 = arith.mulf %gather3A_283, %gather3A_297 : vector<16xf32>
          %max3A_299 = arith.maximumf %while3A_271, %mul3A_298 : vector<16xf32>
          %add3A_300 = arith.constant 32 : i32
          %add3A_301 = vector.broadcast %add3A_300 : i32 to vector<16xi32>
          %add3A_302 = arith.addi %mul3A_286, %add3A_301 : vector<16xi32>
          %add3A_303 = arith.addi %add3A_302, %iota3A : vector<16xi32>
          %gather3A_304 = tpu.vector_load_idx %arg7[%add3A_303] : memref<32768xf32, #tpu.memory_space<vmem>>[vector<16xi32>], vector<16xf32>,
          %mul3A_305 = arith.mulf %gather3A_283, %gather3A_304 : vector<16xf32>
          %max3A_306 = arith.maximumf %while3A_272, %mul3A_305 : vector<16xf32>
          %add3A_307 = arith.constant 48 : i32
          %add3A_308 = vector.broadcast %add3A_307 : i32 to vector<16xi32>
          %add3A_309 = arith.addi %mul3A_286, %add3A_308 : vector<16xi32>
          %add3A_310 = arith.addi %add3A_309, %iota3A : vector<16xi32>
          %gather3A_311 = tpu.vector_load_idx %arg7[%add3A_310] : memref<32768xf32, #tpu.memory_space<vmem>>[vector<16xi32>], vector<16xf32>,
          %mul3A_312 = arith.mulf %gather3A_283, %gather3A_311 : vector<16xf32>
          %max3A_313 = arith.maximumf %while3A_273, %mul3A_312 : vector<16xf32>
          %add3A_314 = arith.constant 64 : i32
          %add3A_315 = vector.broadcast %add3A_314 : i32 to vector<16xi32>
          %add3A_316 = arith.addi %mul3A_286, %add3A_315 : vector<16xi32>
          %add3A_317 = arith.addi %add3A_316, %iota3A : vector<16xi32>
          %gather3A_318 = tpu.vector_load_idx %arg7[%add3A_317] : memref<32768xf32, #tpu.memory_space<vmem>>[vector<16xi32>], vector<16xf32>,
          %mul3A_319 = arith.mulf %gather3A_283, %gather3A_318 : vector<16xf32>
          %max3A_320 = arith.maximumf %while3A_274, %mul3A_319 : vector<16xf32>
          %add3A_321 = arith.constant 80 : i32
          %add3A_322 = vector.broadcast %add3A_321 : i32 to vector<16xi32>
          %add3A_323 = arith.addi %mul3A_286, %add3A_322 : vector<16xi32>
          %add3A_324 = arith.addi %add3A_323, %iota3A : vector<16xi32>
          %gather3A_325 = tpu.vector_load_idx %arg7[%add3A_324] : memref<32768xf32, #tpu.memory_space<vmem>>[vector<16xi32>], vector<16xf32>,
          %mul3A_326 = arith.mulf %gather3A_283, %gather3A_325 : vector<16xf32>
          %max3A_327 = arith.maximumf %while3A_275, %mul3A_326 : vector<16xf32>
          %add3A_328 = arith.constant 96 : i32
          %add3A_329 = vector.broadcast %add3A_328 : i32 to vector<16xi32>
          %add3A_330 = arith.addi %mul3A_286, %add3A_329 : vector<16xi32>
          %add3A_331 = arith.addi %add3A_330, %iota3A : vector<16xi32>
          %gather3A_332 = tpu.vector_load_idx %arg7[%add3A_331] : memref<32768xf32, #tpu.memory_space<vmem>>[vector<16xi32>], vector<16xf32>,
          %mul3A_333 = arith.mulf %gather3A_283, %gather3A_332 : vector<16xf32>
          %max3A_334 = arith.maximumf %while3A_276, %mul3A_333 : vector<16xf32>
          %add3A_335 = arith.constant 112 : i32
          %add3A_336 = vector.broadcast %add3A_335 : i32 to vector<16xi32>
          %add3A_337 = arith.addi %mul3A_286, %add3A_336 : vector<16xi32>
          %add3A_338 = arith.addi %add3A_337, %iota3A : vector<16xi32>
          %gather3A_339 = tpu.vector_load_idx %arg7[%add3A_338] : memref<32768xf32, #tpu.memory_space<vmem>>[vector<16xi32>], vector<16xf32>,
          %mul3A_340 = arith.mulf %gather3A_283, %gather3A_339 : vector<16xf32>
          %max3A_341 = arith.maximumf %while3A_277, %mul3A_340 : vector<16xf32>
          %ne3A_342 = arith.cmpi ne, %iota3A, %all_reduce_ffs3A_278 : vector<16xi32>
          %and3A_343 = arith.andi %while3A_269, %ne3A_342 : vector<16xi1>
          scf.yield %and3A_343, %max3A, %max3A_299, %max3A_306, %max3A_313, %max3A_320, %max3A_327, %max3A_334, %max3A_341 : vector<16xi1>, vector<16xf32>, vector<16xf32>, vector<16xf32>, vector<16xf32>, vector<16xf32>, vector<16xf32>, vector<16xf32>, vector<16xf32>
        }
        %ne3A_268 = arith.cmpi ne, %iota3A, %all_reduce_ffs3A : vector<16xi32>
        %and3A = arith.andi %while3A_252, %ne3A_268 : vector<16xi1>
        scf.yield %and3A, %while3A_267#1, %while3A_267#2, %while3A_267#3, %while3A_267#4, %while3A_267#5, %while3A_267#6, %while3A_267#7, %while3A_267#8 : vector<16xi1>, vector<16xf32>, vector<16xf32>, vector<16xf32>, vector<16xf32>, vector<16xf32>, vector<16xf32>, vector<16xf32>, vector<16xf32>
      }
      %swap3A = arith.index_cast %scan3A_188 : i32 to index
      %swap3A_224 = arith.constant 0 : index
      %swap3A_225 = tpu.vector_load %arg11[%swap3A, %swap3A_224] {strides = array<i32>} : memref<32x64xf32, #tpu.memory_space<vmem>>, vector<16xf32>,
      tpu.vector_store %arg11[%swap3A, %swap3A_224], %while3A#1 {strides = array<i32>} : memref<32x64xf32, #tpu.memory_space<vmem>>, vector<16xf32>,
      %swap3A_226 = arith.index_cast %scan3A_188 : i32 to index
      %swap3A_227 = arith.constant 16 : index
      %swap3A_228 = tpu.vector_load %arg11[%swap3A_226, %swap3A_227] {strides = array<i32>} : memref<32x64xf32, #tpu.memory_space<vmem>>, vector<16xf32>,
      tpu.vector_store %arg11[%swap3A_226, %swap3A_227], %while3A#2 {strides = array<i32>} : memref<32x64xf32, #tpu.memory_space<vmem>>, vector<16xf32>,
      %swap3A_229 = arith.index_cast %scan3A_188 : i32 to index
      %swap3A_230 = arith.constant 32 : index
      %swap3A_231 = tpu.vector_load %arg11[%swap3A_229, %swap3A_230] {strides = array<i32>} : memref<32x64xf32, #tpu.memory_space<vmem>>, vector<16xf32>,
      tpu.vector_store %arg11[%swap3A_229, %swap3A_230], %while3A#3 {strides = array<i32>} : memref<32x64xf32, #tpu.memory_space<vmem>>, vector<16xf32>,
      %swap3A_232 = arith.index_cast %scan3A_188 : i32 to index
      %swap3A_233 = arith.constant 48 : index
      %swap3A_234 = tpu.vector_load %arg11[%swap3A_232, %swap3A_233] {strides = array<i32>} : memref<32x64xf32, #tpu.memory_space<vmem>>, vector<16xf32>,
      tpu.vector_store %arg11[%swap3A_232, %swap3A_233], %while3A#4 {strides = array<i32>} : memref<32x64xf32, #tpu.memory_space<vmem>>, vector<16xf32>,
      %swap3A_235 = arith.index_cast %scan3A_188 : i32 to index
      %swap3A_236 = arith.constant 0 : index
      %swap3A_237 = tpu.vector_load %arg12[%swap3A_235, %swap3A_236] {strides = array<i32>} : memref<32x64xf32, #tpu.memory_space<vmem>>, vector<16xf32>,
      tpu.vector_store %arg12[%swap3A_235, %swap3A_236], %while3A#5 {strides = array<i32>} : memref<32x64xf32, #tpu.memory_space<vmem>>, vector<16xf32>,
      %swap3A_238 = arith.index_cast %scan3A_188 : i32 to index
      %swap3A_239 = arith.constant 16 : index
      %swap3A_240 = tpu.vector_load %arg12[%swap3A_238, %swap3A_239] {strides = array<i32>} : memref<32x64xf32, #tpu.memory_space<vmem>>, vector<16xf32>,
      tpu.vector_store %arg12[%swap3A_238, %swap3A_239], %while3A#6 {strides = array<i32>} : memref<32x64xf32, #tpu.memory_space<vmem>>, vector<16xf32>,
      %swap3A_241 = arith.index_cast %scan3A_188 : i32 to index
      %swap3A_242 = arith.constant 32 : index
      %swap3A_243 = tpu.vector_load %arg12[%swap3A_241, %swap3A_242] {strides = array<i32>} : memref<32x64xf32, #tpu.memory_space<vmem>>, vector<16xf32>,
      tpu.vector_store %arg12[%swap3A_241, %swap3A_242], %while3A#7 {strides = array<i32>} : memref<32x64xf32, #tpu.memory_space<vmem>>, vector<16xf32>,
      %swap3A_244 = arith.index_cast %scan3A_188 : i32 to index
      %swap3A_245 = arith.constant 48 : index
      %swap3A_246 = tpu.vector_load %arg12[%swap3A_244, %swap3A_245] {strides = array<i32>} : memref<32x64xf32, #tpu.memory_space<vmem>>, vector<16xf32>,
      tpu.vector_store %arg12[%swap3A_244, %swap3A_245], %while3A#8 {strides = array<i32>} : memref<32x64xf32, #tpu.memory_space<vmem>>, vector<16xf32>,
      %mul3A_247 = arith.constant 16 : i32
      %mul3A_248 = arith.muli %scan3A_188, %mul3A_247 : i32
      %swap3A_249 = arith.index_cast %mul3A_248 : i32 to index
      %swap3A_250 = tpu.vector_load %arg13[%swap3A_249] {strides = array<i32>} : memref<512xi32, #tpu.memory_space<vmem>>, vector<16xi32>,
      tpu.vector_store %arg13[%swap3A_249], %add3A_221 {strides = array<i32>} : memref<512xi32, #tpu.memory_space<vmem>>, vector<16xi32>,
      %scan3A_251 = arith.constant 0 : i32
      scf.yield %scan3A_251 : i32
    }
    %scan3A_148 = arith.constant 32 : i32
    %dma_start3A_149 = arith.constant 229376 : i32
    %dma_start3A_150 = tpu.memref_slice %arg3[%dma_start3A_149] : memref<262144xf32, #tpu.memory_space<hbm>> -> memref<32768xf32, #tpu.memory_space<hbm>>
    %dma_start3A_151 = arith.constant 229376 : i32
    %dma_start3A_152 = tpu.memref_slice %arg3[%dma_start3A_151] : memref<262144xf32, #tpu.memory_space<hbm>> -> memref<32768xf32, #tpu.memory_space<hbm>>
    tpu.enqueue_dma source(%dma_start3A_152 : memref<32768xf32, #tpu.memory_space<hbm>>) target(%arg7 : memref<32768xf32, #tpu.memory_space<vmem>>) target_semaphore(%arg15 : memref<!tpu.dma_semaphore, #tpu.memory_space<semaphore_mem>>)
    %dma_start3A_153 = arith.constant 1792 : i32
    %dma_start3A_154 = tpu.memref_slice %arg2[%mul3A_2, %dma_start3A_153] : memref<2048x2048xf32, #tpu.memory_space<hbm>> -> memref<32x256xf32, #tpu.memory_space<hbm>>
    %dma_start3A_155 = arith.constant 1792 : i32
    %dma_start3A_156 = tpu.memref_slice %arg2[%mul3A_2, %dma_start3A_155] : memref<2048x2048xf32, #tpu.memory_space<hbm>> -> memref<32x256xf32, #tpu.memory_space<hbm>>
    tpu.enqueue_dma source(%dma_start3A_156 : memref<32x256xf32, #tpu.memory_space<hbm>>) target(%arg9 : memref<32x256xf32, #tpu.memory_space<vmem>>) target_semaphore(%arg15 : memref<!tpu.dma_semaphore, #tpu.memory_space<semaphore_mem>>)
    %dma_wait3A_157 = arith.constant 196608 : i32
    %dma_wait3A_158 = tpu.memref_slice %arg3[%dma_wait3A_157] : memref<262144xf32, #tpu.memory_space<hbm>> -> memref<32768xf32, #tpu.memory_space<hbm>>
    %dma_wait3A_159 = arith.constant 196608 : i32
    %dma_wait3A_160 = tpu.memref_slice %arg3[%dma_wait3A_159] : memref<262144xf32, #tpu.memory_space<hbm>> -> memref<32768xf32, #tpu.memory_space<hbm>>
    tpu.wait_dma2 semaphore(%arg14 : memref<!tpu.dma_semaphore, #tpu.memory_space<semaphore_mem>>) src(%dma_wait3A_160 : memref<32768xf32, #tpu.memory_space<hbm>>) dst(%arg6 : memref<32768xf32, #tpu.memory_space<vmem>>)
    %dma_wait3A_161 = arith.constant 1536 : i32
    %dma_wait3A_162 = tpu.memref_slice %arg2[%mul3A_2, %dma_wait3A_161] : memref<2048x2048xf32, #tpu.memory_space<hbm>> -> memref<32x256xf32, #tpu.memory_space<hbm>>
    %dma_wait3A_163 = arith.constant 1536 : i32
    %dma_wait3A_164 = tpu.memref_slice %arg2[%mul3A_2, %dma_wait3A_163] : memref<2048x2048xf32, #tpu.memory_space<hbm>> -> memref<32x256xf32, #tpu.memory_space<hbm>>
    tpu.wait_dma2 semaphore(%arg14 : memref<!tpu.dma_semaphore, #tpu.memory_space<semaphore_mem>>) src(%dma_wait3A_164 : memref<32x256xf32, #tpu.memory_space<hbm>>) dst(%arg8 : memref<32x256xf32, #tpu.memory_space<vmem>>)
    %scan3A_165 = arith.constant 0 : i32
    %scan3A_166 = arith.constant 0 : i32
    %scan3A_167 = arith.constant 32 : i32
    %scan3A_168 = arith.addi %scan3A_166, %scan3A_167 : i32
    %scan3A_169 = arith.constant 1 : i32
    %scan3A_170 = scf.for %scan3A_188 = %scan3A_166 to %scan3A_168 step %scan3A_169 iter_args(%scan3A_189 = %scan3A_165) -> (i32)  : i32 {
      %broadcast_in_dim3A_190 = vector.broadcast %scan3A_188 : i32 to vector<16xi32>
      %get3A = arith.index_cast %scan3A_188 : i32 to index
      %get3A_191 = arith.constant 0 : index
      %get3A_192 = tpu.vector_load %arg11[%get3A, %get3A_191] {strides = array<i32>} : memref<32x64xf32, #tpu.memory_space<vmem>>, vector<16xf32>,
      %get3A_193 = arith.index_cast %scan3A_188 : i32 to index
      %get3A_194 = arith.constant 16 : index
      %get3A_195 = tpu.vector_load %arg11[%get3A_193, %get3A_194] {strides = array<i32>} : memref<32x64xf32, #tpu.memory_space<vmem>>, vector<16xf32>,
      %get3A_196 = arith.index_cast %scan3A_188 : i32 to index
      %get3A_197 = arith.constant 32 : index
      %get3A_198 = tpu.vector_load %arg11[%get3A_196, %get3A_197] {strides = array<i32>} : memref<32x64xf32, #tpu.memory_space<vmem>>, vector<16xf32>,
      %get3A_199 = arith.index_cast %scan3A_188 : i32 to index
      %get3A_200 = arith.constant 48 : index
      %get3A_201 = tpu.vector_load %arg11[%get3A_199, %get3A_200] {strides = array<i32>} : memref<32x64xf32, #tpu.memory_space<vmem>>, vector<16xf32>,
      %get3A_202 = arith.index_cast %scan3A_188 : i32 to index
      %get3A_203 = arith.constant 0 : index
      %get3A_204 = tpu.vector_load %arg12[%get3A_202, %get3A_203] {strides = array<i32>} : memref<32x64xf32, #tpu.memory_space<vmem>>, vector<16xf32>,
      %get3A_205 = arith.index_cast %scan3A_188 : i32 to index
      %get3A_206 = arith.constant 16 : index
      %get3A_207 = tpu.vector_load %arg12[%get3A_205, %get3A_206] {strides = array<i32>} : memref<32x64xf32, #tpu.memory_space<vmem>>, vector<16xf32>,
      %get3A_208 = arith.index_cast %scan3A_188 : i32 to index
      %get3A_209 = arith.constant 32 : index
      %get3A_210 = tpu.vector_load %arg12[%get3A_208, %get3A_209] {strides = array<i32>} : memref<32x64xf32, #tpu.memory_space<vmem>>, vector<16xf32>,
      %get3A_211 = arith.index_cast %scan3A_188 : i32 to index
      %get3A_212 = arith.constant 48 : index
      %get3A_213 = tpu.vector_load %arg12[%get3A_211, %get3A_212] {strides = array<i32>} : memref<32x64xf32, #tpu.memory_space<vmem>>, vector<16xf32>,
      %mul3A_214 = arith.constant 16 : i32
      %mul3A_215 = arith.muli %scan3A_188, %mul3A_214 : i32
      %get3A_216 = arith.index_cast %mul3A_215 : i32 to index
      %get3A_217 = tpu.vector_load %arg13[%get3A_216] {strides = array<i32>} : memref<512xi32, #tpu.memory_space<vmem>>, vector<16xi32>,
      %get3A_218 = arith.index_cast %scan3A_188 : i32 to index
      %get3A_219 = arith.constant 96 : index
      %get3A_220 = tpu.vector_load %arg10[%get3A_218, %get3A_219] {strides = array<i32>} : memref<32x128xi32, #tpu.memory_space<vmem>>, vector<16xi32>,
      %add3A_221 = arith.addi %get3A_217, %get3A_220 : vector<16xi32>
      %gt3A = arith.constant 0 : i32
      %gt3A_222 = vector.broadcast %gt3A : i32 to vector<16xi32>
      %gt3A_223 = arith.cmpi sgt, %get3A_220, %gt3A_222 : vector<16xi32>
      %while3A:9 = scf.while (%while3A_252 = %gt3A_223, %while3A_253 = %get3A_192, %while3A_254 = %get3A_195, %while3A_255 = %get3A_198, %while3A_256 = %get3A_201, %while3A_257 = %get3A_204, %while3A_258 = %get3A_207, %while3A_259 = %get3A_210, %while3A_260 = %get3A_213) : (vector<16xi1>, vector<16xf32>, vector<16xf32>, vector<16xf32>, vector<16xf32>, vector<16xf32>, vector<16xf32>, vector<16xf32>, vector<16xf32>) -> (vector<16xi1>, vector<16xf32>, vector<16xf32>, vector<16xf32>, vector<16xf32>, vector<16xf32>, vector<16xf32>, vector<16xf32>, vector<16xf32>) {
        %reduce_or3A = arith.constant 1.000000e+00 : f32
        %reduce_or3A_261 = arith.constant 0.000000e+00 : f32
        %reduce_or3A_262 = vector.broadcast %reduce_or3A : f32 to vector<16xf32>
        %reduce_or3A_263 = vector.broadcast %reduce_or3A_261 : f32 to vector<16xf32>
        %reduce_or3A_264 = arith.select %while3A_252, %reduce_or3A_262, %reduce_or3A_263 : vector<16xi1>, vector<16xf32>
        %reduce_or3A_265 = arith.constant true
        %reduce_or3A_266 = vector.broadcast %reduce_or3A_265 : i1 to vector<16xi1>
        %reduce_or3A_267 = tpu.scan <max>, %reduce_or3A_264 masked %reduce_or3A_266 : vector<16xf32>, vector<16xi1> -> vector<16xf32>
        %reduce_or3A_268 = vector.extract %reduce_or3A_267[15] : f32 from vector<16xf32>
        %reduce_or3A_269 = arith.constant 0.000000e+00 : f32
        %reduce_or3A_270 = arith.cmpf ogt, %reduce_or3A_268, %reduce_or3A_269 : f32
        scf.condition(%reduce_or3A_270) %while3A_252, %while3A_253, %while3A_254, %while3A_255, %while3A_256, %while3A_257, %while3A_258, %while3A_259, %while3A_260 : vector<16xi1>, vector<16xf32>, vector<16xf32>, vector<16xf32>, vector<16xf32>, vector<16xf32>, vector<16xf32>, vector<16xf32>, vector<16xf32>
      } do {
      ^bb0(%while3A_252: vector<16xi1>, %while3A_253: vector<16xf32>, %while3A_254: vector<16xf32>, %while3A_255: vector<16xf32>, %while3A_256: vector<16xf32>, %while3A_257: vector<16xf32>, %while3A_258: vector<16xf32>, %while3A_259: vector<16xf32>, %while3A_260: vector<16xf32>):
        %all_reduce_ffs3A = tpu.all_reduce %while3A_252 {dim = 0 : i64, kind = #tpu.reduction_kind<find_first_set>} : vector<16xi1> -> vector<16xi32>
        %mul3A_261 = arith.constant 16 : i32
        %mul3A_262 = vector.broadcast %mul3A_261 : i32 to vector<16xi32>
        %mul3A_263 = arith.muli %all_reduce_ffs3A, %mul3A_262 : vector<16xi32>
        %add3A_264 = arith.addi %mul3A_263, %iota3A : vector<16xi32>
        %gather3A = tpu.vector_load_idx %arg8[%broadcast_in_dim3A_190, %add3A_264] : memref<32x256xf32, #tpu.memory_space<vmem>>[vector<16xi32>, vector<16xi32>], vector<16xf32>,
        %ne3A = arith.constant 0.000000e+00 : f32
        %ne3A_265 = vector.broadcast %ne3A : f32 to vector<16xf32>
        %ne3A_266 = arith.cmpf one, %gather3A, %ne3A_265 : vector<16xf32>
        %while3A_267:9 = scf.while (%while3A_269 = %ne3A_266, %while3A_270 = %while3A_253, %while3A_271 = %while3A_254, %while3A_272 = %while3A_255, %while3A_273 = %while3A_256, %while3A_274 = %while3A_257, %while3A_275 = %while3A_258, %while3A_276 = %while3A_259, %while3A_277 = %while3A_260) : (vector<16xi1>, vector<16xf32>, vector<16xf32>, vector<16xf32>, vector<16xf32>, vector<16xf32>, vector<16xf32>, vector<16xf32>, vector<16xf32>) -> (vector<16xi1>, vector<16xf32>, vector<16xf32>, vector<16xf32>, vector<16xf32>, vector<16xf32>, vector<16xf32>, vector<16xf32>, vector<16xf32>) {
          %reduce_or3A = arith.constant 1.000000e+00 : f32
          %reduce_or3A_278 = arith.constant 0.000000e+00 : f32
          %reduce_or3A_279 = vector.broadcast %reduce_or3A : f32 to vector<16xf32>
          %reduce_or3A_280 = vector.broadcast %reduce_or3A_278 : f32 to vector<16xf32>
          %reduce_or3A_281 = arith.select %while3A_269, %reduce_or3A_279, %reduce_or3A_280 : vector<16xi1>, vector<16xf32>
          %reduce_or3A_282 = arith.constant true
          %reduce_or3A_283 = vector.broadcast %reduce_or3A_282 : i1 to vector<16xi1>
          %reduce_or3A_284 = tpu.scan <max>, %reduce_or3A_281 masked %reduce_or3A_283 : vector<16xf32>, vector<16xi1> -> vector<16xf32>
          %reduce_or3A_285 = vector.extract %reduce_or3A_284[15] : f32 from vector<16xf32>
          %reduce_or3A_286 = arith.constant 0.000000e+00 : f32
          %reduce_or3A_287 = arith.cmpf ogt, %reduce_or3A_285, %reduce_or3A_286 : f32
          scf.condition(%reduce_or3A_287) %while3A_269, %while3A_270, %while3A_271, %while3A_272, %while3A_273, %while3A_274, %while3A_275, %while3A_276, %while3A_277 : vector<16xi1>, vector<16xf32>, vector<16xf32>, vector<16xf32>, vector<16xf32>, vector<16xf32>, vector<16xf32>, vector<16xf32>, vector<16xf32>
        } do {
        ^bb0(%while3A_269: vector<16xi1>, %while3A_270: vector<16xf32>, %while3A_271: vector<16xf32>, %while3A_272: vector<16xf32>, %while3A_273: vector<16xf32>, %while3A_274: vector<16xf32>, %while3A_275: vector<16xf32>, %while3A_276: vector<16xf32>, %while3A_277: vector<16xf32>):
          %all_reduce_ffs3A_278 = tpu.all_reduce %while3A_269 {dim = 0 : i64, kind = #tpu.reduction_kind<find_first_set>} : vector<16xi1> -> vector<16xi32>
          %mul3A_279 = arith.constant 16 : i32
          %mul3A_280 = vector.broadcast %mul3A_279 : i32 to vector<16xi32>
          %mul3A_281 = arith.muli %all_reduce_ffs3A, %mul3A_280 : vector<16xi32>
          %add3A_282 = arith.addi %mul3A_281, %all_reduce_ffs3A_278 : vector<16xi32>
          %gather3A_283 = tpu.vector_load_idx %arg8[%broadcast_in_dim3A_190, %add3A_282] : memref<32x256xf32, #tpu.memory_space<vmem>>[vector<16xi32>, vector<16xi32>], vector<16xf32>,
          %mul3A_284 = arith.constant 128 : i32
          %mul3A_285 = vector.broadcast %mul3A_284 : i32 to vector<16xi32>
          %mul3A_286 = arith.muli %add3A_282, %mul3A_285 : vector<16xi32>
          %add3A_287 = arith.constant 0 : i32
          %add3A_288 = vector.broadcast %add3A_287 : i32 to vector<16xi32>
          %add3A_289 = arith.addi %mul3A_286, %add3A_288 : vector<16xi32>
          %add3A_290 = arith.addi %add3A_289, %iota3A : vector<16xi32>
          %gather3A_291 = tpu.vector_load_idx %arg6[%add3A_290] : memref<32768xf32, #tpu.memory_space<vmem>>[vector<16xi32>], vector<16xf32>,
          %mul3A_292 = arith.mulf %gather3A_283, %gather3A_291 : vector<16xf32>
          %max3A = arith.maximumf %while3A_270, %mul3A_292 : vector<16xf32>
          %add3A_293 = arith.constant 16 : i32
          %add3A_294 = vector.broadcast %add3A_293 : i32 to vector<16xi32>
          %add3A_295 = arith.addi %mul3A_286, %add3A_294 : vector<16xi32>
          %add3A_296 = arith.addi %add3A_295, %iota3A : vector<16xi32>
          %gather3A_297 = tpu.vector_load_idx %arg6[%add3A_296] : memref<32768xf32, #tpu.memory_space<vmem>>[vector<16xi32>], vector<16xf32>,
          %mul3A_298 = arith.mulf %gather3A_283, %gather3A_297 : vector<16xf32>
          %max3A_299 = arith.maximumf %while3A_271, %mul3A_298 : vector<16xf32>
          %add3A_300 = arith.constant 32 : i32
          %add3A_301 = vector.broadcast %add3A_300 : i32 to vector<16xi32>
          %add3A_302 = arith.addi %mul3A_286, %add3A_301 : vector<16xi32>
          %add3A_303 = arith.addi %add3A_302, %iota3A : vector<16xi32>
          %gather3A_304 = tpu.vector_load_idx %arg6[%add3A_303] : memref<32768xf32, #tpu.memory_space<vmem>>[vector<16xi32>], vector<16xf32>,
          %mul3A_305 = arith.mulf %gather3A_283, %gather3A_304 : vector<16xf32>
          %max3A_306 = arith.maximumf %while3A_272, %mul3A_305 : vector<16xf32>
          %add3A_307 = arith.constant 48 : i32
          %add3A_308 = vector.broadcast %add3A_307 : i32 to vector<16xi32>
          %add3A_309 = arith.addi %mul3A_286, %add3A_308 : vector<16xi32>
          %add3A_310 = arith.addi %add3A_309, %iota3A : vector<16xi32>
          %gather3A_311 = tpu.vector_load_idx %arg6[%add3A_310] : memref<32768xf32, #tpu.memory_space<vmem>>[vector<16xi32>], vector<16xf32>,
          %mul3A_312 = arith.mulf %gather3A_283, %gather3A_311 : vector<16xf32>
          %max3A_313 = arith.maximumf %while3A_273, %mul3A_312 : vector<16xf32>
          %add3A_314 = arith.constant 64 : i32
          %add3A_315 = vector.broadcast %add3A_314 : i32 to vector<16xi32>
          %add3A_316 = arith.addi %mul3A_286, %add3A_315 : vector<16xi32>
          %add3A_317 = arith.addi %add3A_316, %iota3A : vector<16xi32>
          %gather3A_318 = tpu.vector_load_idx %arg6[%add3A_317] : memref<32768xf32, #tpu.memory_space<vmem>>[vector<16xi32>], vector<16xf32>,
          %mul3A_319 = arith.mulf %gather3A_283, %gather3A_318 : vector<16xf32>
          %max3A_320 = arith.maximumf %while3A_274, %mul3A_319 : vector<16xf32>
          %add3A_321 = arith.constant 80 : i32
          %add3A_322 = vector.broadcast %add3A_321 : i32 to vector<16xi32>
          %add3A_323 = arith.addi %mul3A_286, %add3A_322 : vector<16xi32>
          %add3A_324 = arith.addi %add3A_323, %iota3A : vector<16xi32>
          %gather3A_325 = tpu.vector_load_idx %arg6[%add3A_324] : memref<32768xf32, #tpu.memory_space<vmem>>[vector<16xi32>], vector<16xf32>,
          %mul3A_326 = arith.mulf %gather3A_283, %gather3A_325 : vector<16xf32>
          %max3A_327 = arith.maximumf %while3A_275, %mul3A_326 : vector<16xf32>
          %add3A_328 = arith.constant 96 : i32
          %add3A_329 = vector.broadcast %add3A_328 : i32 to vector<16xi32>
          %add3A_330 = arith.addi %mul3A_286, %add3A_329 : vector<16xi32>
          %add3A_331 = arith.addi %add3A_330, %iota3A : vector<16xi32>
          %gather3A_332 = tpu.vector_load_idx %arg6[%add3A_331] : memref<32768xf32, #tpu.memory_space<vmem>>[vector<16xi32>], vector<16xf32>,
          %mul3A_333 = arith.mulf %gather3A_283, %gather3A_332 : vector<16xf32>
          %max3A_334 = arith.maximumf %while3A_276, %mul3A_333 : vector<16xf32>
          %add3A_335 = arith.constant 112 : i32
          %add3A_336 = vector.broadcast %add3A_335 : i32 to vector<16xi32>
          %add3A_337 = arith.addi %mul3A_286, %add3A_336 : vector<16xi32>
          %add3A_338 = arith.addi %add3A_337, %iota3A : vector<16xi32>
          %gather3A_339 = tpu.vector_load_idx %arg6[%add3A_338] : memref<32768xf32, #tpu.memory_space<vmem>>[vector<16xi32>], vector<16xf32>,
          %mul3A_340 = arith.mulf %gather3A_283, %gather3A_339 : vector<16xf32>
          %max3A_341 = arith.maximumf %while3A_277, %mul3A_340 : vector<16xf32>
          %ne3A_342 = arith.cmpi ne, %iota3A, %all_reduce_ffs3A_278 : vector<16xi32>
          %and3A_343 = arith.andi %while3A_269, %ne3A_342 : vector<16xi1>
          scf.yield %and3A_343, %max3A, %max3A_299, %max3A_306, %max3A_313, %max3A_320, %max3A_327, %max3A_334, %max3A_341 : vector<16xi1>, vector<16xf32>, vector<16xf32>, vector<16xf32>, vector<16xf32>, vector<16xf32>, vector<16xf32>, vector<16xf32>, vector<16xf32>
        }
        %ne3A_268 = arith.cmpi ne, %iota3A, %all_reduce_ffs3A : vector<16xi32>
        %and3A = arith.andi %while3A_252, %ne3A_268 : vector<16xi1>
        scf.yield %and3A, %while3A_267#1, %while3A_267#2, %while3A_267#3, %while3A_267#4, %while3A_267#5, %while3A_267#6, %while3A_267#7, %while3A_267#8 : vector<16xi1>, vector<16xf32>, vector<16xf32>, vector<16xf32>, vector<16xf32>, vector<16xf32>, vector<16xf32>, vector<16xf32>, vector<16xf32>
      }
      %swap3A = arith.index_cast %scan3A_188 : i32 to index
      %swap3A_224 = arith.constant 0 : index
      %swap3A_225 = tpu.vector_load %arg11[%swap3A, %swap3A_224] {strides = array<i32>} : memref<32x64xf32, #tpu.memory_space<vmem>>, vector<16xf32>,
      tpu.vector_store %arg11[%swap3A, %swap3A_224], %while3A#1 {strides = array<i32>} : memref<32x64xf32, #tpu.memory_space<vmem>>, vector<16xf32>,
      %swap3A_226 = arith.index_cast %scan3A_188 : i32 to index
      %swap3A_227 = arith.constant 16 : index
      %swap3A_228 = tpu.vector_load %arg11[%swap3A_226, %swap3A_227] {strides = array<i32>} : memref<32x64xf32, #tpu.memory_space<vmem>>, vector<16xf32>,
      tpu.vector_store %arg11[%swap3A_226, %swap3A_227], %while3A#2 {strides = array<i32>} : memref<32x64xf32, #tpu.memory_space<vmem>>, vector<16xf32>,
      %swap3A_229 = arith.index_cast %scan3A_188 : i32 to index
      %swap3A_230 = arith.constant 32 : index
      %swap3A_231 = tpu.vector_load %arg11[%swap3A_229, %swap3A_230] {strides = array<i32>} : memref<32x64xf32, #tpu.memory_space<vmem>>, vector<16xf32>,
      tpu.vector_store %arg11[%swap3A_229, %swap3A_230], %while3A#3 {strides = array<i32>} : memref<32x64xf32, #tpu.memory_space<vmem>>, vector<16xf32>,
      %swap3A_232 = arith.index_cast %scan3A_188 : i32 to index
      %swap3A_233 = arith.constant 48 : index
      %swap3A_234 = tpu.vector_load %arg11[%swap3A_232, %swap3A_233] {strides = array<i32>} : memref<32x64xf32, #tpu.memory_space<vmem>>, vector<16xf32>,
      tpu.vector_store %arg11[%swap3A_232, %swap3A_233], %while3A#4 {strides = array<i32>} : memref<32x64xf32, #tpu.memory_space<vmem>>, vector<16xf32>,
      %swap3A_235 = arith.index_cast %scan3A_188 : i32 to index
      %swap3A_236 = arith.constant 0 : index
      %swap3A_237 = tpu.vector_load %arg12[%swap3A_235, %swap3A_236] {strides = array<i32>} : memref<32x64xf32, #tpu.memory_space<vmem>>, vector<16xf32>,
      tpu.vector_store %arg12[%swap3A_235, %swap3A_236], %while3A#5 {strides = array<i32>} : memref<32x64xf32, #tpu.memory_space<vmem>>, vector<16xf32>,
      %swap3A_238 = arith.index_cast %scan3A_188 : i32 to index
      %swap3A_239 = arith.constant 16 : index
      %swap3A_240 = tpu.vector_load %arg12[%swap3A_238, %swap3A_239] {strides = array<i32>} : memref<32x64xf32, #tpu.memory_space<vmem>>, vector<16xf32>,
      tpu.vector_store %arg12[%swap3A_238, %swap3A_239], %while3A#6 {strides = array<i32>} : memref<32x64xf32, #tpu.memory_space<vmem>>, vector<16xf32>,
      %swap3A_241 = arith.index_cast %scan3A_188 : i32 to index
      %swap3A_242 = arith.constant 32 : index
      %swap3A_243 = tpu.vector_load %arg12[%swap3A_241, %swap3A_242] {strides = array<i32>} : memref<32x64xf32, #tpu.memory_space<vmem>>, vector<16xf32>,
      tpu.vector_store %arg12[%swap3A_241, %swap3A_242], %while3A#7 {strides = array<i32>} : memref<32x64xf32, #tpu.memory_space<vmem>>, vector<16xf32>,
      %swap3A_244 = arith.index_cast %scan3A_188 : i32 to index
      %swap3A_245 = arith.constant 48 : index
      %swap3A_246 = tpu.vector_load %arg12[%swap3A_244, %swap3A_245] {strides = array<i32>} : memref<32x64xf32, #tpu.memory_space<vmem>>, vector<16xf32>,
      tpu.vector_store %arg12[%swap3A_244, %swap3A_245], %while3A#8 {strides = array<i32>} : memref<32x64xf32, #tpu.memory_space<vmem>>, vector<16xf32>,
      %mul3A_247 = arith.constant 16 : i32
      %mul3A_248 = arith.muli %scan3A_188, %mul3A_247 : i32
      %swap3A_249 = arith.index_cast %mul3A_248 : i32 to index
      %swap3A_250 = tpu.vector_load %arg13[%swap3A_249] {strides = array<i32>} : memref<512xi32, #tpu.memory_space<vmem>>, vector<16xi32>,
      tpu.vector_store %arg13[%swap3A_249], %add3A_221 {strides = array<i32>} : memref<512xi32, #tpu.memory_space<vmem>>, vector<16xi32>,
      %scan3A_251 = arith.constant 0 : i32
      scf.yield %scan3A_251 : i32
    }
    %scan3A_171 = arith.constant 32 : i32
    %dma_wait3A_172 = arith.constant 229376 : i32
    %dma_wait3A_173 = tpu.memref_slice %arg3[%dma_wait3A_172] : memref<262144xf32, #tpu.memory_space<hbm>> -> memref<32768xf32, #tpu.memory_space<hbm>>
    %dma_wait3A_174 = arith.constant 229376 : i32
    %dma_wait3A_175 = tpu.memref_slice %arg3[%dma_wait3A_174] : memref<262144xf32, #tpu.memory_space<hbm>> -> memref<32768xf32, #tpu.memory_space<hbm>>
    tpu.wait_dma2 semaphore(%arg15 : memref<!tpu.dma_semaphore, #tpu.memory_space<semaphore_mem>>) src(%dma_wait3A_175 : memref<32768xf32, #tpu.memory_space<hbm>>) dst(%arg7 : memref<32768xf32, #tpu.memory_space<vmem>>)
    %dma_wait3A_176 = arith.constant 1792 : i32
    %dma_wait3A_177 = tpu.memref_slice %arg2[%mul3A_2, %dma_wait3A_176] : memref<2048x2048xf32, #tpu.memory_space<hbm>> -> memref<32x256xf32, #tpu.memory_space<hbm>>
    %dma_wait3A_178 = arith.constant 1792 : i32
    %dma_wait3A_179 = tpu.memref_slice %arg2[%mul3A_2, %dma_wait3A_178] : memref<2048x2048xf32, #tpu.memory_space<hbm>> -> memref<32x256xf32, #tpu.memory_space<hbm>>
    tpu.wait_dma2 semaphore(%arg15 : memref<!tpu.dma_semaphore, #tpu.memory_space<semaphore_mem>>) src(%dma_wait3A_179 : memref<32x256xf32, #tpu.memory_space<hbm>>) dst(%arg9 : memref<32x256xf32, #tpu.memory_space<vmem>>)
    %scan3A_180 = arith.constant 0 : i32
    %scan3A_181 = arith.constant 0 : i32
    %scan3A_182 = arith.constant 32 : i32
    %scan3A_183 = arith.addi %scan3A_181, %scan3A_182 : i32
    %scan3A_184 = arith.constant 1 : i32
    %scan3A_185 = scf.for %scan3A_188 = %scan3A_181 to %scan3A_183 step %scan3A_184 iter_args(%scan3A_189 = %scan3A_180) -> (i32)  : i32 {
      %broadcast_in_dim3A_190 = vector.broadcast %scan3A_188 : i32 to vector<16xi32>
      %get3A = arith.index_cast %scan3A_188 : i32 to index
      %get3A_191 = arith.constant 0 : index
      %get3A_192 = tpu.vector_load %arg11[%get3A, %get3A_191] {strides = array<i32>} : memref<32x64xf32, #tpu.memory_space<vmem>>, vector<16xf32>,
      %get3A_193 = arith.index_cast %scan3A_188 : i32 to index
      %get3A_194 = arith.constant 16 : index
      %get3A_195 = tpu.vector_load %arg11[%get3A_193, %get3A_194] {strides = array<i32>} : memref<32x64xf32, #tpu.memory_space<vmem>>, vector<16xf32>,
      %get3A_196 = arith.index_cast %scan3A_188 : i32 to index
      %get3A_197 = arith.constant 32 : index
      %get3A_198 = tpu.vector_load %arg11[%get3A_196, %get3A_197] {strides = array<i32>} : memref<32x64xf32, #tpu.memory_space<vmem>>, vector<16xf32>,
      %get3A_199 = arith.index_cast %scan3A_188 : i32 to index
      %get3A_200 = arith.constant 48 : index
      %get3A_201 = tpu.vector_load %arg11[%get3A_199, %get3A_200] {strides = array<i32>} : memref<32x64xf32, #tpu.memory_space<vmem>>, vector<16xf32>,
      %get3A_202 = arith.index_cast %scan3A_188 : i32 to index
      %get3A_203 = arith.constant 0 : index
      %get3A_204 = tpu.vector_load %arg12[%get3A_202, %get3A_203] {strides = array<i32>} : memref<32x64xf32, #tpu.memory_space<vmem>>, vector<16xf32>,
      %get3A_205 = arith.index_cast %scan3A_188 : i32 to index
      %get3A_206 = arith.constant 16 : index
      %get3A_207 = tpu.vector_load %arg12[%get3A_205, %get3A_206] {strides = array<i32>} : memref<32x64xf32, #tpu.memory_space<vmem>>, vector<16xf32>,
      %get3A_208 = arith.index_cast %scan3A_188 : i32 to index
      %get3A_209 = arith.constant 32 : index
      %get3A_210 = tpu.vector_load %arg12[%get3A_208, %get3A_209] {strides = array<i32>} : memref<32x64xf32, #tpu.memory_space<vmem>>, vector<16xf32>,
      %get3A_211 = arith.index_cast %scan3A_188 : i32 to index
      %get3A_212 = arith.constant 48 : index
      %get3A_213 = tpu.vector_load %arg12[%get3A_211, %get3A_212] {strides = array<i32>} : memref<32x64xf32, #tpu.memory_space<vmem>>, vector<16xf32>,
      %mul3A_214 = arith.constant 16 : i32
      %mul3A_215 = arith.muli %scan3A_188, %mul3A_214 : i32
      %get3A_216 = arith.index_cast %mul3A_215 : i32 to index
      %get3A_217 = tpu.vector_load %arg13[%get3A_216] {strides = array<i32>} : memref<512xi32, #tpu.memory_space<vmem>>, vector<16xi32>,
      %get3A_218 = arith.index_cast %scan3A_188 : i32 to index
      %get3A_219 = arith.constant 112 : index
      %get3A_220 = tpu.vector_load %arg10[%get3A_218, %get3A_219] {strides = array<i32>} : memref<32x128xi32, #tpu.memory_space<vmem>>, vector<16xi32>,
      %add3A_221 = arith.addi %get3A_217, %get3A_220 : vector<16xi32>
      %gt3A = arith.constant 0 : i32
      %gt3A_222 = vector.broadcast %gt3A : i32 to vector<16xi32>
      %gt3A_223 = arith.cmpi sgt, %get3A_220, %gt3A_222 : vector<16xi32>
      %while3A:9 = scf.while (%while3A_282 = %gt3A_223, %while3A_283 = %get3A_192, %while3A_284 = %get3A_195, %while3A_285 = %get3A_198, %while3A_286 = %get3A_201, %while3A_287 = %get3A_204, %while3A_288 = %get3A_207, %while3A_289 = %get3A_210, %while3A_290 = %get3A_213) : (vector<16xi1>, vector<16xf32>, vector<16xf32>, vector<16xf32>, vector<16xf32>, vector<16xf32>, vector<16xf32>, vector<16xf32>, vector<16xf32>) -> (vector<16xi1>, vector<16xf32>, vector<16xf32>, vector<16xf32>, vector<16xf32>, vector<16xf32>, vector<16xf32>, vector<16xf32>, vector<16xf32>) {
        %reduce_or3A = arith.constant 1.000000e+00 : f32
        %reduce_or3A_291 = arith.constant 0.000000e+00 : f32
        %reduce_or3A_292 = vector.broadcast %reduce_or3A : f32 to vector<16xf32>
        %reduce_or3A_293 = vector.broadcast %reduce_or3A_291 : f32 to vector<16xf32>
        %reduce_or3A_294 = arith.select %while3A_282, %reduce_or3A_292, %reduce_or3A_293 : vector<16xi1>, vector<16xf32>
        %reduce_or3A_295 = arith.constant true
        %reduce_or3A_296 = vector.broadcast %reduce_or3A_295 : i1 to vector<16xi1>
        %reduce_or3A_297 = tpu.scan <max>, %reduce_or3A_294 masked %reduce_or3A_296 : vector<16xf32>, vector<16xi1> -> vector<16xf32>
        %reduce_or3A_298 = vector.extract %reduce_or3A_297[15] : f32 from vector<16xf32>
        %reduce_or3A_299 = arith.constant 0.000000e+00 : f32
        %reduce_or3A_300 = arith.cmpf ogt, %reduce_or3A_298, %reduce_or3A_299 : f32
        scf.condition(%reduce_or3A_300) %while3A_282, %while3A_283, %while3A_284, %while3A_285, %while3A_286, %while3A_287, %while3A_288, %while3A_289, %while3A_290 : vector<16xi1>, vector<16xf32>, vector<16xf32>, vector<16xf32>, vector<16xf32>, vector<16xf32>, vector<16xf32>, vector<16xf32>, vector<16xf32>
      } do {
      ^bb0(%while3A_282: vector<16xi1>, %while3A_283: vector<16xf32>, %while3A_284: vector<16xf32>, %while3A_285: vector<16xf32>, %while3A_286: vector<16xf32>, %while3A_287: vector<16xf32>, %while3A_288: vector<16xf32>, %while3A_289: vector<16xf32>, %while3A_290: vector<16xf32>):
        %all_reduce_ffs3A = tpu.all_reduce %while3A_282 {dim = 0 : i64, kind = #tpu.reduction_kind<find_first_set>} : vector<16xi1> -> vector<16xi32>
        %mul3A_291 = arith.constant 16 : i32
        %mul3A_292 = vector.broadcast %mul3A_291 : i32 to vector<16xi32>
        %mul3A_293 = arith.muli %all_reduce_ffs3A, %mul3A_292 : vector<16xi32>
        %add3A_294 = arith.addi %mul3A_293, %iota3A : vector<16xi32>
        %gather3A = tpu.vector_load_idx %arg9[%broadcast_in_dim3A_190, %add3A_294] : memref<32x256xf32, #tpu.memory_space<vmem>>[vector<16xi32>, vector<16xi32>], vector<16xf32>,
        %ne3A = arith.constant 0.000000e+00 : f32
        %ne3A_295 = vector.broadcast %ne3A : f32 to vector<16xf32>
        %ne3A_296 = arith.cmpf one, %gather3A, %ne3A_295 : vector<16xf32>
        %while3A_297:9 = scf.while (%while3A_299 = %ne3A_296, %while3A_300 = %while3A_283, %while3A_301 = %while3A_284, %while3A_302 = %while3A_285, %while3A_303 = %while3A_286, %while3A_304 = %while3A_287, %while3A_305 = %while3A_288, %while3A_306 = %while3A_289, %while3A_307 = %while3A_290) : (vector<16xi1>, vector<16xf32>, vector<16xf32>, vector<16xf32>, vector<16xf32>, vector<16xf32>, vector<16xf32>, vector<16xf32>, vector<16xf32>) -> (vector<16xi1>, vector<16xf32>, vector<16xf32>, vector<16xf32>, vector<16xf32>, vector<16xf32>, vector<16xf32>, vector<16xf32>, vector<16xf32>) {
          %reduce_or3A = arith.constant 1.000000e+00 : f32
          %reduce_or3A_308 = arith.constant 0.000000e+00 : f32
          %reduce_or3A_309 = vector.broadcast %reduce_or3A : f32 to vector<16xf32>
          %reduce_or3A_310 = vector.broadcast %reduce_or3A_308 : f32 to vector<16xf32>
          %reduce_or3A_311 = arith.select %while3A_299, %reduce_or3A_309, %reduce_or3A_310 : vector<16xi1>, vector<16xf32>
          %reduce_or3A_312 = arith.constant true
          %reduce_or3A_313 = vector.broadcast %reduce_or3A_312 : i1 to vector<16xi1>
          %reduce_or3A_314 = tpu.scan <max>, %reduce_or3A_311 masked %reduce_or3A_313 : vector<16xf32>, vector<16xi1> -> vector<16xf32>
          %reduce_or3A_315 = vector.extract %reduce_or3A_314[15] : f32 from vector<16xf32>
          %reduce_or3A_316 = arith.constant 0.000000e+00 : f32
          %reduce_or3A_317 = arith.cmpf ogt, %reduce_or3A_315, %reduce_or3A_316 : f32
          scf.condition(%reduce_or3A_317) %while3A_299, %while3A_300, %while3A_301, %while3A_302, %while3A_303, %while3A_304, %while3A_305, %while3A_306, %while3A_307 : vector<16xi1>, vector<16xf32>, vector<16xf32>, vector<16xf32>, vector<16xf32>, vector<16xf32>, vector<16xf32>, vector<16xf32>, vector<16xf32>
        } do {
        ^bb0(%while3A_299: vector<16xi1>, %while3A_300: vector<16xf32>, %while3A_301: vector<16xf32>, %while3A_302: vector<16xf32>, %while3A_303: vector<16xf32>, %while3A_304: vector<16xf32>, %while3A_305: vector<16xf32>, %while3A_306: vector<16xf32>, %while3A_307: vector<16xf32>):
          %all_reduce_ffs3A_308 = tpu.all_reduce %while3A_299 {dim = 0 : i64, kind = #tpu.reduction_kind<find_first_set>} : vector<16xi1> -> vector<16xi32>
          %mul3A_309 = arith.constant 16 : i32
          %mul3A_310 = vector.broadcast %mul3A_309 : i32 to vector<16xi32>
          %mul3A_311 = arith.muli %all_reduce_ffs3A, %mul3A_310 : vector<16xi32>
          %add3A_312 = arith.addi %mul3A_311, %all_reduce_ffs3A_308 : vector<16xi32>
          %gather3A_313 = tpu.vector_load_idx %arg9[%broadcast_in_dim3A_190, %add3A_312] : memref<32x256xf32, #tpu.memory_space<vmem>>[vector<16xi32>, vector<16xi32>], vector<16xf32>,
          %mul3A_314 = arith.constant 128 : i32
          %mul3A_315 = vector.broadcast %mul3A_314 : i32 to vector<16xi32>
          %mul3A_316 = arith.muli %add3A_312, %mul3A_315 : vector<16xi32>
          %add3A_317 = arith.constant 0 : i32
          %add3A_318 = vector.broadcast %add3A_317 : i32 to vector<16xi32>
          %add3A_319 = arith.addi %mul3A_316, %add3A_318 : vector<16xi32>
          %add3A_320 = arith.addi %add3A_319, %iota3A : vector<16xi32>
          %gather3A_321 = tpu.vector_load_idx %arg7[%add3A_320] : memref<32768xf32, #tpu.memory_space<vmem>>[vector<16xi32>], vector<16xf32>,
          %mul3A_322 = arith.mulf %gather3A_313, %gather3A_321 : vector<16xf32>
          %max3A_323 = arith.maximumf %while3A_300, %mul3A_322 : vector<16xf32>
          %add3A_324 = arith.constant 16 : i32
          %add3A_325 = vector.broadcast %add3A_324 : i32 to vector<16xi32>
          %add3A_326 = arith.addi %mul3A_316, %add3A_325 : vector<16xi32>
          %add3A_327 = arith.addi %add3A_326, %iota3A : vector<16xi32>
          %gather3A_328 = tpu.vector_load_idx %arg7[%add3A_327] : memref<32768xf32, #tpu.memory_space<vmem>>[vector<16xi32>], vector<16xf32>,
          %mul3A_329 = arith.mulf %gather3A_313, %gather3A_328 : vector<16xf32>
          %max3A_330 = arith.maximumf %while3A_301, %mul3A_329 : vector<16xf32>
          %add3A_331 = arith.constant 32 : i32
          %add3A_332 = vector.broadcast %add3A_331 : i32 to vector<16xi32>
          %add3A_333 = arith.addi %mul3A_316, %add3A_332 : vector<16xi32>
          %add3A_334 = arith.addi %add3A_333, %iota3A : vector<16xi32>
          %gather3A_335 = tpu.vector_load_idx %arg7[%add3A_334] : memref<32768xf32, #tpu.memory_space<vmem>>[vector<16xi32>], vector<16xf32>,
          %mul3A_336 = arith.mulf %gather3A_313, %gather3A_335 : vector<16xf32>
          %max3A_337 = arith.maximumf %while3A_302, %mul3A_336 : vector<16xf32>
          %add3A_338 = arith.constant 48 : i32
          %add3A_339 = vector.broadcast %add3A_338 : i32 to vector<16xi32>
          %add3A_340 = arith.addi %mul3A_316, %add3A_339 : vector<16xi32>
          %add3A_341 = arith.addi %add3A_340, %iota3A : vector<16xi32>
          %gather3A_342 = tpu.vector_load_idx %arg7[%add3A_341] : memref<32768xf32, #tpu.memory_space<vmem>>[vector<16xi32>], vector<16xf32>,
          %mul3A_343 = arith.mulf %gather3A_313, %gather3A_342 : vector<16xf32>
          %max3A_344 = arith.maximumf %while3A_303, %mul3A_343 : vector<16xf32>
          %add3A_345 = arith.constant 64 : i32
          %add3A_346 = vector.broadcast %add3A_345 : i32 to vector<16xi32>
          %add3A_347 = arith.addi %mul3A_316, %add3A_346 : vector<16xi32>
          %add3A_348 = arith.addi %add3A_347, %iota3A : vector<16xi32>
          %gather3A_349 = tpu.vector_load_idx %arg7[%add3A_348] : memref<32768xf32, #tpu.memory_space<vmem>>[vector<16xi32>], vector<16xf32>,
          %mul3A_350 = arith.mulf %gather3A_313, %gather3A_349 : vector<16xf32>
          %max3A_351 = arith.maximumf %while3A_304, %mul3A_350 : vector<16xf32>
          %add3A_352 = arith.constant 80 : i32
          %add3A_353 = vector.broadcast %add3A_352 : i32 to vector<16xi32>
          %add3A_354 = arith.addi %mul3A_316, %add3A_353 : vector<16xi32>
          %add3A_355 = arith.addi %add3A_354, %iota3A : vector<16xi32>
          %gather3A_356 = tpu.vector_load_idx %arg7[%add3A_355] : memref<32768xf32, #tpu.memory_space<vmem>>[vector<16xi32>], vector<16xf32>,
          %mul3A_357 = arith.mulf %gather3A_313, %gather3A_356 : vector<16xf32>
          %max3A_358 = arith.maximumf %while3A_305, %mul3A_357 : vector<16xf32>
          %add3A_359 = arith.constant 96 : i32
          %add3A_360 = vector.broadcast %add3A_359 : i32 to vector<16xi32>
          %add3A_361 = arith.addi %mul3A_316, %add3A_360 : vector<16xi32>
          %add3A_362 = arith.addi %add3A_361, %iota3A : vector<16xi32>
          %gather3A_363 = tpu.vector_load_idx %arg7[%add3A_362] : memref<32768xf32, #tpu.memory_space<vmem>>[vector<16xi32>], vector<16xf32>,
          %mul3A_364 = arith.mulf %gather3A_313, %gather3A_363 : vector<16xf32>
          %max3A_365 = arith.maximumf %while3A_306, %mul3A_364 : vector<16xf32>
          %add3A_366 = arith.constant 112 : i32
          %add3A_367 = vector.broadcast %add3A_366 : i32 to vector<16xi32>
          %add3A_368 = arith.addi %mul3A_316, %add3A_367 : vector<16xi32>
          %add3A_369 = arith.addi %add3A_368, %iota3A : vector<16xi32>
          %gather3A_370 = tpu.vector_load_idx %arg7[%add3A_369] : memref<32768xf32, #tpu.memory_space<vmem>>[vector<16xi32>], vector<16xf32>,
          %mul3A_371 = arith.mulf %gather3A_313, %gather3A_370 : vector<16xf32>
          %max3A_372 = arith.maximumf %while3A_307, %mul3A_371 : vector<16xf32>
          %ne3A_373 = arith.cmpi ne, %iota3A, %all_reduce_ffs3A_308 : vector<16xi32>
          %and3A_374 = arith.andi %while3A_299, %ne3A_373 : vector<16xi1>
          scf.yield %and3A_374, %max3A_323, %max3A_330, %max3A_337, %max3A_344, %max3A_351, %max3A_358, %max3A_365, %max3A_372 : vector<16xi1>, vector<16xf32>, vector<16xf32>, vector<16xf32>, vector<16xf32>, vector<16xf32>, vector<16xf32>, vector<16xf32>, vector<16xf32>
        }
        %ne3A_298 = arith.cmpi ne, %iota3A, %all_reduce_ffs3A : vector<16xi32>
        %and3A = arith.andi %while3A_282, %ne3A_298 : vector<16xi1>
        scf.yield %and3A, %while3A_297#1, %while3A_297#2, %while3A_297#3, %while3A_297#4, %while3A_297#5, %while3A_297#6, %while3A_297#7, %while3A_297#8 : vector<16xi1>, vector<16xf32>, vector<16xf32>, vector<16xf32>, vector<16xf32>, vector<16xf32>, vector<16xf32>, vector<16xf32>, vector<16xf32>
      }
      %reduce_sum3A = arith.constant true
      %reduce_sum3A_224 = vector.broadcast %reduce_sum3A : i1 to vector<16xi1>
      %reduce_sum3A_225 = tpu.scan <sum>, %add3A_221 masked %reduce_sum3A_224 : vector<16xi32>, vector<16xi1> -> vector<16xi32>
      %reduce_sum3A_226 = vector.extract %reduce_sum3A_225[15] : i32 from vector<16xi32>
      %lt3A = arith.constant 2048 : i32
      %lt3A_227 = arith.cmpi slt, %reduce_sum3A_226, %lt3A : i32
      %max3A = arith.constant 0.000000e+00 : f32
      %max3A_228 = vector.broadcast %max3A : f32 to vector<16xf32>
      %max3A_229 = arith.maximumf %while3A#1, %max3A_228 : vector<16xf32>
      %select_n3A = arith.select %lt3A_227, %max3A_229, %while3A#1 : vector<16xf32>
      %max3A_230 = arith.constant 0.000000e+00 : f32
      %max3A_231 = vector.broadcast %max3A_230 : f32 to vector<16xf32>
      %max3A_232 = arith.maximumf %while3A#2, %max3A_231 : vector<16xf32>
      %select_n3A_233 = arith.select %lt3A_227, %max3A_232, %while3A#2 : vector<16xf32>
      %max3A_234 = arith.constant 0.000000e+00 : f32
      %max3A_235 = vector.broadcast %max3A_234 : f32 to vector<16xf32>
      %max3A_236 = arith.maximumf %while3A#3, %max3A_235 : vector<16xf32>
      %select_n3A_237 = arith.select %lt3A_227, %max3A_236, %while3A#3 : vector<16xf32>
      %max3A_238 = arith.constant 0.000000e+00 : f32
      %max3A_239 = vector.broadcast %max3A_238 : f32 to vector<16xf32>
      %max3A_240 = arith.maximumf %while3A#4, %max3A_239 : vector<16xf32>
      %select_n3A_241 = arith.select %lt3A_227, %max3A_240, %while3A#4 : vector<16xf32>
      %max3A_242 = arith.constant 0.000000e+00 : f32
      %max3A_243 = vector.broadcast %max3A_242 : f32 to vector<16xf32>
      %max3A_244 = arith.maximumf %while3A#5, %max3A_243 : vector<16xf32>
      %select_n3A_245 = arith.select %lt3A_227, %max3A_244, %while3A#5 : vector<16xf32>
      %max3A_246 = arith.constant 0.000000e+00 : f32
      %max3A_247 = vector.broadcast %max3A_246 : f32 to vector<16xf32>
      %max3A_248 = arith.maximumf %while3A#6, %max3A_247 : vector<16xf32>
      %select_n3A_249 = arith.select %lt3A_227, %max3A_248, %while3A#6 : vector<16xf32>
      %max3A_250 = arith.constant 0.000000e+00 : f32
      %max3A_251 = vector.broadcast %max3A_250 : f32 to vector<16xf32>
      %max3A_252 = arith.maximumf %while3A#7, %max3A_251 : vector<16xf32>
      %select_n3A_253 = arith.select %lt3A_227, %max3A_252, %while3A#7 : vector<16xf32>
      %max3A_254 = arith.constant 0.000000e+00 : f32
      %max3A_255 = vector.broadcast %max3A_254 : f32 to vector<16xf32>
      %max3A_256 = arith.maximumf %while3A#8, %max3A_255 : vector<16xf32>
      %select_n3A_257 = arith.select %lt3A_227, %max3A_256, %while3A#8 : vector<16xf32>
      %swap3A = arith.index_cast %scan3A_188 : i32 to index
      %swap3A_258 = arith.constant 0 : index
      %swap3A_259 = tpu.vector_load %arg11[%swap3A, %swap3A_258] {strides = array<i32>} : memref<32x64xf32, #tpu.memory_space<vmem>>, vector<16xf32>,
      tpu.vector_store %arg11[%swap3A, %swap3A_258], %select_n3A {strides = array<i32>} : memref<32x64xf32, #tpu.memory_space<vmem>>, vector<16xf32>,
      %swap3A_260 = arith.index_cast %scan3A_188 : i32 to index
      %swap3A_261 = arith.constant 16 : index
      %swap3A_262 = tpu.vector_load %arg11[%swap3A_260, %swap3A_261] {strides = array<i32>} : memref<32x64xf32, #tpu.memory_space<vmem>>, vector<16xf32>,
      tpu.vector_store %arg11[%swap3A_260, %swap3A_261], %select_n3A_233 {strides = array<i32>} : memref<32x64xf32, #tpu.memory_space<vmem>>, vector<16xf32>,
      %swap3A_263 = arith.index_cast %scan3A_188 : i32 to index
      %swap3A_264 = arith.constant 32 : index
      %swap3A_265 = tpu.vector_load %arg11[%swap3A_263, %swap3A_264] {strides = array<i32>} : memref<32x64xf32, #tpu.memory_space<vmem>>, vector<16xf32>,
      tpu.vector_store %arg11[%swap3A_263, %swap3A_264], %select_n3A_237 {strides = array<i32>} : memref<32x64xf32, #tpu.memory_space<vmem>>, vector<16xf32>,
      %swap3A_266 = arith.index_cast %scan3A_188 : i32 to index
      %swap3A_267 = arith.constant 48 : index
      %swap3A_268 = tpu.vector_load %arg11[%swap3A_266, %swap3A_267] {strides = array<i32>} : memref<32x64xf32, #tpu.memory_space<vmem>>, vector<16xf32>,
      tpu.vector_store %arg11[%swap3A_266, %swap3A_267], %select_n3A_241 {strides = array<i32>} : memref<32x64xf32, #tpu.memory_space<vmem>>, vector<16xf32>,
      %swap3A_269 = arith.index_cast %scan3A_188 : i32 to index
      %swap3A_270 = arith.constant 0 : index
      %swap3A_271 = tpu.vector_load %arg12[%swap3A_269, %swap3A_270] {strides = array<i32>} : memref<32x64xf32, #tpu.memory_space<vmem>>, vector<16xf32>,
      tpu.vector_store %arg12[%swap3A_269, %swap3A_270], %select_n3A_245 {strides = array<i32>} : memref<32x64xf32, #tpu.memory_space<vmem>>, vector<16xf32>,
      %swap3A_272 = arith.index_cast %scan3A_188 : i32 to index
      %swap3A_273 = arith.constant 16 : index
      %swap3A_274 = tpu.vector_load %arg12[%swap3A_272, %swap3A_273] {strides = array<i32>} : memref<32x64xf32, #tpu.memory_space<vmem>>, vector<16xf32>,
      tpu.vector_store %arg12[%swap3A_272, %swap3A_273], %select_n3A_249 {strides = array<i32>} : memref<32x64xf32, #tpu.memory_space<vmem>>, vector<16xf32>,
      %swap3A_275 = arith.index_cast %scan3A_188 : i32 to index
      %swap3A_276 = arith.constant 32 : index
      %swap3A_277 = tpu.vector_load %arg12[%swap3A_275, %swap3A_276] {strides = array<i32>} : memref<32x64xf32, #tpu.memory_space<vmem>>, vector<16xf32>,
      tpu.vector_store %arg12[%swap3A_275, %swap3A_276], %select_n3A_253 {strides = array<i32>} : memref<32x64xf32, #tpu.memory_space<vmem>>, vector<16xf32>,
      %swap3A_278 = arith.index_cast %scan3A_188 : i32 to index
      %swap3A_279 = arith.constant 48 : index
      %swap3A_280 = tpu.vector_load %arg12[%swap3A_278, %swap3A_279] {strides = array<i32>} : memref<32x64xf32, #tpu.memory_space<vmem>>, vector<16xf32>,
      tpu.vector_store %arg12[%swap3A_278, %swap3A_279], %select_n3A_257 {strides = array<i32>} : memref<32x64xf32, #tpu.memory_space<vmem>>, vector<16xf32>,
      %scan3A_281 = arith.constant 0 : i32
      scf.yield %scan3A_281 : i32
    }
    %scan3A_186 = arith.constant 32 : i32
    %run_scoped3A = arith.constant 0 : i32
    "tpu.region"() ({
      %run_scoped3A_188 = tpu.sem_alloc : memref<!tpu.dma_semaphore, #tpu.memory_space<semaphore_mem>>
      %dma_start3A_189 = arith.constant 0 : i32
      %dma_start3A_190 = tpu.memref_slice %arg5[%run_scoped3A, %mul3A_2, %dma_start3A_189] : memref<2x1024x64xf32, #tpu.memory_space<hbm>> -> memref<1x32x64xf32, #tpu.memory_space<hbm>>
      %dma_start3A_191 = tpu.memref_squeeze %dma_start3A_190 : memref<1x32x64xf32, #tpu.memory_space<hbm>> -> memref<32x64xf32, #tpu.memory_space<hbm>>
      %dma_start3A_192 = arith.constant 0 : i32
      %dma_start3A_193 = tpu.memref_slice %arg5[%run_scoped3A, %mul3A_2, %dma_start3A_192] : memref<2x1024x64xf32, #tpu.memory_space<hbm>> -> memref<1x32x64xf32, #tpu.memory_space<hbm>>
      %dma_start3A_194 = tpu.memref_squeeze %dma_start3A_193 : memref<1x32x64xf32, #tpu.memory_space<hbm>> -> memref<32x64xf32, #tpu.memory_space<hbm>>
      tpu.enqueue_dma source(%arg11 : memref<32x64xf32, #tpu.memory_space<vmem>>) target(%dma_start3A_194 : memref<32x64xf32, #tpu.memory_space<hbm>>) target_semaphore(%run_scoped3A_188 : memref<!tpu.dma_semaphore, #tpu.memory_space<semaphore_mem>>)
      %dma_wait3A_195 = arith.constant 0 : i32
      %dma_wait3A_196 = tpu.memref_slice %arg5[%run_scoped3A, %mul3A_2, %dma_wait3A_195] : memref<2x1024x64xf32, #tpu.memory_space<hbm>> -> memref<1x32x64xf32, #tpu.memory_space<hbm>>
      %dma_wait3A_197 = tpu.memref_squeeze %dma_wait3A_196 : memref<1x32x64xf32, #tpu.memory_space<hbm>> -> memref<32x64xf32, #tpu.memory_space<hbm>>
      %dma_wait3A_198 = arith.constant 0 : i32
      %dma_wait3A_199 = tpu.memref_slice %arg5[%run_scoped3A, %mul3A_2, %dma_wait3A_198] : memref<2x1024x64xf32, #tpu.memory_space<hbm>> -> memref<1x32x64xf32, #tpu.memory_space<hbm>>
      %dma_wait3A_200 = tpu.memref_squeeze %dma_wait3A_199 : memref<1x32x64xf32, #tpu.memory_space<hbm>> -> memref<32x64xf32, #tpu.memory_space<hbm>>
      tpu.wait_dma2 semaphore(%run_scoped3A_188 : memref<!tpu.dma_semaphore, #tpu.memory_space<semaphore_mem>>) src(%arg11 : memref<32x64xf32, #tpu.memory_space<vmem>>) dst(%dma_wait3A_200 : memref<32x64xf32, #tpu.memory_space<hbm>>)
      tpu.yield
    }) : () -> ()
    %run_scoped3A_187 = arith.constant 1 : i32
    "tpu.region"() ({
      %run_scoped3A_188 = tpu.sem_alloc : memref<!tpu.dma_semaphore, #tpu.memory_space<semaphore_mem>>
      %dma_start3A_189 = arith.constant 0 : i32
      %dma_start3A_190 = tpu.memref_slice %arg5[%run_scoped3A_187, %mul3A_2, %dma_start3A_189] : memref<2x1024x64xf32, #tpu.memory_space<hbm>> -> memref<1x32x64xf32, #tpu.memory_space<hbm>>
      %dma_start3A_191 = tpu.memref_squeeze %dma_start3A_190 : memref<1x32x64xf32, #tpu.memory_space<hbm>> -> memref<32x64xf32, #tpu.memory_space<hbm>>
      %dma_start3A_192 = arith.constant 0 : i32
      %dma_start3A_193 = tpu.memref_slice %arg5[%run_scoped3A_187, %mul3A_2, %dma_start3A_192] : memref<2x1024x64xf32, #tpu.memory_space<hbm>> -> memref<1x32x64xf32, #tpu.memory_space<hbm>>
      %dma_start3A_194 = tpu.memref_squeeze %dma_start3A_193 : memref<1x32x64xf32, #tpu.memory_space<hbm>> -> memref<32x64xf32, #tpu.memory_space<hbm>>
      tpu.enqueue_dma source(%arg12 : memref<32x64xf32, #tpu.memory_space<vmem>>) target(%dma_start3A_194 : memref<32x64xf32, #tpu.memory_space<hbm>>) target_semaphore(%run_scoped3A_188 : memref<!tpu.dma_semaphore, #tpu.memory_space<semaphore_mem>>)
      %dma_wait3A_195 = arith.constant 0 : i32
      %dma_wait3A_196 = tpu.memref_slice %arg5[%run_scoped3A_187, %mul3A_2, %dma_wait3A_195] : memref<2x1024x64xf32, #tpu.memory_space<hbm>> -> memref<1x32x64xf32, #tpu.memory_space<hbm>>
      %dma_wait3A_197 = tpu.memref_squeeze %dma_wait3A_196 : memref<1x32x64xf32, #tpu.memory_space<hbm>> -> memref<32x64xf32, #tpu.memory_space<hbm>>
      %dma_wait3A_198 = arith.constant 0 : i32
      %dma_wait3A_199 = tpu.memref_slice %arg5[%run_scoped3A_187, %mul3A_2, %dma_wait3A_198] : memref<2x1024x64xf32, #tpu.memory_space<hbm>> -> memref<1x32x64xf32, #tpu.memory_space<hbm>>
      %dma_wait3A_200 = tpu.memref_squeeze %dma_wait3A_199 : memref<1x32x64xf32, #tpu.memory_space<hbm>> -> memref<32x64xf32, #tpu.memory_space<hbm>>
      tpu.wait_dma2 semaphore(%run_scoped3A_188 : memref<!tpu.dma_semaphore, #tpu.memory_space<semaphore_mem>>) src(%arg12 : memref<32x64xf32, #tpu.memory_space<vmem>>) dst(%dma_wait3A_200 : memref<32x64xf32, #tpu.memory_space<hbm>>)
      tpu.yield
    }) : () -> ()
    return
  }
}

module attributes {stable_mosaic.version = 14 : i64} {
  func.func @_ht_kernel(%arg0: i32, %arg1: memref<256x2048xf32, #tpu.memory_space<vmem>>, %arg2: memref<2x2048x64xf32, #tpu.memory_space<vmem>>, %arg3: memref<2x256x64xf32, #tpu.memory_space<vmem>>, %arg4: memref<32x64xf32, #tpu.memory_space<vmem>>, %arg5: memref<32xf32, #tpu.memory_space<vmem>>, %arg6: memref<32x64xf32, #tpu.memory_space<vmem>>, %arg7: memref<32xf32, #tpu.memory_space<vmem>>, %arg8: memref<256x128xf32, #tpu.memory_space<vmem>>, %arg9: memref<256x128xi32, #tpu.memory_space<vmem>>) attributes {dimension_semantics = [#tpu.dimension_semantics<arbitrary>], iteration_bounds = array<i64: 8>, scalar_prefetch = 0 : i64, scratch_operands = 0 : i64, tpu.core_type = #tpu.core_type<tc>, window_params = [{transform_indices = @transform_0, window_bounds = array<i64: 256, 2048>}, {pipeline_mode = #tpu.pipeline_mode<synchronous>, transform_indices = @transform_1, window_bounds = array<i64: 2, 2048, 64>}, {transform_indices = @transform_2, window_bounds = array<i64: 2, 256, 64>}, {pipeline_mode = #tpu.pipeline_mode<synchronous>, transform_indices = @transform_3, window_bounds = array<i64: 32, 64>}, {pipeline_mode = #tpu.pipeline_mode<synchronous>, transform_indices = @transform_4, window_bounds = array<i64: 32>}, {pipeline_mode = #tpu.pipeline_mode<synchronous>, transform_indices = @transform_5, window_bounds = array<i64: 32, 64>}, {pipeline_mode = #tpu.pipeline_mode<synchronous>, transform_indices = @transform_6, window_bounds = array<i64: 32>}, {transform_indices = @transform_7, window_bounds = array<i64: 256, 128>}, {transform_indices = @transform_8, window_bounds = array<i64: 256, 128>}]} {
    %get3A = arith.constant 0 : index
    %get3A_0 = arith.constant 0 : index
    %get3A_1 = vector.load %arg1[%get3A, %get3A_0] : memref<256x2048xf32, #tpu.memory_space<vmem>>, vector<256x2048xf32>
    %lt3A = arith.constant 4 : i32
    %lt3A_2 = arith.cmpi slt, %arg0, %lt3A : i32
    %convert_element_type3A = arith.extui %lt3A_2 : i1 to i32
    %cond3A = arith.constant 0 : i32
    %cond3A_3 = arith.cmpi ne, %convert_element_type3A, %cond3A : i32
    scf.if %cond3A_3 {
      %ne3A = arith.constant 0.000000e+00 : f32
      %ne3A_76 = vector.broadcast %ne3A : f32 to vector<256x2048xf32>
      %ne3A_77 = arith.cmpf one, %get3A_1, %ne3A_76 : vector<256x2048xf32>
      %convert_element_type3A_78 = arith.extui %ne3A_77 : vector<256x2048xi1> to vector<256x2048xi32>
      %convert_element_type3A_79 = arith.sitofp %convert_element_type3A_78 : vector<256x2048xi32> to vector<256x2048xf32>
      %convert_element_type3A_80 = arith.truncf %convert_element_type3A_79 : vector<256x2048xf32> to vector<256x2048xbf16>
      %iota3A = tpu.iota {dimensions = array<i32: 0>} : vector<2048x128xi32>
      %jit3A = arith.constant 16 : i32
      %div3A = vector.broadcast %jit3A : i32 to vector<2048x128xi32>
      %div3A_81 = arith.divsi %iota3A, %div3A : vector<2048x128xi32>
      %sign3A = arith.constant 0 : i32
      %sign3A_82 = vector.broadcast %sign3A : i32 to vector<2048x128xi32>
      %sign3A_83 = arith.cmpi sgt, %iota3A, %sign3A_82 : vector<2048x128xi32>
      %sign3A_84 = arith.extui %sign3A_83 : vector<2048x128xi1> to vector<2048x128xi32>
      %sign3A_85 = arith.constant 0 : i32
      %sign3A_86 = vector.broadcast %sign3A_85 : i32 to vector<2048x128xi32>
      %sign3A_87 = arith.cmpi slt, %iota3A, %sign3A_86 : vector<2048x128xi32>
      %sign3A_88 = arith.extui %sign3A_87 : vector<2048x128xi1> to vector<2048x128xi32>
      %sign3A_89 = arith.subi %sign3A_84, %sign3A_88 : vector<2048x128xi32>
      %sign3A_90 = arith.constant 0 : i32
      %sign3A_91 = arith.cmpi sgt, %jit3A, %sign3A_90 : i32
      %sign3A_92 = arith.extui %sign3A_91 : i1 to i32
      %sign3A_93 = arith.constant 0 : i32
      %sign3A_94 = arith.cmpi slt, %jit3A, %sign3A_93 : i32
      %sign3A_95 = arith.extui %sign3A_94 : i1 to i32
      %sign3A_96 = arith.subi %sign3A_92, %sign3A_95 : i32
      %ne3A_97 = vector.broadcast %sign3A_96 : i32 to vector<2048x128xi32>
      %ne3A_98 = arith.cmpi ne, %sign3A_89, %ne3A_97 : vector<2048x128xi32>
      %rem3A = vector.broadcast %jit3A : i32 to vector<2048x128xi32>
      %rem3A_99 = arith.remsi %iota3A, %rem3A : vector<2048x128xi32>
      %ne3A_100 = arith.constant 0 : i32
      %ne3A_101 = vector.broadcast %ne3A_100 : i32 to vector<2048x128xi32>
      %ne3A_102 = arith.cmpi ne, %rem3A_99, %ne3A_101 : vector<2048x128xi32>
      %and3A = arith.andi %ne3A_98, %ne3A_102 : vector<2048x128xi1>
      %sub3A = arith.constant 1 : i32
      %sub3A_103 = vector.broadcast %sub3A : i32 to vector<2048x128xi32>
      %sub3A_104 = arith.subi %div3A_81, %sub3A_103 : vector<2048x128xi32>
      %select_n3A = arith.select %and3A, %sub3A_104, %div3A_81 : vector<2048x128xi1>, vector<2048x128xi32>
      %iota3A_105 = tpu.iota {dimensions = array<i32: 1>} : vector<2048x128xi32>
      %eq3A = arith.cmpi eq, %select_n3A, %iota3A_105 : vector<2048x128xi32>
      %convert_element_type3A_106 = arith.extui %eq3A : vector<2048x128xi1> to vector<2048x128xi32>
      %convert_element_type3A_107 = arith.sitofp %convert_element_type3A_106 : vector<2048x128xi32> to vector<2048x128xf32>
      %convert_element_type3A_108 = arith.truncf %convert_element_type3A_107 : vector<2048x128xf32> to vector<2048x128xbf16>
      %dot_general3A_109 = arith.constant dense<0.000000e+00> : vector<256x128xf32>
      %dot_general3A_110 = tpu.matmul %convert_element_type3A_80, %convert_element_type3A_108, %dot_general3A_109 {dimension_numbers = #tpu.dot_dimension_numbers<[1], [0], [0], [1], [0, 0, 1, 1], [], []>, transpose_lhs_hint = false} : vector<256x2048xbf16>, vector<2048x128xbf16>, vector<256x128xf32> -> vector<256x128xf32>
      %convert_element_type3A_111 = arith.fptosi %dot_general3A_110 : vector<256x128xf32> to vector<256x128xi32>
      %swap3A_112 = arith.constant 0 : index
      %swap3A_113 = arith.constant 0 : index
      %swap3A_114 = vector.load %arg9[%swap3A_112, %swap3A_113] : memref<256x128xi32, #tpu.memory_space<vmem>>, vector<256x128xi32>
      tpu.vector_store %arg9[%swap3A_112, %swap3A_113], %convert_element_type3A_111 {strides = array<i32>} : memref<256x128xi32, #tpu.memory_space<vmem>>, vector<256x128xi32>,
    } else {
    }
    %get3A_4 = arith.constant 0 : index
    %get3A_5 = arith.constant 0 : index
    %get3A_6 = arith.constant 0 : index
    %get3A_7 = vector.load %arg2[%get3A_4, %get3A_5, %get3A_6] : memref<2x2048x64xf32, #tpu.memory_space<vmem>>, vector<1x2048x64xf32>
    %get3A_8 = vector.shape_cast %get3A_7 : vector<1x2048x64xf32> to vector<2048x64xf32>
    %get3A_9 = arith.constant 0 : index
    %get3A_10 = arith.constant 0 : index
    %get3A_11 = vector.load %arg4[%get3A_9, %get3A_10] : memref<32x64xf32, #tpu.memory_space<vmem>>, vector<32x64xf32>
    %dot_general3A = arith.constant dense<0.000000e+00> : vector<2048x32xf32>
    %dot_general3A_12 = tpu.matmul %get3A_8, %get3A_11, %dot_general3A {dimension_numbers = #tpu.dot_dimension_numbers<[1], [1], [0], [0], [0, 0, 1, 0], [], []>, transpose_lhs_hint = false} : vector<2048x64xf32>, vector<32x64xf32>, vector<2048x32xf32> -> vector<2048x32xf32>
    %dot_general3A_13 = arith.constant dense<0.000000e+00> : vector<256x32xf32>
    %dot_general3A_14 = tpu.matmul %get3A_1, %dot_general3A_12, %dot_general3A_13 {dimension_numbers = #tpu.dot_dimension_numbers<[1], [0], [0], [1], [0, 0, 1, 1], [], []>, transpose_lhs_hint = false} : vector<256x2048xf32>, vector<2048x32xf32>, vector<256x32xf32> -> vector<256x32xf32>
    %get3A_15 = arith.constant 0 : index
    %get3A_16 = vector.load %arg5[%get3A_15] : memref<32xf32, #tpu.memory_space<vmem>>, vector<32xf32>
    %broadcast_in_dim3A = vector.shape_cast %get3A_16 : vector<32xf32> to vector<1x32xf32>
    %add3A = vector.broadcast %broadcast_in_dim3A : vector<1x32xf32> to vector<256x32xf32>
    %add3A_17 = arith.addf %dot_general3A_14, %add3A : vector<256x32xf32>
    %get3A_18 = arith.constant 0 : index
    %get3A_19 = arith.constant 0 : index
    %get3A_20 = arith.constant 0 : index
    %get3A_21 = vector.load %arg3[%get3A_18, %get3A_19, %get3A_20] : memref<2x256x64xf32, #tpu.memory_space<vmem>>, vector<1x256x64xf32>
    %get3A_22 = vector.shape_cast %get3A_21 : vector<1x256x64xf32> to vector<256x64xf32>
    %get3A_23 = arith.constant 0 : index
    %get3A_24 = arith.constant 0 : index
    %get3A_25 = vector.load %arg6[%get3A_23, %get3A_24] : memref<32x64xf32, #tpu.memory_space<vmem>>, vector<32x64xf32>
    %dot_general3A_26 = arith.constant dense<0.000000e+00> : vector<256x32xf32>
    %dot_general3A_27 = tpu.matmul %get3A_22, %get3A_25, %dot_general3A_26 {dimension_numbers = #tpu.dot_dimension_numbers<[1], [1], [0], [0], [0, 0, 1, 0], [], []>, transpose_lhs_hint = false} : vector<256x64xf32>, vector<32x64xf32>, vector<256x32xf32> -> vector<256x32xf32>
    %get3A_28 = arith.constant 0 : index
    %get3A_29 = vector.load %arg7[%get3A_28] : memref<32xf32, #tpu.memory_space<vmem>>, vector<32xf32>
    %broadcast_in_dim3A_30 = vector.shape_cast %get3A_29 : vector<32xf32> to vector<1x32xf32>
    %add3A_31 = vector.broadcast %broadcast_in_dim3A_30 : vector<1x32xf32> to vector<256x32xf32>
    %add3A_32 = arith.addf %dot_general3A_27, %add3A_31 : vector<256x32xf32>
    %swap3A = arith.constant 0 : index
    %swap3A_33 = arith.constant 0 : index
    %swap3A_34 = vector.load %arg8[%swap3A, %swap3A_33] : memref<256x128xf32, #tpu.memory_space<vmem>>, vector<256x32xf32>
    tpu.vector_store %arg8[%swap3A, %swap3A_33], %add3A_17 {strides = array<i32>} : memref<256x128xf32, #tpu.memory_space<vmem>>, vector<256x32xf32>,
    %swap3A_35 = arith.constant 0 : index
    %swap3A_36 = arith.constant 32 : index
    %swap3A_37 = vector.load %arg8[%swap3A_35, %swap3A_36] : memref<256x128xf32, #tpu.memory_space<vmem>>, vector<256x32xf32>
    tpu.vector_store %arg8[%swap3A_35, %swap3A_36], %add3A_32 {strides = array<i32>} : memref<256x128xf32, #tpu.memory_space<vmem>>, vector<256x32xf32>,
    %get3A_38 = arith.constant 1 : index
    %get3A_39 = arith.constant 0 : index
    %get3A_40 = arith.constant 0 : index
    %get3A_41 = vector.load %arg2[%get3A_38, %get3A_39, %get3A_40] : memref<2x2048x64xf32, #tpu.memory_space<vmem>>, vector<1x2048x64xf32>
    %get3A_42 = vector.shape_cast %get3A_41 : vector<1x2048x64xf32> to vector<2048x64xf32>
    %get3A_43 = arith.constant 0 : index
    %get3A_44 = arith.constant 0 : index
    %get3A_45 = vector.load %arg4[%get3A_43, %get3A_44] : memref<32x64xf32, #tpu.memory_space<vmem>>, vector<32x64xf32>
    %dot_general3A_46 = arith.constant dense<0.000000e+00> : vector<2048x32xf32>
    %dot_general3A_47 = tpu.matmul %get3A_42, %get3A_45, %dot_general3A_46 {dimension_numbers = #tpu.dot_dimension_numbers<[1], [1], [0], [0], [0, 0, 1, 0], [], []>, transpose_lhs_hint = false} : vector<2048x64xf32>, vector<32x64xf32>, vector<2048x32xf32> -> vector<2048x32xf32>
    %dot_general3A_48 = arith.constant dense<0.000000e+00> : vector<256x32xf32>
    %dot_general3A_49 = tpu.matmul %get3A_1, %dot_general3A_47, %dot_general3A_48 {dimension_numbers = #tpu.dot_dimension_numbers<[1], [0], [0], [1], [0, 0, 1, 1], [], []>, transpose_lhs_hint = false} : vector<256x2048xf32>, vector<2048x32xf32>, vector<256x32xf32> -> vector<256x32xf32>
    %get3A_50 = arith.constant 0 : index
    %get3A_51 = vector.load %arg5[%get3A_50] : memref<32xf32, #tpu.memory_space<vmem>>, vector<32xf32>
    %broadcast_in_dim3A_52 = vector.shape_cast %get3A_51 : vector<32xf32> to vector<1x32xf32>
    %add3A_53 = vector.broadcast %broadcast_in_dim3A_52 : vector<1x32xf32> to vector<256x32xf32>
    %add3A_54 = arith.addf %dot_general3A_49, %add3A_53 : vector<256x32xf32>
    %get3A_55 = arith.constant 1 : index
    %get3A_56 = arith.constant 0 : index
    %get3A_57 = arith.constant 0 : index
    %get3A_58 = vector.load %arg3[%get3A_55, %get3A_56, %get3A_57] : memref<2x256x64xf32, #tpu.memory_space<vmem>>, vector<1x256x64xf32>
    %get3A_59 = vector.shape_cast %get3A_58 : vector<1x256x64xf32> to vector<256x64xf32>
    %get3A_60 = arith.constant 0 : index
    %get3A_61 = arith.constant 0 : index
    %get3A_62 = vector.load %arg6[%get3A_60, %get3A_61] : memref<32x64xf32, #tpu.memory_space<vmem>>, vector<32x64xf32>
    %dot_general3A_63 = arith.constant dense<0.000000e+00> : vector<256x32xf32>
    %dot_general3A_64 = tpu.matmul %get3A_59, %get3A_62, %dot_general3A_63 {dimension_numbers = #tpu.dot_dimension_numbers<[1], [1], [0], [0], [0, 0, 1, 0], [], []>, transpose_lhs_hint = false} : vector<256x64xf32>, vector<32x64xf32>, vector<256x32xf32> -> vector<256x32xf32>
    %get3A_65 = arith.constant 0 : index
    %get3A_66 = vector.load %arg7[%get3A_65] : memref<32xf32, #tpu.memory_space<vmem>>, vector<32xf32>
    %broadcast_in_dim3A_67 = vector.shape_cast %get3A_66 : vector<32xf32> to vector<1x32xf32>
    %add3A_68 = vector.broadcast %broadcast_in_dim3A_67 : vector<1x32xf32> to vector<256x32xf32>
    %add3A_69 = arith.addf %dot_general3A_64, %add3A_68 : vector<256x32xf32>
    %swap3A_70 = arith.constant 0 : index
    %swap3A_71 = arith.constant 64 : index
    %swap3A_72 = vector.load %arg8[%swap3A_70, %swap3A_71] : memref<256x128xf32, #tpu.memory_space<vmem>>, vector<256x32xf32>
    tpu.vector_store %arg8[%swap3A_70, %swap3A_71], %add3A_54 {strides = array<i32>} : memref<256x128xf32, #tpu.memory_space<vmem>>, vector<256x32xf32>,
    %swap3A_73 = arith.constant 0 : index
    %swap3A_74 = arith.constant 96 : index
    %swap3A_75 = vector.load %arg8[%swap3A_73, %swap3A_74] : memref<256x128xf32, #tpu.memory_space<vmem>>, vector<256x32xf32>
    tpu.vector_store %arg8[%swap3A_73, %swap3A_74], %add3A_69 {strides = array<i32>} : memref<256x128xf32, #tpu.memory_space<vmem>>, vector<256x32xf32>,
    return
  }
  func.func @transform_0(%arg0: i32) -> (i32, i32) {
    %c0_i32 = arith.constant 0 : i32
    %c0_i32_0 = arith.constant 0 : i32
    return %arg0, %c0_i32 : i32, i32
  }
  func.func @transform_1(%arg0: i32) -> (i32, i32, i32) {
    %c0_i32 = arith.constant 0 : i32
    %c0_i32_0 = arith.constant 0 : i32
    %c0_i32_1 = arith.constant 0 : i32
    %c0_i32_2 = arith.constant 0 : i32
    return %c0_i32, %c0_i32_0, %c0_i32_1 : i32, i32, i32
  }
  func.func @transform_2(%arg0: i32) -> (i32, i32, i32) {
    %c0_i32 = arith.constant 0 : i32
    %c0_i32_0 = arith.constant 0 : i32
    %c0_i32_1 = arith.constant 0 : i32
    return %c0_i32, %arg0, %c0_i32_0 : i32, i32, i32
  }
  func.func @transform_3(%arg0: i32) -> (i32, i32) {
    %c0_i32 = arith.constant 0 : i32
    %c0_i32_0 = arith.constant 0 : i32
    %c0_i32_1 = arith.constant 0 : i32
    return %c0_i32, %c0_i32_0 : i32, i32
  }
  func.func @transform_4(%arg0: i32) -> i32 {
    %c0_i32 = arith.constant 0 : i32
    %c0_i32_0 = arith.constant 0 : i32
    return %c0_i32 : i32
  }
  func.func @transform_5(%arg0: i32) -> (i32, i32) {
    %c0_i32 = arith.constant 0 : i32
    %c0_i32_0 = arith.constant 0 : i32
    %c0_i32_1 = arith.constant 0 : i32
    return %c0_i32, %c0_i32_0 : i32, i32
  }
  func.func @transform_6(%arg0: i32) -> i32 {
    %c0_i32 = arith.constant 0 : i32
    %c0_i32_0 = arith.constant 0 : i32
    return %c0_i32 : i32
  }
  func.func @transform_7(%arg0: i32) -> (i32, i32) {
    %c0_i32 = arith.constant 0 : i32
    %c0_i32_0 = arith.constant 0 : i32
    return %arg0, %c0_i32 : i32, i32
  }
  func.func @transform_8(%arg0: i32) -> (i32, i32) {
    %c0_i32 = arith.constant 0 : i32
    %c0_i32_0 = arith.constant 0 : i32
    return %arg0, %c0_i32 : i32, i32
  }
}

</mosaic_0001>

<sc_bundles>
// kernel: kernel.4.cloned.1.call-start
scs
__scs_entry_jumppad:
0x0: {  	(pc) =	sbr.rel $0x88, $3  }
0x1: {  	(tag) =	ssettag $0x0;
	lr =	simm.s32 $0x1  }
0x2: {  	[smem:$0x3F9B] =	sst lr;
	_ =	strace $0xD0000000  }
0x3: {  	_ = 	snop  }
0x4: {  	_ = 	snop  }
0x5: {  	_ = 	snop  }
0x6: {  	_ = 	snop  }
0x7: {  	_ = 	snop  }
__scs_overlays_trampoline_lowered:
0x8: {  	[smem:$0x3FAA] =	sst s0  }
0x9: {  	[smem:$0x3FAB] =	sst s1  }
0xa: {  	[smem:$0x3FAC] =	sst s2  }
0xb: {  	[smem:$0x3FAD] =	sst s3  }
0xc: {  	[smem:$0x3FAE] =	sst s4  }
0xd: {  	[smem:$0x3FAF] =	sst s5  }
0xe: {  	[smem:$0x3FB0] =	sst s6  }
0xf: {  	[smem:$0x3FB1] =	sst s7  }
0x10: {  	[smem:$0x3FB2] =	sst s8  }
0x11: {  	[smem:$0x3FB3] =	sst s9;
	s0 =	simm.s32 @!p0 $0x0  }
0x12: {  	s1 =	sld [smem:$0x3F99];
	s0 =	simm.s32 @p0 $0x1  }
0x13: {  	[smem:$0x3FB4] =	sst s0;
	s0 =	simm.s32 @!p1 $0x0  }
0x14: {  	s2 =	sld [smem:$0x3F98];
	s0 =	simm.s32 @p1 $0x1  }
0x15: {  	[smem:$0x3FB5] =	sst s0;
	s0 =	simm.s32 @!p2 $0x0  }
0x16: {  	s3 =	sld [smem:$0x3FDB];
	s0 =	simm.s32 @p2 $0x1  }
0x17: {  	s4 =	simm.s32 $0x1BF5;
	[smem:$0x3FB7] =	sst s0  }
0x18: {  	s0 =	sld [smem:$0x3F9A];
	_ =	swait.ge [sflag:s4], $0x0  }
0x19: {  	s7 =	sld [smem:$0x3F9B]  }
0x1a: {  	s8 =	sadd.s32 $0xFFFFE003, lr  }
0x1b: {  	s9 =	sadd.s32 $0xFFFFFEF7, lr;
	s5 =	simm.s32 $0xFFFFFFFF;
	p2 =	slt.u32 s8, $0xFFFFF086  }
0x1c: {  	p1 =	slt.u32 s9, $0xF7A;
	s5 =	simm.s32 @!p2 $0x0  }
0x1d: {  	s5 =	simm.s32 @p1 $0x1;
	p0 =	seq.s32 s7, s2  }
0x1e: {  	s7 =	smul.u32 @!p0 $0xF7A, s2;
	p2 =	seq.s32 @!p0 s5, $0x0  }
0x1f: {  	s9 =	smul.u32 $0xF7A, s1;
	s8 =	simm.s32 @!p0 $0x1BF5;
	p2 =	por !p2, p0  }
0x20: {  	[sflag:s8] =	ssyncset.s32 @!p0 $0xFFFFF086;
	s6 =	sadd.s32 @!p0 s3, s7;
	s7 =	simm.s32 @!p0 $0x108  }
0x21: {  	s3 =	sadd.s32 s3, s9;
	s6 =	sadd.s32 @!p0 $0x88, s6;
	s7 =	simm.s32 @p2 $0x1082  }
0x22: {  	[simem:s7], [sflag:s8] =	dma.local @!p0 [hbm:s6], $0xF7A  }
0x23: {  	s9 =	sor.u32 $0xD0000000, s2;
	s6 =	simm.s32 $0x108;
	_ =	swait.ge @!p0 [sflag:s8], $0x0  }
0x24: {  	s3 =	sadd.s32 $0x88, s3;
	s6 =	simm.s32 @!p1 $0x1082;
	[sflag:s4] =	ssyncset.s32 $0xFFFFF086  }
0x25: {  	[simem:s6], [sflag:s4] =	dma.local [hbm:s3], $0xF7A  }
0x26: {  	[smem:$0x3F9B] =	sst s1;
	(tag) =	ssettag s2;
	_ =	strace s9  }
0x27: {  	s1 =	sld [smem:$0x3FAB]  }
0x28: {  	s2 =	sld [smem:$0x3FAC]  }
0x29: {  	s4 =	sld [smem:$0x3FAE]  }
0x2a: {  	p0 =	seq.s32 s5, $0x0;
	s5 =	sld [smem:$0x3FAF]  }
0x2b: {  	s6 =	sld [smem:$0x3FB0]  }
0x2c: {  	s7 =	sld [smem:$0x3FB1]  }
0x2d: {  	s3 =	simm.s32 $0x108;
	s8 =	sld [smem:$0x3FB2]  }
0x2e: {  	s3 =	simm.s32 @!p0 $0x1082;
	s9 =	sld [smem:$0x3FB3]  }
0x2f: {  	lr =	sadd.s32 s0, s3;
	s0 =	sld [smem:$0x3FAA]  }
0x30: {  	s3 =	sld [smem:$0x3FAD]  }
0x31: {  	[smem:$0x3FB6] =	sst s10  }
0x32: {  	s10 =	sld [smem:$0x3FB4];
	_ =	sdelay $0x3  }
0x33: {  	p0 =	seq.s32 s10, $0x1;
	s10 =	sld [smem:$0x3FB6];
	_ =	sdelay $0x3  }
0x34: {  	[smem:$0x3FB6] =	sst s10  }
0x35: {  	s10 =	sld [smem:$0x3FB5];
	_ =	sdelay $0x3  }
0x36: {  	p1 =	seq.s32 s10, $0x1;
	s10 =	sld [smem:$0x3FB6];
	_ =	sdelay $0x3  }
0x37: {  	[smem:$0x3FB6] =	sst s10  }
0x38: {  	s10 =	sld [smem:$0x3FB7]  }
0x39: {  	_ = 	snop;
	(pc) =	sbr.ind lr, $3  }
0x3a: {  	_ = 	snop  }
0x3b: {  	_ = 	snop  }
0x3c: {  	p2 =	seq.s32 s10, $0x1;
	s10 =	sld [smem:$0x3FB6]  }
0x3d: {  	_ =	shalt  }
0x3e: {  	_ =	shalt  }
0x3f: {  	_ =	shalt  }
0x40: {  	_ =	shalt  }
0x41: {  	_ =	shalt  }
0x42: {  	_ =	shalt  }
0x43: {  	_ =	shalt  }
0x44: {  	_ =	shalt  }
0x45: {  	_ =	shalt  }
0x46: {  	_ =	shalt  }
0x47: {  	_ =	shalt  }
0x48: {  	_ =	shalt  }
0x49: {  	_ =	shalt  }
0x4a: {  	_ =	shalt  }
0x4b: {  	_ =	shalt  }
0x4c: {  	_ =	shalt  }
0x4d: {  	_ =	shalt  }
0x4e: {  	_ =	shalt  }
0x4f: {  	_ =	shalt  }
0x50: {  	_ =	shalt  }
0x51: {  	_ =	shalt  }
0x52: {  	_ =	shalt  }
0x53: {  	_ =	shalt  }
0x54: {  	_ =	shalt  }
0x55: {  	_ =	shalt  }
0x56: {  	_ =	shalt  }
0x57: {  	_ =	shalt  }
0x58: {  	_ =	shalt  }
0x59: {  	_ =	shalt  }
0x5a: {  	_ =	shalt  }
0x5b: {  	_ =	shalt  }
0x5c: {  	_ =	shalt  }
0x5d: {  	_ =	shalt  }
0x5e: {  	_ =	shalt  }
0x5f: {  	_ =	shalt  }
0x60: {  	_ =	shalt  }
0x61: {  	_ =	shalt  }
0x62: {  	_ =	shalt  }
0x63: {  	_ =	shalt  }
0x64: {  	_ =	shalt  }
0x65: {  	_ =	shalt  }
0x66: {  	_ =	shalt  }
0x67: {  	_ =	shalt  }
0x68: {  	_ =	shalt  }
0x69: {  	_ =	shalt  }
0x6a: {  	_ =	shalt  }
0x6b: {  	_ =	shalt  }
0x6c: {  	_ =	shalt  }
0x6d: {  	_ =	shalt  }
0x6e: {  	_ =	shalt  }
0x6f: {  	_ =	shalt  }
0x70: {  	_ =	shalt  }
0x71: {  	_ =	shalt  }
0x72: {  	_ =	shalt  }
0x73: {  	_ =	shalt  }
0x74: {  	_ =	shalt  }
0x75: {  	_ =	shalt  }
0x76: {  	_ =	shalt  }
0x77: {  	_ =	shalt  }
0x78: {  	_ =	shalt  }
0x79: {  	_ =	shalt  }
0x7a: {  	_ =	shalt  }
0x7b: {  	_ =	shalt  }
0x7c: {  	_ =	shalt  }
0x7d: {  	_ =	shalt  }
0x7e: {  	_ =	shalt  }
0x7f: {  	_ =	shalt  }
0x80: {  	_ =	shalt  }
0x81: {  	_ =	shalt  }
0x82: {  	_ =	shalt  }
0x83: {  	_ =	shalt  }
0x84: {  	_ =	shalt  }
0x85: {  	_ =	shalt  }
0x86: {  	_ =	shalt  }
0x87: {  	_ =	shalt  }
.Lfunc_end0:
.L_simem_size_0:
called_computation_lowered:
.L_overlay_start_0:
0x88: {  	s2 =	sld [smem:$0x3FD9]  }
0x89: {  	s3 =	sld [smem:$0x3FFE];
	_ =	sdelay $0x1  }
0x8a: {  	s1 =	srdreg.scid  }
0x8b: {  	s0 =	sand.u32 $0x1, s1  }
0x8c: {  	s17 =	sshll.u32 s0, $0xA;
	s2 =	sadd.s32 s3, s2  }
0x8d: {  	s2 =	sadd.s32 s2, s17  }
0x8e: {  	[smem:$0x3FC2] =	sst s2  }
0x8f: {  	_ = 	snop  }
0x90: {  	s2 =	sld [smem:$0x3FC8];
	(tm) =	ssettm $0x1  }
0x91: {  	s18 =	sld [smem:$0x3FFB];
	_ =	sdelay $0x3  }
0x92: {  	_ =	strace s18  }
0x93: {  	s3 =	sld [smem:$0x3FFC];
	_ =	sdelay $0x3  }
0x94: {  	_ =	strace s3  }
0x95: {  	s3 =	sld [smem:$0x3FFD];
	_ =	sdelay $0x3  }
0x96: {  	_ =	strace s3  }
0x97: {  	_ =	strace $0x8FFFFFFF  }
0x98: {  	s19 =	sld [smem:$0x3FDB];
	_ =	sdelay $0x1  }
0x99: {  	s4 =	simm.s32 $_scs_section_size  }
0x9a: {  	s5 =	simm.s32 $_size__tile_overlayer_lowered;
	s6 =	simm.s32 $_tile_overlayer_lowered  }
0x9b: {  	s22 =	simm.s32 $0x1BFF;
	s21 =	sshll.u32 s6, $0x1;
	s3 =	sadd.s32 s4, s19  }
0x9c: {  	s7 =	simm.s32 $0x0;
	s20 =	sshll.u32 s5, $0x1;
	s5 =	sadd.s32 s21, s3  }
0x9d: {  	[timem:s7], [sflag:s22] =	dma.local [hbm:s5], s20  }
0x9e: {  	_ =	swait.ge [sflag:s22], s20  }
0x9f: {  	s4 =	ssub.s32 $0x0, s20;
	[sflag:s22] =	ssyncset.done $0x0  }
0xa0: {  	[sflag:s22] =	ssyncadd.s32 s4;
	_ =	sdelay $0x1  }
0xa1: {  	s23 =	simm.s32 $0x1B8B  }
0xa2: {  	_ =	swait.ge [sflag:s23], $0x1  }
0xa3: {  	[sflag:s23] =	ssyncset.done $0x0  }
0xa4: {  	s25 =	simm.s32 $0x1B8E;
	s24 =	sld [smem:$0x3FFE];
	[sflag:s23] =	ssyncadd.s32 $0xFFFFFFFF  }
0xa5: {  	s26 =	simm.s32 $execute0_lowered;
	[smem:$0x3FD2] =	sst s25  }
0xa6: {  	s5 =	sshll.u32 s26, $0x1;
	_ =	strace $0x80000046;
	[dreg:$0x1] =	wrdreg $0xFFFFFFFF  }
0xa7: {  	s28 =	simm.s32 $_size_execute0_lowered;
	s3 =	sadd.s32 s3, s5;
	[dreg:$0x0] =	wrdreg $0x0  }
0xa8: {  	s5 =	sshll.u32 s28, $0x1;
	[dreg:$0x2] =	wrdreg s3  }
0xa9: {  	[dreg:$0x3] =	wrdreg s5  }
0xaa: {  	[dreg:$0x4] =	wrdreg $0xC0  }
0xab: {  	_ =	task [dreg:s7], $0x5FFFF  }
0xac: {  	[dreg:$0x1] =	wrdreg $0xFFFFFFFF  }
0xad: {  	[dreg:$0x0] =	wrdreg $0x60  }
0xae: {  	[dreg:$0x2] =	wrdreg s2  }
0xaf: {  	[dreg:$0x3] =	wrdreg s24  }
0xb0: {  	[dreg:$0x4] =	wrdreg $0x9  }
0xb1: {  	_ =	task.clear_ibuf [dreg:s7], $0x5FFFF;
	_ =	strace $0x90000046  }
0xb2: {  	s29 =	simm.s32 $0x9;
	_ =	strace $0x80000048  }
0xb3: {  	_ =	swait.ge [sflag:s29], $0x1  }
0xb4: {  	[sflag:s29] =	ssyncadd.s32 $0xFFFFFFFF  }
0xb5: {  	_ =	strace $0x90000048  }
0xb6: {  	_ =	sfence  }
0xb7: {  	s30 =	sld [smem:$0x0];
	_ =	sdelay $0x2  }
0xb8: {  	s31 =	sshll.u32 s1, $0xD;
	s1 =	sshrl.u32 s1, $0x2  }
0xb9: {  	s3 =	sand.u32 $0x4000, s31;
	s1 =	sadd.s32 s1, s30  }
0xba: {  	s0 =	sor.u32 s3, s0;
	s1 =	sshll.u32 s1, $0x11  }
0xbb: {  	s0 =	sor.u32 s1, s0  }
0xbc: {  	s0 =	sadd.s32 $0x8F2B, s0  }
0xbd: {  	[sflag:s0] =	ssyncadd.remote.s32 $0x1  }
0xbe: {  	_ =	sfence.sel $0xFFFF  }
0xbf: {  	[dreg:$0x0] =	wrdreg $0xFFFFFFFF;
	(pc) =	sbr.abs _section_cstart, $3  }
0xc0: {  	[dreg:$0x1] =	wrdreg $0xFFFFFFFF  }
0xc1: {  	_ =	task.clear_ibuf [dreg:s7], $0x2FFFF;
	_ =	strace $0x9FFFFFFF  }
0xc2: {  	(tm) =	ssettm $0x7FFFFFFF  }
0xc3: {  	_ =	shalt  }
tec
execute0_lowered:
.L_overlay_start_1:
0x0: {  	(tag) =	ssettag $0x1  }
0x1: {  	s0 =	rddreg [dreg:$0x0]  }
0x2: {  	s1 =	rddreg [dreg:$0x1];
	s2 =	simm.s32 $0x0;
	s3 =	srdreg.scid  }
0x3: {  	s4 =	stileid.u32;
	s28 =	simm.s32 $0x3;
	s29 =	simm.s32 $0x8000  }
0x4: {  	s30 =	simm.s32 $0x12000;
	s31 =	simm.s32 $0x1;
	[smem:$0x7FF] =	sst s2  }
0x5: {  	s3 =	sand.u32 $0x1, s3;
	s4 =	sshll.u32 s4, $0x6;
	s6 =	sadd.s32 $0x1400, s1  }
0x6: {  	s24 =	sadd.s32 $0x2400, s1;
	s26 =	sadd.s32 $0x3400, s1;
	s10 =	sadd.s32 $0x4400, s1  }
0x7: {  	s12 =	sadd.s32 $0x5400, s1;
	s14 =	sadd.s32 $0x6400, s1;
	s16 =	sadd.s32 $0x7400, s1  }
0x8: {  	s18 =	sadd.s32 $0x8400, s1;
	_ =	strace $0x80000047;
	[dreg:$0x3] =	wrdreg s6  }
0x9: {  	s5 =	sshll.u32 s3, $0x5;
	s3 =	ssub.s32 $0x2, s3;
	[dreg:$0x5] =	wrdreg s24  }
0xa: {  	[dreg:$0x7] =	wrdreg s26;
	s24 =	simm.s32 $0x4000;
	s4 =	sor.u32 s5, s4  }
0xb: {  	s22 =	sshrl.u32 s3, $0x1;
	s5 =	sshll.u32 s4, $0x4;
	s4 =	sshll.u32 s4, $0x8  }
0xc: {  	s3 =	ssub.s32 s3, s22;
	s5 =	sadd.s32 s5, s1;
	s4 =	sadd.s32 s0, s4  }
0xd: {  	s22 =	smax.u32 s3, $0x1;
	s0 =	simm.s32 $0x2;
	s1 =	simm.s32 $0x0  }
.Ltmp0:
0xe: {  	s23 =	sadd.s32 $0x9400, s5;
	s25 =	sadd.s32 $0x100, s4;
	(pc) =	sbr.rel .LBB2_1-.Ltmp0, $4  }
0xf: {  	v0 =	vlaneseq.u32;
	s9 =	sadd.s32 $0x200, s4;
	s11 =	sadd.s32 $0x300, s4;
	s13 =	sadd.s32 $0x400, s4  }
0x10: {  	v1 =	vimm.f32 $0.0e+00;
	v2 =	vor.u32 $0x10, v0;
	s15 =	sadd.s32 $0x500, s4;
	s17 =	sadd.s32 $0x600, s4;
	s19 =	sadd.s32 $0x700, s4  }
0x11: {  	v3 =	vor.u32 $0x20, v0;
	v4 =	vor.u32 $0x30, v0;
	v5 =	vor.u32 $0x40, v0;
	s20 =	sadd.s32 $0x11400, s5;
	s21 =	sadd.s32 $0x15400, s5;
	[dreg:$0x4] =	wrdreg s23  }
0x12: {  	v6 =	vor.u32 $0x50, v0;
	v7 =	vor.u32 $0x60, v0;
	v8 =	vor.u32 $0x70, v0;
	[dreg:$0x6] =	wrdreg s25;
	s23 =	simm.s32 $0x800;
	s25 =	simm.s32 $0x10000  }
.LBB2_57:
0x13: {  	s3 =	simm.s32 $0x15000  }
0x14: {  	[hbm4b:s20+s2] =	stream.linear.scatter [tilespmem:s3], [sflag:$0x3], $0x1000, $0x38;
	[tilespmem:$0x17200] =	vst v63  }
0x15: {  	s1 =	sadd.s32 $0x1, s1;
	_ =	swait.ge [sflag:s28], $0x1000  }
0x16: {  	p0 =	sne.s32 s1, s22;
	[sflag:s28] =	ssyncset.done $0x0  }
.Ltmp1:
0x17: {  	s26 =	simm.s32 $0x16000;
	[sflag:s28] =	ssyncadd.s32 $0xFFFFF000;
	(pc) =	sbr.rel @!p0 .LBB2_58-.Ltmp1, $4  }
0x18: {  	[hbm4b:s21+s2] =	stream.linear.scatter [tilespmem:s26], [sflag:$0x3], $0x1000, $0x38;
	[tilespmem:$0x17200] =	vst v63  }
0x19: {  	_ =	swait.ge [sflag:s28], $0x1000  }
0x1a: {  	[sflag:s28] =	ssyncset.done $0x0  }
0x1b: {  	[sflag:s28] =	ssyncadd.s32 $0xFFFFF000  }
.LBB2_1:
0x1c: {  	s3 =	rddreg [dreg:$0x3]  }
0x1d: {  	[tilespmem:s2], [sflag:$0x1] =	stream.linear.gather [hbm4b:s3+s2], $0x8000, $0x38;
	[tilespmem:$0x17200] =	vst v63  }
0x1e: {  	_ = 	snop  }
0x1f: {  	[tilespmem:s25], [sflag:$0x1] =	stream.strided.gather [hbm4b:s4+s23], $0x2000, s24, s23, $0x38;
	[tilespmem:$0x17200] =	vst v63  }
0x20: {  	s7 =	rddreg [dreg:$0x4];
	s5 =	simm.s32 $0x14000  }
0x21: {  	[tilespmem:s5], [sflag:$0x3] =	stream.linear.gather [hbm4b:s7+s2], $0x1000, $0x38;
	[tilespmem:$0x17200] =	vst v63  }
0x22: {  	_ =	swait.ge [sflag:s28], $0x1000  }
0x23: {  	[sflag:s28] =	ssyncset.done $0x0  }
0x24: {  	s8 =	rddreg [dreg:$0x5];
	[sflag:s28] =	ssyncadd.s32 $0xFFFFF000  }
0x25: {  	[tilespmem:s29], [sflag:$0x2] =	stream.linear.gather [hbm4b:s8+s2], $0x8000, $0x38;
	[tilespmem:$0x17200] =	vst v63  }
0x26: {  	s26 =	rddreg [dreg:$0x6]  }
0x27: {  	[tilespmem:s30], [sflag:$0x2] =	stream.strided.gather [hbm4b:s26+s23], $0x2000, s24, s23, $0x38;
	[tilespmem:$0x17200] =	vst v63  }
0x28: {  	_ =	swait.ge [sflag:s31], $0x8000  }
.Ltmp2:
0x29: {  	[sflag:s31] =	ssyncset.done $0x0;
	(pc) =	sbr.rel .LBB2_2-.Ltmp2, $4  }
0x2a: {  	[sflag:s31] =	ssyncadd.s32 $0xFFFF8000  }
0x2b: {  	_ =	swait.ge [sflag:s31], $0x2000  }
0x2c: {  	[sflag:s31] =	ssyncset.done $0x0  }
0x2d: {  	s3 =	simm.s32 $0x0;
	[sflag:s31] =	ssyncadd.s32 $0xFFFFE000  }
.LBB2_7:
0x2e: {  	[tilespmem:s26+$0x15000] =	vst v17  }
0x2f: {  	[tilespmem:s26+$0x15010] =	vst v16  }
0x30: {  	[tilespmem:s26+$0x15020] =	vst v15;
	s5 =	sshll.u32 s3, $0x4;
	s3 =	sadd.s32 $0x1, s3  }
0x31: {  	[tilespmem:s26+$0x15030] =	vst v14;
	p0 =	sne.s32 s3, $0x20  }
.Ltmp3:
0x32: {  	[tilespmem:s26+$0x16000] =	vst v13;
	(pc) =	sbr.rel @!p0 .LBB2_8-.Ltmp3, $4  }
0x33: {  	[tilespmem:s26+$0x16010] =	vst v12  }
0x34: {  	[tilespmem:s26+$0x16020] =	vst v11  }
0x35: {  	[tilespmem:s26+$0x16030] =	vst v10;
	s5 =	sand.u32 $0x3FFFFFF0, s5  }
0x36: {  	[tilespmem:s5+$0x17000] =	vst v9  }
.LBB2_2:
0x37: {  	s26 =	sshll.u32 s3, $0x7  }
0x38: {  	v9 =	vld [tilespmem:s26+$0x14000];
	_ =	sdelay $0x4  }
0x39: {  	vm0 =	vgt.s32 v9, $0x0  }
0x3a: {  	v10 =	vsel vm0, $0x3F800000, v1  }
0x3b: {  	(xrf0) =	vmax.scan.msk.f32 $0xffff, v10;
	_ =	sdelay $0x5  }
0x3c: {  	v10, _, _ =	vpop (xrf0)  }
0x3d: {  	(v2sf) =	vpush v10, $0xF;
	_ =	sdelay $0xe  }
0x3e: {  	s5 =	spop (v2sf)  }
0x3f: {  	p0 =	sgt.f32 s5, $0.0e+00  }
.Ltmp4:
0x40: {  	_ = 	snop;
	(pc) =	sbr.rel @!p0 .LBB2_7-.Ltmp4, $4  }
0x41: {  	_ = 	snop  }
0x42: {  	v17 =	vimm.f32 $-Inf;
	v16 =	vimm.f32 $-Inf  }
0x43: {  	v15 =	vimm.f32 $-Inf;
	v14 =	vimm.f32 $-Inf;
	v13 =	vimm.f32 $-Inf  }
0x44: {  	v12 =	vimm.f32 $-Inf;
	v11 =	vimm.f32 $-Inf;
	v10 =	vimm.f32 $-Inf  }
.Ltmp5:
0x45: {  	v10 =	vmov s3;
	(pc) =	sbr.rel .LBB2_4-.Ltmp5, $4  }
0x46: {  	v12 =	vimm.f32 $-Inf;
	v13 =	vimm.f32 $-Inf;
	v14 =	vimm.f32 $-Inf  }
0x47: {  	v15 =	vimm.f32 $-Inf;
	v16 =	vimm.f32 $-Inf;
	v11 =	vshll.u32 v10, $0x8  }
0x48: {  	v17 =	vimm.f32 $-Inf;
	v10 =	vshll.u32 v10, $0x7;
	v18 =	vand.u32 $0x1800, v11  }
0x49: {  	v19 =	vand.u32 $0x380, v10;
	v10 =	vimm.f32 $-Inf;
	v11 =	vimm.f32 $-Inf  }
.LBB2_6:
0x4a: {  	vm1 =	vne.s32 v20, v0  }
0x4b: {  	vm0 =	vmand vm0, vm1  }
0x4c: {  	v20 =	vsel vm0, $0x3F800000, v1  }
0x4d: {  	(xrf0) =	vmax.scan.msk.f32 $0xffff, v20;
	_ =	sdelay $0x5  }
0x4e: {  	v20, _, _ =	vpop (xrf0)  }
0x4f: {  	(v2sf) =	vpush v20, $0xF;
	_ =	sdelay $0xe  }
0x50: {  	s5 =	spop (v2sf)  }
0x51: {  	p0 =	sgt.f32 s5, $0.0e+00  }
.Ltmp6:
0x52: {  	_ = 	snop;
	(pc) =	sbr.rel @!p0 .LBB2_7-.Ltmp6, $1  }
0x53: {  	_ =	sdelay $0x3  }
.LBB2_4:
0x54: {  	v20 =	vmctz.xlane vm0;
	_ =	sdelay $0x1  }
0x55: {  	v21 =	vshll.u32 v20, $0x4;
	v22 =	vshll.u32 v20, $0x7  }
0x56: {  	v23 =	vor.u32 v0, v21;
	v22 =	vand.u32 $0xFFFFFC00, v22  }
0x57: {  	v23 =	vand.u32 $0x7F, v23;
	v22 =	vadd.s32 v18, v22  }
0x58: {  	v22 =	vor.u32 v23, v22  }
0x59: {  	v22 =	vor.u32 v19, v22;
	_ =	sdelay $0x4  }
0x5a: {  	v22 =	vld.idx.msk [tilespmem:v22+s25+$0x0], $0xffff;
	_ =	sdelay $0x4  }
0x5b: {  	vm1 =	vlt.f32 v22, $0.0e+00;
	vm2 =	vgt.f32 v22, $0.0e+00  }
0x5c: {  	vm1 =	vmor vm2, vm1  }
0x5d: {  	v22 =	vsel vm1, $0x3F800000, v1  }
0x5e: {  	(xrf0) =	vmax.scan.msk.f32 $0xffff, v22;
	_ =	sdelay $0x5  }
0x5f: {  	v22, _, _ =	vpop (xrf0)  }
0x60: {  	(v2sf) =	vpush v22, $0xF;
	_ =	sdelay $0xe  }
0x61: {  	s5 =	spop (v2sf)  }
0x62: {  	p0 =	sgt.f32 s5, $0.0e+00  }
.Ltmp7:
0x63: {  	_ = 	snop;
	(pc) =	sbr.rel @!p0 .LBB2_6-.Ltmp7, $1  }
0x64: {  	_ =	sdelay $0x3  }
.LBB2_5:
0x65: {  	v22 =	vmctz.xlane vm1;
	_ =	sdelay $0x1  }
0x66: {  	vm2 =	vne.s32 v22, v0  }
0x67: {  	vm1 =	vmand vm1, vm2  }
0x68: {  	v23 =	vsel vm1, $0x3F800000, v1  }
0x69: {  	(xrf0) =	vmax.scan.msk.f32 $0xffff, v23;
	_ =	sdelay $0x4  }
0x6a: {  	v22 =	vadd.s32 v21, v22  }
0x6b: {  	v24 =	vand.u32 $0x7F, v22;
	v25, _, _ =	vpop (xrf0)  }
0x6c: {  	v23 =	vshll.u32 v22, $0x3;
	v22 =	vshll.u32 v22, $0x7;
	(v2sf) =	vpush v25, $0xF  }
0x6d: {  	v59 =	vor.u32 v0, v22  }
0x6e: {  	v23 =	vand.u32 $0xFFFFFC00, v23;
	v26 =	vor.u32 v2, v22  }
0x6f: {  	v27 =	vor.u32 v4, v22;
	v23 =	vadd.s32 v18, v23  }
0x70: {  	v28 =	vor.u32 v5, v22;
	v23 =	vor.u32 v24, v23  }
0x71: {  	v23 =	vor.u32 v19, v23  }
0x72: {  	v60 =	vor.u32 v3, v22;
	v24 =	vld.idx.msk [tilespmem:v59+s2+$0x0], $0xffff  }
0x73: {  	v29 =	vor.u32 v6, v22;
	v26 =	vld.idx.msk [tilespmem:v26+s2+$0x0], $0xffff  }
0x74: {  	v30 =	vor.u32 v7, v22;
	v27 =	vld.idx.msk [tilespmem:v27+s2+$0x0], $0xffff  }
0x75: {  	v22 =	vor.u32 v8, v22;
	v28 =	vld.idx.msk [tilespmem:v28+s2+$0x0], $0xffff  }
0x76: {  	v23 =	vld.idx.msk [tilespmem:v23+s25+$0x0], $0xffff  }
0x77: {  	v25 =	vld.idx.msk [tilespmem:v60+s2+$0x0], $0xffff  }
0x78: {  	v29 =	vld.idx.msk [tilespmem:v29+s2+$0x0], $0xffff  }
0x79: {  	v30 =	vld.idx.msk [tilespmem:v30+s2+$0x0], $0xffff  }
0x7a: {  	v22 =	vld.idx.msk [tilespmem:v22+s2+$0x0], $0xffff  }
0x7b: {  	v24 =	vmul.f32 v24, v23;
	s5 =	spop (v2sf)  }
0x7c: {  	v26 =	vmul.f32 v26, v23;
	v25 =	vmul.f32 v25, v23;
	p0 =	sgt.f32 s5, $0.0e+00  }
.Ltmp8:
0x7d: {  	v27 =	vmul.f32 v27, v23;
	v61 =	vmul.f32 v28, v23;
	(pc) =	sbr.rel @p0 .LBB2_5-.Ltmp8, $4  }
0x7e: {  	v62 =	vmul.f32 v29, v23;
	v63 =	vmul.f32 v30, v23  }
0x7f: {  	v22 =	vmul.f32 v22, v23;
	v17 =	vmax.f32 v17, v24;
	v16 =	vmax.f32 v16, v26  }
0x80: {  	v15 =	vmax.f32 v15, v25;
	v14 =	vmax.f32 v14, v27;
	v13 =	vmax.f32 v13, v61  }
0x81: {  	v12 =	vmax.f32 v12, v62;
	v11 =	vmax.f32 v11, v63;
	v10 =	vmax.f32 v10, v22  }
.Ltmp9:
0x82: {  	_ = 	snop;
	(pc) =	sbr.rel .LBB2_6-.Ltmp9, $1  }
0x83: {  	_ =	sdelay $0x3  }
.LBB2_8:
0x84: {  	s26 =	simm.s32 $0x0;
	s3 =	rddreg [dreg:$0x7]  }
0x85: {  	[tilespmem:s26], [sflag:$0x1] =	stream.linear.gather [hbm4b:s3+s26], $0x8000, $0x38;
	[tilespmem:$0x17200] =	vst v63  }
0x86: {  	_ = 	snop  }
0x87: {  	[tilespmem:s25], [sflag:$0x1] =	stream.strided.gather [hbm4b:s9+s23], $0x2000, s24, s23, $0x38;
	[tilespmem:$0x17200] =	vst v63  }
0x88: {  	_ =	swait.ge [sflag:s0], $0x8000  }
.Ltmp10:
0x89: {  	[sflag:s0] =	ssyncset.done $0x0;
	(pc) =	sbr.rel .LBB2_9-.Ltmp10, $4  }
0x8a: {  	[sflag:s0] =	ssyncadd.s32 $0xFFFF8000  }
0x8b: {  	_ =	swait.ge [sflag:s0], $0x2000  }
0x8c: {  	[sflag:s0] =	ssyncset.done $0x0  }
0x8d: {  	[sflag:s0] =	ssyncadd.s32 $0xFFFFE000  }
.LBB2_14:
0x8e: {  	s6 =	sor.u32 $0x10, s3;
	[tilespmem:s3+$0x15000] =	vst v17  }
0x8f: {  	s7 =	sor.u32 $0x20, s3;
	[tilespmem:s6+$0x15000] =	vst v16  }
0x90: {  	s8 =	sor.u32 $0x30, s3;
	s26 =	sadd.s32 $0x1, s26;
	[tilespmem:s7+$0x15000] =	vst v13  }
0x91: {  	p0 =	sne.s32 s26, $0x20;
	[tilespmem:s8+$0x15000] =	vst v12  }
.Ltmp11:
0x92: {  	[tilespmem:s3+$0x16000] =	vst v11;
	(pc) =	sbr.rel @!p0 .LBB2_15-.Ltmp11, $4  }
0x93: {  	[tilespmem:s6+$0x16000] =	vst v10  }
0x94: {  	[tilespmem:s7+$0x16000] =	vst v15  }
0x95: {  	v9 =	vadd.s32 v18, v9;
	[tilespmem:s8+$0x16000] =	vst v14  }
0x96: {  	[tilespmem:s5+$0x17000] =	vst v9  }
.LBB2_9:
0x97: {  	s3 =	sshll.u32 s26, $0x7  }
0x98: {  	v9 =	vld [tilespmem:s3+$0x14010];
	_ =	sdelay $0x4  }
0x99: {  	vm0 =	vgt.s32 v9, $0x0  }
0x9a: {  	v10 =	vsel vm0, $0x3F800000, v1  }
0x9b: {  	(xrf0) =	vmax.scan.msk.f32 $0xffff, v10;
	_ =	sdelay $0x5  }
0x9c: {  	v10, _, _ =	vpop (xrf0)  }
0x9d: {  	(v2sf) =	vpush v10, $0xF;
	_ =	sdelay $0xc  }
0x9e: {  	v17 =	vld [tilespmem:s3+$0x15000]  }
0x9f: {  	v16 =	vld [tilespmem:s3+$0x15010]  }
0xa0: {  	v13 =	vld [tilespmem:s3+$0x15020];
	s5 =	spop (v2sf)  }
0xa1: {  	v12 =	vld [tilespmem:s3+$0x15030];
	p0 =	sgt.f32 s5, $0.0e+00  }
.Ltmp12:
0xa2: {  	v11 =	vld [tilespmem:s3+$0x16000];
	(pc) =	sbr.rel @!p0 .LBB2_14-.Ltmp12, $4  }
0xa3: {  	v15 =	vld [tilespmem:s3+$0x16020]  }
0xa4: {  	s6 =	sshll.u32 s26, $0x6;
	v14 =	vld [tilespmem:s3+$0x16030]  }
0xa5: {  	v10 =	vld [tilespmem:s3+$0x16010];
	s5 =	sshrl.u32 s6, $0x2  }
0xa6: {  	v18 =	vld [tilespmem:s5+$0x17000]  }
.Ltmp13:
0xa7: {  	(pc) =	sbr.rel .LBB2_11-.Ltmp13, $4  }
0xa8: {  	_ = 	snop  }
0xa9: {  	v19 =	vmov s26  }
0xaa: {  	v20 =	vshll.u32 v19, $0x8;
	v21 =	vshll.u32 v19, $0x7  }
0xab: {  	v19 =	vand.u32 $0x1800, v20;
	v20 =	vand.u32 $0x380, v21  }
.LBB2_13:
0xac: {  	vm1 =	vne.s32 v21, v0  }
0xad: {  	vm0 =	vmand vm0, vm1  }
0xae: {  	v21 =	vsel vm0, $0x3F800000, v1  }
0xaf: {  	(xrf0) =	vmax.scan.msk.f32 $0xffff, v21;
	_ =	sdelay $0x5  }
0xb0: {  	v21, _, _ =	vpop (xrf0)  }
0xb1: {  	(v2sf) =	vpush v21, $0xF;
	_ =	sdelay $0xe  }
0xb2: {  	s6 =	spop (v2sf)  }
0xb3: {  	p0 =	sgt.f32 s6, $0.0e+00  }
.Ltmp14:
0xb4: {  	_ = 	snop;
	(pc) =	sbr.rel @!p0 .LBB2_14-.Ltmp14, $1  }
0xb5: {  	_ =	sdelay $0x3  }
.LBB2_11:
0xb6: {  	v21 =	vmctz.xlane vm0;
	_ =	sdelay $0x1  }
0xb7: {  	v22 =	vshll.u32 v21, $0x4;
	v23 =	vshll.u32 v21, $0x7  }
0xb8: {  	v24 =	vor.u32 v0, v22;
	v23 =	vand.u32 $0xFFFFFC00, v23  }
0xb9: {  	v24 =	vand.u32 $0x7F, v24;
	v23 =	vadd.s32 v19, v23  }
0xba: {  	v23 =	vor.u32 v24, v23  }
0xbb: {  	v23 =	vor.u32 v20, v23;
	_ =	sdelay $0x4  }
0xbc: {  	v23 =	vld.idx.msk [tilespmem:v23+s30+$0x0], $0xffff;
	_ =	sdelay $0x4  }
0xbd: {  	vm1 =	vlt.f32 v23, $0.0e+00;
	vm2 =	vgt.f32 v23, $0.0e+00  }
0xbe: {  	vm1 =	vmor vm2, vm1  }
0xbf: {  	v23 =	vsel vm1, $0x3F800000, v1  }
0xc0: {  	(xrf0) =	vmax.scan.msk.f32 $0xffff, v23;
	_ =	sdelay $0x5  }
0xc1: {  	v23, _, _ =	vpop (xrf0)  }
0xc2: {  	(v2sf) =	vpush v23, $0xF;
	_ =	sdelay $0xe  }
0xc3: {  	s6 =	spop (v2sf)  }
0xc4: {  	p0 =	sgt.f32 s6, $0.0e+00  }
.Ltmp15:
0xc5: {  	_ = 	snop;
	(pc) =	sbr.rel @!p0 .LBB2_13-.Ltmp15, $1  }
0xc6: {  	_ =	sdelay $0x3  }
.LBB2_12:
0xc7: {  	v23 =	vmctz.xlane vm1;
	_ =	sdelay $0x1  }
0xc8: {  	vm2 =	vne.s32 v23, v0  }
0xc9: {  	vm1 =	vmand vm1, vm2  }
0xca: {  	v24 =	vsel vm1, $0x3F800000, v1  }
0xcb: {  	(xrf0) =	vmax.scan.msk.f32 $0xffff, v24;
	_ =	sdelay $0x4  }
0xcc: {  	v23 =	vadd.s32 v22, v23  }
0xcd: {  	v58 =	vshll.u32 v23, $0x3;
	v26, _, _ =	vpop (xrf0)  }
0xce: {  	v25 =	vand.u32 $0x7F, v23;
	v23 =	vshll.u32 v23, $0x7;
	(v2sf) =	vpush v26, $0xF  }
0xcf: {  	v59 =	vor.u32 v0, v23  }
0xd0: {  	v27 =	vor.u32 v2, v23;
	v24 =	vand.u32 $0xFFFFFC00, v58  }
0xd1: {  	v28 =	vor.u32 v4, v23;
	v24 =	vadd.s32 v19, v24  }
0xd2: {  	v29 =	vor.u32 v5, v23;
	v24 =	vor.u32 v25, v24  }
0xd3: {  	v24 =	vor.u32 v20, v24  }
0xd4: {  	v60 =	vor.u32 v3, v23;
	v25 =	vld.idx.msk [tilespmem:v59+s29+$0x0], $0xffff  }
0xd5: {  	v30 =	vor.u32 v6, v23;
	v27 =	vld.idx.msk [tilespmem:v27+s29+$0x0], $0xffff  }
0xd6: {  	v31 =	vor.u32 v7, v23;
	v28 =	vld.idx.msk [tilespmem:v28+s29+$0x0], $0xffff  }
0xd7: {  	v23 =	vor.u32 v8, v23;
	v29 =	vld.idx.msk [tilespmem:v29+s29+$0x0], $0xffff  }
0xd8: {  	v24 =	vld.idx.msk [tilespmem:v24+s30+$0x0], $0xffff  }
0xd9: {  	v26 =	vld.idx.msk [tilespmem:v60+s29+$0x0], $0xffff  }
0xda: {  	v30 =	vld.idx.msk [tilespmem:v30+s29+$0x0], $0xffff  }
0xdb: {  	v31 =	vld.idx.msk [tilespmem:v31+s29+$0x0], $0xffff  }
0xdc: {  	v23 =	vld.idx.msk [tilespmem:v23+s29+$0x0], $0xffff  }
0xdd: {  	v25 =	vmul.f32 v25, v24;
	s6 =	spop (v2sf)  }
0xde: {  	v27 =	vmul.f32 v27, v24;
	v26 =	vmul.f32 v26, v24;
	p0 =	sgt.f32 s6, $0.0e+00  }
.Ltmp16:
0xdf: {  	v28 =	vmul.f32 v28, v24;
	v61 =	vmul.f32 v29, v24;
	(pc) =	sbr.rel @p0 .LBB2_12-.Ltmp16, $4  }
0xe0: {  	v62 =	vmul.f32 v30, v24;
	v63 =	vmul.f32 v31, v24  }
0xe1: {  	v23 =	vmul.f32 v23, v24;
	v17 =	vmax.f32 v17, v25;
	v16 =	vmax.f32 v16, v27  }
0xe2: {  	v13 =	vmax.f32 v13, v26;
	v12 =	vmax.f32 v12, v28;
	v11 =	vmax.f32 v11, v61  }
0xe3: {  	v10 =	vmax.f32 v10, v62;
	v15 =	vmax.f32 v15, v63;
	v14 =	vmax.f32 v14, v23  }
.Ltmp17:
0xe4: {  	_ = 	snop;
	(pc) =	sbr.rel .LBB2_13-.Ltmp17, $1  }
0xe5: {  	_ =	sdelay $0x3  }
.LBB2_15:
0xe6: {  	s26 =	simm.s32 $0x0  }
0xe7: {  	[tilespmem:s29], [sflag:$0x2] =	stream.linear.gather [hbm4b:s10+s26], $0x8000, $0x38;
	[tilespmem:$0x17200] =	vst v63  }
0xe8: {  	_ = 	snop  }
0xe9: {  	[tilespmem:s30], [sflag:$0x2] =	stream.strided.gather [hbm4b:s11+s23], $0x2000, s24, s23, $0x38;
	[tilespmem:$0x17200] =	vst v63  }
0xea: {  	_ =	swait.ge [sflag:s31], $0x8000  }
.Ltmp18:
0xeb: {  	[sflag:s31] =	ssyncset.done $0x0;
	(pc) =	sbr.rel .LBB2_16-.Ltmp18, $4  }
0xec: {  	[sflag:s31] =	ssyncadd.s32 $0xFFFF8000  }
0xed: {  	_ =	swait.ge [sflag:s31], $0x2000  }
0xee: {  	[sflag:s31] =	ssyncset.done $0x0  }
0xef: {  	[sflag:s31] =	ssyncadd.s32 $0xFFFFE000  }
.LBB2_21:
0xf0: {  	s6 =	sor.u32 $0x10, s3;
	[tilespmem:s3+$0x15000] =	vst v17  }
0xf1: {  	s7 =	sor.u32 $0x20, s3;
	[tilespmem:s6+$0x15000] =	vst v16  }
0xf2: {  	s8 =	sor.u32 $0x30, s3;
	s26 =	sadd.s32 $0x1, s26;
	[tilespmem:s7+$0x15000] =	vst v13  }
0xf3: {  	p0 =	sne.s32 s26, $0x20;
	[tilespmem:s8+$0x15000] =	vst v12  }
.Ltmp19:
0xf4: {  	[tilespmem:s3+$0x16000] =	vst v11;
	(pc) =	sbr.rel @!p0 .LBB2_22-.Ltmp19, $4  }
0xf5: {  	[tilespmem:s6+$0x16000] =	vst v10  }
0xf6: {  	[tilespmem:s7+$0x16000] =	vst v15  }
0xf7: {  	v9 =	vadd.s32 v18, v9;
	[tilespmem:s8+$0x16000] =	vst v14  }
0xf8: {  	[tilespmem:s5+$0x17000] =	vst v9  }
.LBB2_16:
0xf9: {  	s3 =	sshll.u32 s26, $0x7  }
0xfa: {  	v9 =	vld [tilespmem:s3+$0x14020];
	_ =	sdelay $0x4  }
0xfb: {  	vm0 =	vgt.s32 v9, $0x0  }
0xfc: {  	v10 =	vsel vm0, $0x3F800000, v1  }
0xfd: {  	(xrf0) =	vmax.scan.msk.f32 $0xffff, v10;
	_ =	sdelay $0x5  }
0xfe: {  	v10, _, _ =	vpop (xrf0)  }
0xff: {  	(v2sf) =	vpush v10, $0xF;
	_ =	sdelay $0xc  }
0x100: {  	v17 =	vld [tilespmem:s3+$0x15000]  }
0x101: {  	v16 =	vld [tilespmem:s3+$0x15010]  }
0x102: {  	v13 =	vld [tilespmem:s3+$0x15020];
	s5 =	spop (v2sf)  }
0x103: {  	v12 =	vld [tilespmem:s3+$0x15030];
	p0 =	sgt.f32 s5, $0.0e+00  }
.Ltmp20:
0x104: {  	v11 =	vld [tilespmem:s3+$0x16000];
	(pc) =	sbr.rel @!p0 .LBB2_21-.Ltmp20, $4  }
0x105: {  	v15 =	vld [tilespmem:s3+$0x16020]  }
0x106: {  	s6 =	sshll.u32 s26, $0x6;
	v14 =	vld [tilespmem:s3+$0x16030]  }
0x107: {  	v10 =	vld [tilespmem:s3+$0x16010];
	s5 =	sshrl.u32 s6, $0x2  }
0x108: {  	v18 =	vld [tilespmem:s5+$0x17000]  }
.Ltmp21:
0x109: {  	(pc) =	sbr.rel .LBB2_18-.Ltmp21, $4  }
0x10a: {  	_ = 	snop  }
0x10b: {  	v19 =	vmov s26  }
0x10c: {  	v20 =	vshll.u32 v19, $0x8;
	v21 =	vshll.u32 v19, $0x7  }
0x10d: {  	v19 =	vand.u32 $0x1800, v20;
	v20 =	vand.u32 $0x380, v21  }
.LBB2_20:
0x10e: {  	vm1 =	vne.s32 v21, v0  }
0x10f: {  	vm0 =	vmand vm0, vm1  }
0x110: {  	v21 =	vsel vm0, $0x3F800000, v1  }
0x111: {  	(xrf0) =	vmax.scan.msk.f32 $0xffff, v21;
	_ =	sdelay $0x5  }
0x112: {  	v21, _, _ =	vpop (xrf0)  }
0x113: {  	(v2sf) =	vpush v21, $0xF;
	_ =	sdelay $0xe  }
0x114: {  	s6 =	spop (v2sf)  }
0x115: {  	p0 =	sgt.f32 s6, $0.0e+00  }
.Ltmp22:
0x116: {  	_ = 	snop;
	(pc) =	sbr.rel @!p0 .LBB2_21-.Ltmp22, $1  }
0x117: {  	_ =	sdelay $0x3  }
.LBB2_18:
0x118: {  	v21 =	vmctz.xlane vm0;
	_ =	sdelay $0x1  }
0x119: {  	v22 =	vshll.u32 v21, $0x4;
	v23 =	vshll.u32 v21, $0x7  }
0x11a: {  	v24 =	vor.u32 v0, v22;
	v23 =	vand.u32 $0xFFFFFC00, v23  }
0x11b: {  	v24 =	vand.u32 $0x7F, v24;
	v23 =	vadd.s32 v19, v23  }
0x11c: {  	v23 =	vor.u32 v24, v23  }
0x11d: {  	v23 =	vor.u32 v20, v23;
	_ =	sdelay $0x4  }
0x11e: {  	v23 =	vld.idx.msk [tilespmem:v23+s25+$0x0], $0xffff;
	_ =	sdelay $0x4  }
0x11f: {  	vm1 =	vlt.f32 v23, $0.0e+00;
	vm2 =	vgt.f32 v23, $0.0e+00  }
0x120: {  	vm1 =	vmor vm2, vm1  }
0x121: {  	v23 =	vsel vm1, $0x3F800000, v1  }
0x122: {  	(xrf0) =	vmax.scan.msk.f32 $0xffff, v23;
	_ =	sdelay $0x5  }
0x123: {  	v23, _, _ =	vpop (xrf0)  }
0x124: {  	(v2sf) =	vpush v23, $0xF;
	_ =	sdelay $0xe  }
0x125: {  	s6 =	spop (v2sf)  }
0x126: {  	p0 =	sgt.f32 s6, $0.0e+00  }
.Ltmp23:
0x127: {  	_ = 	snop;
	(pc) =	sbr.rel @!p0 .LBB2_20-.Ltmp23, $1  }
0x128: {  	_ =	sdelay $0x3  }
.LBB2_19:
0x129: {  	v23 =	vmctz.xlane vm1;
	_ =	sdelay $0x1  }
0x12a: {  	vm2 =	vne.s32 v23, v0  }
0x12b: {  	vm1 =	vmand vm1, vm2  }
0x12c: {  	v24 =	vsel vm1, $0x3F800000, v1  }
0x12d: {  	(xrf0) =	vmax.scan.msk.f32 $0xffff, v24;
	_ =	sdelay $0x4  }
0x12e: {  	v23 =	vadd.s32 v22, v23  }
0x12f: {  	v58 =	vshll.u32 v23, $0x3;
	v26, _, _ =	vpop (xrf0)  }
0x130: {  	v25 =	vand.u32 $0x7F, v23;
	v23 =	vshll.u32 v23, $0x7;
	(v2sf) =	vpush v26, $0xF  }
0x131: {  	v59 =	vor.u32 v0, v23  }
0x132: {  	v27 =	vor.u32 v2, v23;
	v24 =	vand.u32 $0xFFFFFC00, v58  }
0x133: {  	v28 =	vor.u32 v4, v23;
	v24 =	vadd.s32 v19, v24  }
0x134: {  	v29 =	vor.u32 v5, v23;
	v24 =	vor.u32 v25, v24  }
0x135: {  	v24 =	vor.u32 v20, v24  }
0x136: {  	v60 =	vor.u32 v3, v23;
	v25 =	vld.idx.msk [tilespmem:v59+s2+$0x0], $0xffff  }
0x137: {  	v30 =	vor.u32 v6, v23;
	v27 =	vld.idx.msk [tilespmem:v27+s2+$0x0], $0xffff  }
0x138: {  	v31 =	vor.u32 v7, v23;
	v28 =	vld.idx.msk [tilespmem:v28+s2+$0x0], $0xffff  }
0x139: {  	v23 =	vor.u32 v8, v23;
	v29 =	vld.idx.msk [tilespmem:v29+s2+$0x0], $0xffff  }
0x13a: {  	v24 =	vld.idx.msk [tilespmem:v24+s25+$0x0], $0xffff  }
0x13b: {  	v26 =	vld.idx.msk [tilespmem:v60+s2+$0x0], $0xffff  }
0x13c: {  	v30 =	vld.idx.msk [tilespmem:v30+s2+$0x0], $0xffff  }
0x13d: {  	v31 =	vld.idx.msk [tilespmem:v31+s2+$0x0], $0xffff  }
0x13e: {  	v23 =	vld.idx.msk [tilespmem:v23+s2+$0x0], $0xffff  }
0x13f: {  	v25 =	vmul.f32 v25, v24;
	s6 =	spop (v2sf)  }
0x140: {  	v27 =	vmul.f32 v27, v24;
	v26 =	vmul.f32 v26, v24;
	p0 =	sgt.f32 s6, $0.0e+00  }
.Ltmp24:
0x141: {  	v28 =	vmul.f32 v28, v24;
	v61 =	vmul.f32 v29, v24;
	(pc) =	sbr.rel @p0 .LBB2_19-.Ltmp24, $4  }
0x142: {  	v62 =	vmul.f32 v30, v24;
	v63 =	vmul.f32 v31, v24  }
0x143: {  	v23 =	vmul.f32 v23, v24;
	v17 =	vmax.f32 v17, v25;
	v16 =	vmax.f32 v16, v27  }
0x144: {  	v13 =	vmax.f32 v13, v26;
	v12 =	vmax.f32 v12, v28;
	v11 =	vmax.f32 v11, v61  }
0x145: {  	v10 =	vmax.f32 v10, v62;
	v15 =	vmax.f32 v15, v63;
	v14 =	vmax.f32 v14, v23  }
.Ltmp25:
0x146: {  	_ = 	snop;
	(pc) =	sbr.rel .LBB2_20-.Ltmp25, $1  }
0x147: {  	_ =	sdelay $0x3  }
.LBB2_22:
0x148: {  	s26 =	simm.s32 $0x0  }
0x149: {  	[tilespmem:s26], [sflag:$0x1] =	stream.linear.gather [hbm4b:s12+s26], $0x8000, $0x38;
	[tilespmem:$0x17200] =	vst v63  }
0x14a: {  	_ = 	snop  }
0x14b: {  	[tilespmem:s25], [sflag:$0x1] =	stream.strided.gather [hbm4b:s13+s23], $0x2000, s24, s23, $0x38;
	[tilespmem:$0x17200] =	vst v63  }
0x14c: {  	_ =	swait.ge [sflag:s0], $0x8000  }
.Ltmp26:
0x14d: {  	[sflag:s0] =	ssyncset.done $0x0;
	(pc) =	sbr.rel .LBB2_23-.Ltmp26, $4  }
0x14e: {  	[sflag:s0] =	ssyncadd.s32 $0xFFFF8000  }
0x14f: {  	_ =	swait.ge [sflag:s0], $0x2000  }
0x150: {  	[sflag:s0] =	ssyncset.done $0x0  }
0x151: {  	[sflag:s0] =	ssyncadd.s32 $0xFFFFE000  }
.LBB2_28:
0x152: {  	s6 =	sor.u32 $0x10, s3;
	[tilespmem:s3+$0x15000] =	vst v17  }
0x153: {  	s7 =	sor.u32 $0x20, s3;
	[tilespmem:s6+$0x15000] =	vst v16  }
0x154: {  	s8 =	sor.u32 $0x30, s3;
	s26 =	sadd.s32 $0x1, s26;
	[tilespmem:s7+$0x15000] =	vst v13  }
0x155: {  	p0 =	sne.s32 s26, $0x20;
	[tilespmem:s8+$0x15000] =	vst v12  }
.Ltmp27:
0x156: {  	[tilespmem:s3+$0x16000] =	vst v11;
	(pc) =	sbr.rel @!p0 .LBB2_29-.Ltmp27, $4  }
0x157: {  	[tilespmem:s6+$0x16000] =	vst v10  }
0x158: {  	[tilespmem:s7+$0x16000] =	vst v15  }
0x159: {  	v9 =	vadd.s32 v18, v9;
	[tilespmem:s8+$0x16000] =	vst v14  }
0x15a: {  	[tilespmem:s5+$0x17000] =	vst v9  }
.LBB2_23:
0x15b: {  	s3 =	sshll.u32 s26, $0x7  }
0x15c: {  	v9 =	vld [tilespmem:s3+$0x14030];
	_ =	sdelay $0x4  }
0x15d: {  	vm0 =	vgt.s32 v9, $0x0  }
0x15e: {  	v10 =	vsel vm0, $0x3F800000, v1  }
0x15f: {  	(xrf0) =	vmax.scan.msk.f32 $0xffff, v10;
	_ =	sdelay $0x5  }
0x160: {  	v10, _, _ =	vpop (xrf0)  }
0x161: {  	(v2sf) =	vpush v10, $0xF;
	_ =	sdelay $0xc  }
0x162: {  	v17 =	vld [tilespmem:s3+$0x15000]  }
0x163: {  	v16 =	vld [tilespmem:s3+$0x15010]  }
0x164: {  	v13 =	vld [tilespmem:s3+$0x15020];
	s5 =	spop (v2sf)  }
0x165: {  	v12 =	vld [tilespmem:s3+$0x15030];
	p0 =	sgt.f32 s5, $0.0e+00  }
.Ltmp28:
0x166: {  	v11 =	vld [tilespmem:s3+$0x16000];
	(pc) =	sbr.rel @!p0 .LBB2_28-.Ltmp28, $4  }
0x167: {  	v15 =	vld [tilespmem:s3+$0x16020]  }
0x168: {  	s6 =	sshll.u32 s26, $0x6;
	v14 =	vld [tilespmem:s3+$0x16030]  }
0x169: {  	v10 =	vld [tilespmem:s3+$0x16010];
	s5 =	sshrl.u32 s6, $0x2  }
0x16a: {  	v18 =	vld [tilespmem:s5+$0x17000]  }
.Ltmp29:
0x16b: {  	(pc) =	sbr.rel .LBB2_25-.Ltmp29, $4  }
0x16c: {  	_ = 	snop  }
0x16d: {  	v19 =	vmov s26  }
0x16e: {  	v20 =	vshll.u32 v19, $0x8;
	v21 =	vshll.u32 v19, $0x7  }
0x16f: {  	v19 =	vand.u32 $0x1800, v20;
	v20 =	vand.u32 $0x380, v21  }
.LBB2_27:
0x170: {  	vm1 =	vne.s32 v21, v0  }
0x171: {  	vm0 =	vmand vm0, vm1  }
0x172: {  	v21 =	vsel vm0, $0x3F800000, v1  }
0x173: {  	(xrf0) =	vmax.scan.msk.f32 $0xffff, v21;
	_ =	sdelay $0x5  }
0x174: {  	v21, _, _ =	vpop (xrf0)  }
0x175: {  	(v2sf) =	vpush v21, $0xF;
	_ =	sdelay $0xe  }
0x176: {  	s6 =	spop (v2sf)  }
0x177: {  	p0 =	sgt.f32 s6, $0.0e+00  }
.Ltmp30:
0x178: {  	_ = 	snop;
	(pc) =	sbr.rel @!p0 .LBB2_28-.Ltmp30, $1  }
0x179: {  	_ =	sdelay $0x3  }
.LBB2_25:
0x17a: {  	v21 =	vmctz.xlane vm0;
	_ =	sdelay $0x1  }
0x17b: {  	v22 =	vshll.u32 v21, $0x4;
	v23 =	vshll.u32 v21, $0x7  }
0x17c: {  	v24 =	vor.u32 v0, v22;
	v23 =	vand.u32 $0xFFFFFC00, v23  }
0x17d: {  	v24 =	vand.u32 $0x7F, v24;
	v23 =	vadd.s32 v19, v23  }
0x17e: {  	v23 =	vor.u32 v24, v23  }
0x17f: {  	v23 =	vor.u32 v20, v23;
	_ =	sdelay $0x4  }
0x180: {  	v23 =	vld.idx.msk [tilespmem:v23+s30+$0x0], $0xffff;
	_ =	sdelay $0x4  }
0x181: {  	vm1 =	vlt.f32 v23, $0.0e+00;
	vm2 =	vgt.f32 v23, $0.0e+00  }
0x182: {  	vm1 =	vmor vm2, vm1  }
0x183: {  	v23 =	vsel vm1, $0x3F800000, v1  }
0x184: {  	(xrf0) =	vmax.scan.msk.f32 $0xffff, v23;
	_ =	sdelay $0x5  }
0x185: {  	v23, _, _ =	vpop (xrf0)  }
0x186: {  	(v2sf) =	vpush v23, $0xF;
	_ =	sdelay $0xe  }
0x187: {  	s6 =	spop (v2sf)  }
0x188: {  	p0 =	sgt.f32 s6, $0.0e+00  }
.Ltmp31:
0x189: {  	_ = 	snop;
	(pc) =	sbr.rel @!p0 .LBB2_27-.Ltmp31, $1  }
0x18a: {  	_ =	sdelay $0x3  }
.LBB2_26:
0x18b: {  	v23 =	vmctz.xlane vm1;
	_ =	sdelay $0x1  }
0x18c: {  	vm2 =	vne.s32 v23, v0  }
0x18d: {  	vm1 =	vmand vm1, vm2  }
0x18e: {  	v24 =	vsel vm1, $0x3F800000, v1  }
0x18f: {  	(xrf0) =	vmax.scan.msk.f32 $0xffff, v24;
	_ =	sdelay $0x4  }
0x190: {  	v23 =	vadd.s32 v22, v23  }
0x191: {  	v58 =	vshll.u32 v23, $0x3;
	v26, _, _ =	vpop (xrf0)  }
0x192: {  	v25 =	vand.u32 $0x7F, v23;
	v23 =	vshll.u32 v23, $0x7;
	(v2sf) =	vpush v26, $0xF  }
0x193: {  	v59 =	vor.u32 v0, v23  }
0x194: {  	v27 =	vor.u32 v2, v23;
	v24 =	vand.u32 $0xFFFFFC00, v58  }
0x195: {  	v28 =	vor.u32 v4, v23;
	v24 =	vadd.s32 v19, v24  }
0x196: {  	v29 =	vor.u32 v5, v23;
	v24 =	vor.u32 v25, v24  }
0x197: {  	v24 =	vor.u32 v20, v24  }
0x198: {  	v60 =	vor.u32 v3, v23;
	v25 =	vld.idx.msk [tilespmem:v59+s29+$0x0], $0xffff  }
0x199: {  	v30 =	vor.u32 v6, v23;
	v27 =	vld.idx.msk [tilespmem:v27+s29+$0x0], $0xffff  }
0x19a: {  	v31 =	vor.u32 v7, v23;
	v28 =	vld.idx.msk [tilespmem:v28+s29+$0x0], $0xffff  }
0x19b: {  	v23 =	vor.u32 v8, v23;
	v29 =	vld.idx.msk [tilespmem:v29+s29+$0x0], $0xffff  }
0x19c: {  	v24 =	vld.idx.msk [tilespmem:v24+s30+$0x0], $0xffff  }
0x19d: {  	v26 =	vld.idx.msk [tilespmem:v60+s29+$0x0], $0xffff  }
0x19e: {  	v30 =	vld.idx.msk [tilespmem:v30+s29+$0x0], $0xffff  }
0x19f: {  	v31 =	vld.idx.msk [tilespmem:v31+s29+$0x0], $0xffff  }
0x1a0: {  	v23 =	vld.idx.msk [tilespmem:v23+s29+$0x0], $0xffff  }
0x1a1: {  	v25 =	vmul.f32 v25, v24;
	s6 =	spop (v2sf)  }
0x1a2: {  	v27 =	vmul.f32 v27, v24;
	v26 =	vmul.f32 v26, v24;
	p0 =	sgt.f32 s6, $0.0e+00  }
.Ltmp32:
0x1a3: {  	v28 =	vmul.f32 v28, v24;
	v61 =	vmul.f32 v29, v24;
	(pc) =	sbr.rel @p0 .LBB2_26-.Ltmp32, $4  }
0x1a4: {  	v62 =	vmul.f32 v30, v24;
	v63 =	vmul.f32 v31, v24  }
0x1a5: {  	v23 =	vmul.f32 v23, v24;
	v17 =	vmax.f32 v17, v25;
	v16 =	vmax.f32 v16, v27  }
0x1a6: {  	v13 =	vmax.f32 v13, v26;
	v12 =	vmax.f32 v12, v28;
	v11 =	vmax.f32 v11, v61  }
0x1a7: {  	v10 =	vmax.f32 v10, v62;
	v15 =	vmax.f32 v15, v63;
	v14 =	vmax.f32 v14, v23  }
.Ltmp33:
0x1a8: {  	_ = 	snop;
	(pc) =	sbr.rel .LBB2_27-.Ltmp33, $1  }
0x1a9: {  	_ =	sdelay $0x3  }
.LBB2_29:
0x1aa: {  	s26 =	simm.s32 $0x0  }
0x1ab: {  	[tilespmem:s29], [sflag:$0x2] =	stream.linear.gather [hbm4b:s14+s26], $0x8000, $0x38;
	[tilespmem:$0x17200] =	vst v63  }
0x1ac: {  	_ = 	snop  }
0x1ad: {  	[tilespmem:s30], [sflag:$0x2] =	stream.strided.gather [hbm4b:s15+s23], $0x2000, s24, s23, $0x38;
	[tilespmem:$0x17200] =	vst v63  }
0x1ae: {  	_ =	swait.ge [sflag:s31], $0x8000  }
.Ltmp34:
0x1af: {  	[sflag:s31] =	ssyncset.done $0x0;
	(pc) =	sbr.rel .LBB2_30-.Ltmp34, $4  }
0x1b0: {  	[sflag:s31] =	ssyncadd.s32 $0xFFFF8000  }
0x1b1: {  	_ =	swait.ge [sflag:s31], $0x2000  }
0x1b2: {  	[sflag:s31] =	ssyncset.done $0x0  }
0x1b3: {  	[sflag:s31] =	ssyncadd.s32 $0xFFFFE000  }
.LBB2_35:
0x1b4: {  	s6 =	sor.u32 $0x10, s3;
	[tilespmem:s3+$0x15000] =	vst v17  }
0x1b5: {  	s7 =	sor.u32 $0x20, s3;
	[tilespmem:s6+$0x15000] =	vst v16  }
0x1b6: {  	s8 =	sor.u32 $0x30, s3;
	s26 =	sadd.s32 $0x1, s26;
	[tilespmem:s7+$0x15000] =	vst v13  }
0x1b7: {  	p0 =	sne.s32 s26, $0x20;
	[tilespmem:s8+$0x15000] =	vst v12  }
.Ltmp35:
0x1b8: {  	[tilespmem:s3+$0x16000] =	vst v11;
	(pc) =	sbr.rel @!p0 .LBB2_36-.Ltmp35, $4  }
0x1b9: {  	[tilespmem:s6+$0x16000] =	vst v10  }
0x1ba: {  	[tilespmem:s7+$0x16000] =	vst v15  }
0x1bb: {  	v9 =	vadd.s32 v18, v9;
	[tilespmem:s8+$0x16000] =	vst v14  }
0x1bc: {  	[tilespmem:s5+$0x17000] =	vst v9  }
.LBB2_30:
0x1bd: {  	s3 =	sshll.u32 s26, $0x7  }
0x1be: {  	v9 =	vld [tilespmem:s3+$0x14040];
	_ =	sdelay $0x4  }
0x1bf: {  	vm0 =	vgt.s32 v9, $0x0  }
0x1c0: {  	v10 =	vsel vm0, $0x3F800000, v1  }
0x1c1: {  	(xrf0) =	vmax.scan.msk.f32 $0xffff, v10;
	_ =	sdelay $0x5  }
0x1c2: {  	v10, _, _ =	vpop (xrf0)  }
0x1c3: {  	(v2sf) =	vpush v10, $0xF;
	_ =	sdelay $0xc  }
0x1c4: {  	v17 =	vld [tilespmem:s3+$0x15000]  }
0x1c5: {  	v16 =	vld [tilespmem:s3+$0x15010]  }
0x1c6: {  	v13 =	vld [tilespmem:s3+$0x15020];
	s5 =	spop (v2sf)  }
0x1c7: {  	v12 =	vld [tilespmem:s3+$0x15030];
	p0 =	sgt.f32 s5, $0.0e+00  }
.Ltmp36:
0x1c8: {  	v11 =	vld [tilespmem:s3+$0x16000];
	(pc) =	sbr.rel @!p0 .LBB2_35-.Ltmp36, $4  }
0x1c9: {  	v15 =	vld [tilespmem:s3+$0x16020]  }
0x1ca: {  	s6 =	sshll.u32 s26, $0x6;
	v14 =	vld [tilespmem:s3+$0x16030]  }
0x1cb: {  	v10 =	vld [tilespmem:s3+$0x16010];
	s5 =	sshrl.u32 s6, $0x2  }
0x1cc: {  	v18 =	vld [tilespmem:s5+$0x17000]  }
.Ltmp37:
0x1cd: {  	(pc) =	sbr.rel .LBB2_32-.Ltmp37, $4  }
0x1ce: {  	_ = 	snop  }
0x1cf: {  	v19 =	vmov s26  }
0x1d0: {  	v20 =	vshll.u32 v19, $0x8;
	v21 =	vshll.u32 v19, $0x7  }
0x1d1: {  	v19 =	vand.u32 $0x1800, v20;
	v20 =	vand.u32 $0x380, v21  }
.LBB2_34:
0x1d2: {  	vm1 =	vne.s32 v21, v0  }
0x1d3: {  	vm0 =	vmand vm0, vm1  }
0x1d4: {  	v21 =	vsel vm0, $0x3F800000, v1  }
0x1d5: {  	(xrf0) =	vmax.scan.msk.f32 $0xffff, v21;
	_ =	sdelay $0x5  }
0x1d6: {  	v21, _, _ =	vpop (xrf0)  }
0x1d7: {  	(v2sf) =	vpush v21, $0xF;
	_ =	sdelay $0xe  }
0x1d8: {  	s6 =	spop (v2sf)  }
0x1d9: {  	p0 =	sgt.f32 s6, $0.0e+00  }
.Ltmp38:
0x1da: {  	_ = 	snop;
	(pc) =	sbr.rel @!p0 .LBB2_35-.Ltmp38, $1  }
0x1db: {  	_ =	sdelay $0x3  }
.LBB2_32:
0x1dc: {  	v21 =	vmctz.xlane vm0;
	_ =	sdelay $0x1  }
0x1dd: {  	v22 =	vshll.u32 v21, $0x4;
	v23 =	vshll.u32 v21, $0x7  }
0x1de: {  	v24 =	vor.u32 v0, v22;
	v23 =	vand.u32 $0xFFFFFC00, v23  }
0x1df: {  	v24 =	vand.u32 $0x7F, v24;
	v23 =	vadd.s32 v19, v23  }
0x1e0: {  	v23 =	vor.u32 v24, v23  }
0x1e1: {  	v23 =	vor.u32 v20, v23;
	_ =	sdelay $0x4  }
0x1e2: {  	v23 =	vld.idx.msk [tilespmem:v23+s25+$0x0], $0xffff;
	_ =	sdelay $0x4  }
0x1e3: {  	vm1 =	vlt.f32 v23, $0.0e+00;
	vm2 =	vgt.f32 v23, $0.0e+00  }
0x1e4: {  	vm1 =	vmor vm2, vm1  }
0x1e5: {  	v23 =	vsel vm1, $0x3F800000, v1  }
0x1e6: {  	(xrf0) =	vmax.scan.msk.f32 $0xffff, v23;
	_ =	sdelay $0x5  }
0x1e7: {  	v23, _, _ =	vpop (xrf0)  }
0x1e8: {  	(v2sf) =	vpush v23, $0xF;
	_ =	sdelay $0xe  }
0x1e9: {  	s6 =	spop (v2sf)  }
0x1ea: {  	p0 =	sgt.f32 s6, $0.0e+00  }
.Ltmp39:
0x1eb: {  	_ = 	snop;
	(pc) =	sbr.rel @!p0 .LBB2_34-.Ltmp39, $1  }
0x1ec: {  	_ =	sdelay $0x3  }
.LBB2_33:
0x1ed: {  	v23 =	vmctz.xlane vm1;
	_ =	sdelay $0x1  }
0x1ee: {  	vm2 =	vne.s32 v23, v0  }
0x1ef: {  	vm1 =	vmand vm1, vm2  }
0x1f0: {  	v24 =	vsel vm1, $0x3F800000, v1  }
0x1f1: {  	(xrf0) =	vmax.scan.msk.f32 $0xffff, v24;
	_ =	sdelay $0x4  }
0x1f2: {  	v23 =	vadd.s32 v22, v23  }
0x1f3: {  	v58 =	vshll.u32 v23, $0x3;
	v26, _, _ =	vpop (xrf0)  }
0x1f4: {  	v25 =	vand.u32 $0x7F, v23;
	v23 =	vshll.u32 v23, $0x7;
	(v2sf) =	vpush v26, $0xF  }
0x1f5: {  	v59 =	vor.u32 v0, v23  }
0x1f6: {  	v27 =	vor.u32 v2, v23;
	v24 =	vand.u32 $0xFFFFFC00, v58  }
0x1f7: {  	v28 =	vor.u32 v4, v23;
	v24 =	vadd.s32 v19, v24  }
0x1f8: {  	v29 =	vor.u32 v5, v23;
	v24 =	vor.u32 v25, v24  }
0x1f9: {  	v24 =	vor.u32 v20, v24  }
0x1fa: {  	v60 =	vor.u32 v3, v23;
	v25 =	vld.idx.msk [tilespmem:v59+s2+$0x0], $0xffff  }
0x1fb: {  	v30 =	vor.u32 v6, v23;
	v27 =	vld.idx.msk [tilespmem:v27+s2+$0x0], $0xffff  }
0x1fc: {  	v31 =	vor.u32 v7, v23;
	v28 =	vld.idx.msk [tilespmem:v28+s2+$0x0], $0xffff  }
0x1fd: {  	v23 =	vor.u32 v8, v23;
	v29 =	vld.idx.msk [tilespmem:v29+s2+$0x0], $0xffff  }
0x1fe: {  	v24 =	vld.idx.msk [tilespmem:v24+s25+$0x0], $0xffff  }
0x1ff: {  	v26 =	vld.idx.msk [tilespmem:v60+s2+$0x0], $0xffff  }
0x200: {  	v30 =	vld.idx.msk [tilespmem:v30+s2+$0x0], $0xffff  }
0x201: {  	v31 =	vld.idx.msk [tilespmem:v31+s2+$0x0], $0xffff  }
0x202: {  	v23 =	vld.idx.msk [tilespmem:v23+s2+$0x0], $0xffff  }
0x203: {  	v25 =	vmul.f32 v25, v24;
	s6 =	spop (v2sf)  }
0x204: {  	v27 =	vmul.f32 v27, v24;
	v26 =	vmul.f32 v26, v24;
	p0 =	sgt.f32 s6, $0.0e+00  }
.Ltmp40:
0x205: {  	v28 =	vmul.f32 v28, v24;
	v61 =	vmul.f32 v29, v24;
	(pc) =	sbr.rel @p0 .LBB2_33-.Ltmp40, $4  }
0x206: {  	v62 =	vmul.f32 v30, v24;
	v63 =	vmul.f32 v31, v24  }
0x207: {  	v23 =	vmul.f32 v23, v24;
	v17 =	vmax.f32 v17, v25;
	v16 =	vmax.f32 v16, v27  }
0x208: {  	v13 =	vmax.f32 v13, v26;
	v12 =	vmax.f32 v12, v28;
	v11 =	vmax.f32 v11, v61  }
0x209: {  	v10 =	vmax.f32 v10, v62;
	v15 =	vmax.f32 v15, v63;
	v14 =	vmax.f32 v14, v23  }
.Ltmp41:
0x20a: {  	_ = 	snop;
	(pc) =	sbr.rel .LBB2_34-.Ltmp41, $1  }
0x20b: {  	_ =	sdelay $0x3  }
.LBB2_36:
0x20c: {  	s26 =	simm.s32 $0x0  }
0x20d: {  	[tilespmem:s26], [sflag:$0x1] =	stream.linear.gather [hbm4b:s16+s26], $0x8000, $0x38;
	[tilespmem:$0x17200] =	vst v63  }
0x20e: {  	_ = 	snop  }
0x20f: {  	[tilespmem:s25], [sflag:$0x1] =	stream.strided.gather [hbm4b:s17+s23], $0x2000, s24, s23, $0x38;
	[tilespmem:$0x17200] =	vst v63  }
0x210: {  	_ =	swait.ge [sflag:s0], $0x8000  }
.Ltmp42:
0x211: {  	[sflag:s0] =	ssyncset.done $0x0;
	(pc) =	sbr.rel .LBB2_37-.Ltmp42, $4  }
0x212: {  	[sflag:s0] =	ssyncadd.s32 $0xFFFF8000  }
0x213: {  	_ =	swait.ge [sflag:s0], $0x2000  }
0x214: {  	[sflag:s0] =	ssyncset.done $0x0  }
0x215: {  	[sflag:s0] =	ssyncadd.s32 $0xFFFFE000  }
.LBB2_42:
0x216: {  	s6 =	sor.u32 $0x10, s3;
	[tilespmem:s3+$0x15000] =	vst v17  }
0x217: {  	s7 =	sor.u32 $0x20, s3;
	[tilespmem:s6+$0x15000] =	vst v16  }
0x218: {  	s8 =	sor.u32 $0x30, s3;
	s26 =	sadd.s32 $0x1, s26;
	[tilespmem:s7+$0x15000] =	vst v13  }
0x219: {  	p0 =	sne.s32 s26, $0x20;
	[tilespmem:s8+$0x15000] =	vst v12  }
.Ltmp43:
0x21a: {  	[tilespmem:s3+$0x16000] =	vst v11;
	(pc) =	sbr.rel @!p0 .LBB2_43-.Ltmp43, $4  }
0x21b: {  	[tilespmem:s6+$0x16000] =	vst v10  }
0x21c: {  	[tilespmem:s7+$0x16000] =	vst v15  }
0x21d: {  	v9 =	vadd.s32 v18, v9;
	[tilespmem:s8+$0x16000] =	vst v14  }
0x21e: {  	[tilespmem:s5+$0x17000] =	vst v9  }
.LBB2_37:
0x21f: {  	s3 =	sshll.u32 s26, $0x7  }
0x220: {  	v9 =	vld [tilespmem:s3+$0x14050];
	_ =	sdelay $0x4  }
0x221: {  	vm0 =	vgt.s32 v9, $0x0  }
0x222: {  	v10 =	vsel vm0, $0x3F800000, v1  }
0x223: {  	(xrf0) =	vmax.scan.msk.f32 $0xffff, v10;
	_ =	sdelay $0x5  }
0x224: {  	v10, _, _ =	vpop (xrf0)  }
0x225: {  	(v2sf) =	vpush v10, $0xF;
	_ =	sdelay $0xc  }
0x226: {  	v17 =	vld [tilespmem:s3+$0x15000]  }
0x227: {  	v16 =	vld [tilespmem:s3+$0x15010]  }
0x228: {  	v13 =	vld [tilespmem:s3+$0x15020];
	s5 =	spop (v2sf)  }
0x229: {  	v12 =	vld [tilespmem:s3+$0x15030];
	p0 =	sgt.f32 s5, $0.0e+00  }
.Ltmp44:
0x22a: {  	v11 =	vld [tilespmem:s3+$0x16000];
	(pc) =	sbr.rel @!p0 .LBB2_42-.Ltmp44, $4  }
0x22b: {  	v15 =	vld [tilespmem:s3+$0x16020]  }
0x22c: {  	s6 =	sshll.u32 s26, $0x6;
	v14 =	vld [tilespmem:s3+$0x16030]  }
0x22d: {  	v10 =	vld [tilespmem:s3+$0x16010];
	s5 =	sshrl.u32 s6, $0x2  }
0x22e: {  	v18 =	vld [tilespmem:s5+$0x17000]  }
.Ltmp45:
0x22f: {  	(pc) =	sbr.rel .LBB2_39-.Ltmp45, $4  }
0x230: {  	_ = 	snop  }
0x231: {  	v19 =	vmov s26  }
0x232: {  	v20 =	vshll.u32 v19, $0x8;
	v21 =	vshll.u32 v19, $0x7  }
0x233: {  	v19 =	vand.u32 $0x1800, v20;
	v20 =	vand.u32 $0x380, v21  }
.LBB2_41:
0x234: {  	vm1 =	vne.s32 v21, v0  }
0x235: {  	vm0 =	vmand vm0, vm1  }
0x236: {  	v21 =	vsel vm0, $0x3F800000, v1  }
0x237: {  	(xrf0) =	vmax.scan.msk.f32 $0xffff, v21;
	_ =	sdelay $0x5  }
0x238: {  	v21, _, _ =	vpop (xrf0)  }
0x239: {  	(v2sf) =	vpush v21, $0xF;
	_ =	sdelay $0xe  }
0x23a: {  	s6 =	spop (v2sf)  }
0x23b: {  	p0 =	sgt.f32 s6, $0.0e+00  }
.Ltmp46:
0x23c: {  	_ = 	snop;
	(pc) =	sbr.rel @!p0 .LBB2_42-.Ltmp46, $1  }
0x23d: {  	_ =	sdelay $0x3  }
.LBB2_39:
0x23e: {  	v21 =	vmctz.xlane vm0;
	_ =	sdelay $0x1  }
0x23f: {  	v22 =	vshll.u32 v21, $0x4;
	v23 =	vshll.u32 v21, $0x7  }
0x240: {  	v24 =	vor.u32 v0, v22;
	v23 =	vand.u32 $0xFFFFFC00, v23  }
0x241: {  	v24 =	vand.u32 $0x7F, v24;
	v23 =	vadd.s32 v19, v23  }
0x242: {  	v23 =	vor.u32 v24, v23  }
0x243: {  	v23 =	vor.u32 v20, v23;
	_ =	sdelay $0x4  }
0x244: {  	v23 =	vld.idx.msk [tilespmem:v23+s30+$0x0], $0xffff;
	_ =	sdelay $0x4  }
0x245: {  	vm1 =	vlt.f32 v23, $0.0e+00;
	vm2 =	vgt.f32 v23, $0.0e+00  }
0x246: {  	vm1 =	vmor vm2, vm1  }
0x247: {  	v23 =	vsel vm1, $0x3F800000, v1  }
0x248: {  	(xrf0) =	vmax.scan.msk.f32 $0xffff, v23;
	_ =	sdelay $0x5  }
0x249: {  	v23, _, _ =	vpop (xrf0)  }
0x24a: {  	(v2sf) =	vpush v23, $0xF;
	_ =	sdelay $0xe  }
0x24b: {  	s6 =	spop (v2sf)  }
0x24c: {  	p0 =	sgt.f32 s6, $0.0e+00  }
.Ltmp47:
0x24d: {  	_ = 	snop;
	(pc) =	sbr.rel @!p0 .LBB2_41-.Ltmp47, $1  }
0x24e: {  	_ =	sdelay $0x3  }
.LBB2_40:
0x24f: {  	v23 =	vmctz.xlane vm1;
	_ =	sdelay $0x1  }
0x250: {  	vm2 =	vne.s32 v23, v0  }
0x251: {  	vm1 =	vmand vm1, vm2  }
0x252: {  	v24 =	vsel vm1, $0x3F800000, v1  }
0x253: {  	(xrf0) =	vmax.scan.msk.f32 $0xffff, v24;
	_ =	sdelay $0x4  }
0x254: {  	v23 =	vadd.s32 v22, v23  }
0x255: {  	v58 =	vshll.u32 v23, $0x3;
	v26, _, _ =	vpop (xrf0)  }
0x256: {  	v25 =	vand.u32 $0x7F, v23;
	v23 =	vshll.u32 v23, $0x7;
	(v2sf) =	vpush v26, $0xF  }
0x257: {  	v59 =	vor.u32 v0, v23  }
0x258: {  	v27 =	vor.u32 v2, v23;
	v24 =	vand.u32 $0xFFFFFC00, v58  }
0x259: {  	v28 =	vor.u32 v4, v23;
	v24 =	vadd.s32 v19, v24  }
0x25a: {  	v29 =	vor.u32 v5, v23;
	v24 =	vor.u32 v25, v24  }
0x25b: {  	v24 =	vor.u32 v20, v24  }
0x25c: {  	v60 =	vor.u32 v3, v23;
	v25 =	vld.idx.msk [tilespmem:v59+s29+$0x0], $0xffff  }
0x25d: {  	v30 =	vor.u32 v6, v23;
	v27 =	vld.idx.msk [tilespmem:v27+s29+$0x0], $0xffff  }
0x25e: {  	v31 =	vor.u32 v7, v23;
	v28 =	vld.idx.msk [tilespmem:v28+s29+$0x0], $0xffff  }
0x25f: {  	v23 =	vor.u32 v8, v23;
	v29 =	vld.idx.msk [tilespmem:v29+s29+$0x0], $0xffff  }
0x260: {  	v24 =	vld.idx.msk [tilespmem:v24+s30+$0x0], $0xffff  }
0x261: {  	v26 =	vld.idx.msk [tilespmem:v60+s29+$0x0], $0xffff  }
0x262: {  	v30 =	vld.idx.msk [tilespmem:v30+s29+$0x0], $0xffff  }
0x263: {  	v31 =	vld.idx.msk [tilespmem:v31+s29+$0x0], $0xffff  }
0x264: {  	v23 =	vld.idx.msk [tilespmem:v23+s29+$0x0], $0xffff  }
0x265: {  	v25 =	vmul.f32 v25, v24;
	s6 =	spop (v2sf)  }
0x266: {  	v27 =	vmul.f32 v27, v24;
	v26 =	vmul.f32 v26, v24;
	p0 =	sgt.f32 s6, $0.0e+00  }
.Ltmp48:
0x267: {  	v28 =	vmul.f32 v28, v24;
	v61 =	vmul.f32 v29, v24;
	(pc) =	sbr.rel @p0 .LBB2_40-.Ltmp48, $4  }
0x268: {  	v62 =	vmul.f32 v30, v24;
	v63 =	vmul.f32 v31, v24  }
0x269: {  	v23 =	vmul.f32 v23, v24;
	v17 =	vmax.f32 v17, v25;
	v16 =	vmax.f32 v16, v27  }
0x26a: {  	v13 =	vmax.f32 v13, v26;
	v12 =	vmax.f32 v12, v28;
	v11 =	vmax.f32 v11, v61  }
0x26b: {  	v10 =	vmax.f32 v10, v62;
	v15 =	vmax.f32 v15, v63;
	v14 =	vmax.f32 v14, v23  }
.Ltmp49:
0x26c: {  	_ = 	snop;
	(pc) =	sbr.rel .LBB2_41-.Ltmp49, $1  }
0x26d: {  	_ =	sdelay $0x3  }
.LBB2_43:
0x26e: {  	s26 =	simm.s32 $0x0  }
0x26f: {  	[tilespmem:s29], [sflag:$0x2] =	stream.linear.gather [hbm4b:s18+s26], $0x8000, $0x38;
	[tilespmem:$0x17200] =	vst v63  }
0x270: {  	_ = 	snop  }
0x271: {  	[tilespmem:s30], [sflag:$0x2] =	stream.strided.gather [hbm4b:s19+s23], $0x2000, s24, s23, $0x38;
	[tilespmem:$0x17200] =	vst v63  }
0x272: {  	_ =	swait.ge [sflag:s31], $0x8000  }
.Ltmp50:
0x273: {  	[sflag:s31] =	ssyncset.done $0x0;
	(pc) =	sbr.rel .LBB2_44-.Ltmp50, $4  }
0x274: {  	[sflag:s31] =	ssyncadd.s32 $0xFFFF8000  }
0x275: {  	_ =	swait.ge [sflag:s31], $0x2000  }
0x276: {  	[sflag:s31] =	ssyncset.done $0x0  }
0x277: {  	[sflag:s31] =	ssyncadd.s32 $0xFFFFE000  }
.LBB2_49:
0x278: {  	s6 =	sor.u32 $0x10, s3;
	[tilespmem:s3+$0x15000] =	vst v17  }
0x279: {  	s7 =	sor.u32 $0x20, s3;
	[tilespmem:s6+$0x15000] =	vst v16  }
0x27a: {  	s8 =	sor.u32 $0x30, s3;
	s26 =	sadd.s32 $0x1, s26;
	[tilespmem:s7+$0x15000] =	vst v13  }
0x27b: {  	p0 =	sne.s32 s26, $0x20;
	[tilespmem:s8+$0x15000] =	vst v12  }
.Ltmp51:
0x27c: {  	[tilespmem:s3+$0x16000] =	vst v11;
	(pc) =	sbr.rel @!p0 .LBB2_50-.Ltmp51, $4  }
0x27d: {  	[tilespmem:s6+$0x16000] =	vst v10  }
0x27e: {  	[tilespmem:s7+$0x16000] =	vst v15  }
0x27f: {  	v9 =	vadd.s32 v18, v9;
	[tilespmem:s8+$0x16000] =	vst v14  }
0x280: {  	[tilespmem:s5+$0x17000] =	vst v9  }
.LBB2_44:
0x281: {  	s3 =	sshll.u32 s26, $0x7  }
0x282: {  	v9 =	vld [tilespmem:s3+$0x14060];
	_ =	sdelay $0x4  }
0x283: {  	vm0 =	vgt.s32 v9, $0x0  }
0x284: {  	v10 =	vsel vm0, $0x3F800000, v1  }
0x285: {  	(xrf0) =	vmax.scan.msk.f32 $0xffff, v10;
	_ =	sdelay $0x5  }
0x286: {  	v10, _, _ =	vpop (xrf0)  }
0x287: {  	(v2sf) =	vpush v10, $0xF;
	_ =	sdelay $0xc  }
0x288: {  	v17 =	vld [tilespmem:s3+$0x15000]  }
0x289: {  	v16 =	vld [tilespmem:s3+$0x15010]  }
0x28a: {  	v13 =	vld [tilespmem:s3+$0x15020];
	s5 =	spop (v2sf)  }
0x28b: {  	v12 =	vld [tilespmem:s3+$0x15030];
	p0 =	sgt.f32 s5, $0.0e+00  }
.Ltmp52:
0x28c: {  	v11 =	vld [tilespmem:s3+$0x16000];
	(pc) =	sbr.rel @!p0 .LBB2_49-.Ltmp52, $4  }
0x28d: {  	v15 =	vld [tilespmem:s3+$0x16020]  }
0x28e: {  	s6 =	sshll.u32 s26, $0x6;
	v14 =	vld [tilespmem:s3+$0x16030]  }
0x28f: {  	v10 =	vld [tilespmem:s3+$0x16010];
	s5 =	sshrl.u32 s6, $0x2  }
0x290: {  	v18 =	vld [tilespmem:s5+$0x17000]  }
.Ltmp53:
0x291: {  	(pc) =	sbr.rel .LBB2_46-.Ltmp53, $4  }
0x292: {  	_ = 	snop  }
0x293: {  	v19 =	vmov s26  }
0x294: {  	v20 =	vshll.u32 v19, $0x8;
	v21 =	vshll.u32 v19, $0x7  }
0x295: {  	v19 =	vand.u32 $0x1800, v20;
	v20 =	vand.u32 $0x380, v21  }
.LBB2_48:
0x296: {  	vm1 =	vne.s32 v21, v0  }
0x297: {  	vm0 =	vmand vm0, vm1  }
0x298: {  	v21 =	vsel vm0, $0x3F800000, v1  }
0x299: {  	(xrf0) =	vmax.scan.msk.f32 $0xffff, v21;
	_ =	sdelay $0x5  }
0x29a: {  	v21, _, _ =	vpop (xrf0)  }
0x29b: {  	(v2sf) =	vpush v21, $0xF;
	_ =	sdelay $0xe  }
0x29c: {  	s6 =	spop (v2sf)  }
0x29d: {  	p0 =	sgt.f32 s6, $0.0e+00  }
.Ltmp54:
0x29e: {  	_ = 	snop;
	(pc) =	sbr.rel @!p0 .LBB2_49-.Ltmp54, $1  }
0x29f: {  	_ =	sdelay $0x3  }
.LBB2_46:
0x2a0: {  	v21 =	vmctz.xlane vm0;
	_ =	sdelay $0x1  }
0x2a1: {  	v22 =	vshll.u32 v21, $0x4;
	v23 =	vshll.u32 v21, $0x7  }
0x2a2: {  	v24 =	vor.u32 v0, v22;
	v23 =	vand.u32 $0xFFFFFC00, v23  }
0x2a3: {  	v24 =	vand.u32 $0x7F, v24;
	v23 =	vadd.s32 v19, v23  }
0x2a4: {  	v23 =	vor.u32 v24, v23  }
0x2a5: {  	v23 =	vor.u32 v20, v23;
	_ =	sdelay $0x4  }
0x2a6: {  	v23 =	vld.idx.msk [tilespmem:v23+s25+$0x0], $0xffff;
	_ =	sdelay $0x4  }
0x2a7: {  	vm1 =	vlt.f32 v23, $0.0e+00;
	vm2 =	vgt.f32 v23, $0.0e+00  }
0x2a8: {  	vm1 =	vmor vm2, vm1  }
0x2a9: {  	v23 =	vsel vm1, $0x3F800000, v1  }
0x2aa: {  	(xrf0) =	vmax.scan.msk.f32 $0xffff, v23;
	_ =	sdelay $0x5  }
0x2ab: {  	v23, _, _ =	vpop (xrf0)  }
0x2ac: {  	(v2sf) =	vpush v23, $0xF;
	_ =	sdelay $0xe  }
0x2ad: {  	s6 =	spop (v2sf)  }
0x2ae: {  	p0 =	sgt.f32 s6, $0.0e+00  }
.Ltmp55:
0x2af: {  	_ = 	snop;
	(pc) =	sbr.rel @!p0 .LBB2_48-.Ltmp55, $1  }
0x2b0: {  	_ =	sdelay $0x3  }
.LBB2_47:
0x2b1: {  	v23 =	vmctz.xlane vm1;
	_ =	sdelay $0x1  }
0x2b2: {  	vm2 =	vne.s32 v23, v0  }
0x2b3: {  	vm1 =	vmand vm1, vm2  }
0x2b4: {  	v24 =	vsel vm1, $0x3F800000, v1  }
0x2b5: {  	(xrf0) =	vmax.scan.msk.f32 $0xffff, v24;
	_ =	sdelay $0x4  }
0x2b6: {  	v23 =	vadd.s32 v22, v23  }
0x2b7: {  	v58 =	vshll.u32 v23, $0x3;
	v26, _, _ =	vpop (xrf0)  }
0x2b8: {  	v25 =	vand.u32 $0x7F, v23;
	v23 =	vshll.u32 v23, $0x7;
	(v2sf) =	vpush v26, $0xF  }
0x2b9: {  	v59 =	vor.u32 v0, v23  }
0x2ba: {  	v27 =	vor.u32 v2, v23;
	v24 =	vand.u32 $0xFFFFFC00, v58  }
0x2bb: {  	v28 =	vor.u32 v4, v23;
	v24 =	vadd.s32 v19, v24  }
0x2bc: {  	v29 =	vor.u32 v5, v23;
	v24 =	vor.u32 v25, v24  }
0x2bd: {  	v24 =	vor.u32 v20, v24  }
0x2be: {  	v60 =	vor.u32 v3, v23;
	v25 =	vld.idx.msk [tilespmem:v59+s2+$0x0], $0xffff  }
0x2bf: {  	v30 =	vor.u32 v6, v23;
	v27 =	vld.idx.msk [tilespmem:v27+s2+$0x0], $0xffff  }
0x2c0: {  	v31 =	vor.u32 v7, v23;
	v28 =	vld.idx.msk [tilespmem:v28+s2+$0x0], $0xffff  }
0x2c1: {  	v23 =	vor.u32 v8, v23;
	v29 =	vld.idx.msk [tilespmem:v29+s2+$0x0], $0xffff  }
0x2c2: {  	v24 =	vld.idx.msk [tilespmem:v24+s25+$0x0], $0xffff  }
0x2c3: {  	v26 =	vld.idx.msk [tilespmem:v60+s2+$0x0], $0xffff  }
0x2c4: {  	v30 =	vld.idx.msk [tilespmem:v30+s2+$0x0], $0xffff  }
0x2c5: {  	v31 =	vld.idx.msk [tilespmem:v31+s2+$0x0], $0xffff  }
0x2c6: {  	v23 =	vld.idx.msk [tilespmem:v23+s2+$0x0], $0xffff  }
0x2c7: {  	v25 =	vmul.f32 v25, v24;
	s6 =	spop (v2sf)  }
0x2c8: {  	v27 =	vmul.f32 v27, v24;
	v26 =	vmul.f32 v26, v24;
	p0 =	sgt.f32 s6, $0.0e+00  }
.Ltmp56:
0x2c9: {  	v28 =	vmul.f32 v28, v24;
	v61 =	vmul.f32 v29, v24;
	(pc) =	sbr.rel @p0 .LBB2_47-.Ltmp56, $4  }
0x2ca: {  	v62 =	vmul.f32 v30, v24;
	v63 =	vmul.f32 v31, v24  }
0x2cb: {  	v23 =	vmul.f32 v23, v24;
	v17 =	vmax.f32 v17, v25;
	v16 =	vmax.f32 v16, v27  }
0x2cc: {  	v13 =	vmax.f32 v13, v26;
	v12 =	vmax.f32 v12, v28;
	v11 =	vmax.f32 v11, v61  }
0x2cd: {  	v10 =	vmax.f32 v10, v62;
	v15 =	vmax.f32 v15, v63;
	v14 =	vmax.f32 v14, v23  }
.Ltmp57:
0x2ce: {  	_ = 	snop;
	(pc) =	sbr.rel .LBB2_48-.Ltmp57, $1  }
0x2cf: {  	_ =	sdelay $0x3  }
.LBB2_50:
0x2d0: {  	_ =	swait.ge [sflag:s0], $0x8000  }
.Ltmp58:
0x2d1: {  	[sflag:s0] =	ssyncset.done $0x0;
	(pc) =	sbr.rel .LBB2_51-.Ltmp58, $4  }
0x2d2: {  	[sflag:s0] =	ssyncadd.s32 $0xFFFF8000  }
0x2d3: {  	_ =	swait.ge [sflag:s0], $0x2000  }
0x2d4: {  	[sflag:s0] =	ssyncset.done $0x0  }
0x2d5: {  	s26 =	simm.s32 $0x0;
	[sflag:s0] =	ssyncadd.s32 $0xFFFFE000  }
.LBB2_56:
0x2d6: {  	v17 =	vadd.s32 v18, v17  }
0x2d7: {  	(xrf0) =	vadd.scan.msk.s32 $0xffff, v17;
	_ =	sdelay $0x5  }
0x2d8: {  	v17, _, _ =	vpop (xrf0)  }
0x2d9: {  	(v2sf) =	vpush v17, $0xF;
	_ =	sdelay $0xe  }
0x2da: {  	v56 =	vmax.f32 v16, $0.0e+00;
	s5 =	spop (v2sf)  }
0x2db: {  	v57 =	vmax.f32 v15, $0.0e+00;
	v58 =	vmax.f32 v14, $0.0e+00;
	v59 =	vmax.f32 v13, $0.0e+00;
	p0 =	slt.s32 s5, $0x800  }
0x2dc: {  	v60 =	vmax.f32 v12, $0.0e+00;
	v61 =	vmax.f32 v11, $0.0e+00;
	v16 =	vpsel p0, v56, v16  }
0x2dd: {  	s8 =	sor.u32 $0x10, s3;
	v62 =	vmax.f32 v10, $0.0e+00;
	v63 =	vmax.f32 v9, $0.0e+00;
	v15 =	vpsel p0, v57, v15;
	[tilespmem:s3+$0x15000] =	vst v16  }
0x2de: {  	s6 =	sor.u32 $0x20, s3;
	s26 =	sadd.s32 $0x1, s26;
	v14 =	vpsel p0, v58, v14;
	v13 =	vpsel p0, v59, v13;
	v12 =	vpsel p0, v60, v12;
	[tilespmem:s8+$0x15000] =	vst v15  }
0x2df: {  	s7 =	sor.u32 $0x30, s3;
	v11 =	vpsel p0, v61, v11;
	v10 =	vpsel p0, v62, v10;
	v9 =	vpsel p0, v63, v9;
	p0 =	sne.s32 s26, $0x20;
	[tilespmem:s6+$0x15000] =	vst v14  }
.Ltmp59:
0x2e0: {  	[tilespmem:s7+$0x15000] =	vst v13;
	(pc) =	sbr.rel @!p0 .LBB2_57-.Ltmp59, $4  }
0x2e1: {  	[tilespmem:s3+$0x16000] =	vst v12  }
0x2e2: {  	[tilespmem:s8+$0x16000] =	vst v11  }
0x2e3: {  	[tilespmem:s6+$0x16000] =	vst v10  }
0x2e4: {  	[tilespmem:s7+$0x16000] =	vst v9  }
.LBB2_51:
0x2e5: {  	s3 =	sshll.u32 s26, $0x7  }
0x2e6: {  	v17 =	vld [tilespmem:s3+$0x14070];
	_ =	sdelay $0x4  }
0x2e7: {  	vm0 =	vgt.s32 v17, $0x0  }
0x2e8: {  	v9 =	vsel vm0, $0x3F800000, v1  }
0x2e9: {  	(xrf0) =	vmax.scan.msk.f32 $0xffff, v9;
	_ =	sdelay $0x5  }
0x2ea: {  	v9, _, _ =	vpop (xrf0)  }
0x2eb: {  	(v2sf) =	vpush v9, $0xF;
	_ =	sdelay $0xc  }
0x2ec: {  	v16 =	vld [tilespmem:s3+$0x15000]  }
0x2ed: {  	v15 =	vld [tilespmem:s3+$0x15010]  }
0x2ee: {  	s8 =	sshll.u32 s26, $0x4;
	v14 =	vld [tilespmem:s3+$0x15020];
	s5 =	spop (v2sf)  }
0x2ef: {  	v13 =	vld [tilespmem:s3+$0x15030];
	p0 =	sgt.f32 s5, $0.0e+00;
	s5 =	sand.u32 $0x3FFFFFF0, s8  }
.Ltmp60:
0x2f0: {  	v18 =	vld [tilespmem:s5+$0x17000];
	(pc) =	sbr.rel @!p0 .LBB2_56-.Ltmp60, $4  }
0x2f1: {  	v12 =	vld [tilespmem:s3+$0x16000]  }
0x2f2: {  	v11 =	vld [tilespmem:s3+$0x16010]  }
0x2f3: {  	v10 =	vld [tilespmem:s3+$0x16020]  }
0x2f4: {  	v9 =	vld [tilespmem:s3+$0x16030]  }
.Ltmp61:
0x2f5: {  	(pc) =	sbr.rel .LBB2_53-.Ltmp61, $4  }
0x2f6: {  	_ = 	snop  }
0x2f7: {  	v19 =	vmov s26  }
0x2f8: {  	v20 =	vshll.u32 v19, $0x8;
	v21 =	vshll.u32 v19, $0x7  }
0x2f9: {  	v19 =	vand.u32 $0x1800, v20;
	v20 =	vand.u32 $0x380, v21  }
.LBB2_55:
0x2fa: {  	vm1 =	vne.s32 v21, v0  }
0x2fb: {  	vm0 =	vmand vm0, vm1  }
0x2fc: {  	v21 =	vsel vm0, $0x3F800000, v1  }
0x2fd: {  	(xrf0) =	vmax.scan.msk.f32 $0xffff, v21;
	_ =	sdelay $0x5  }
0x2fe: {  	v21, _, _ =	vpop (xrf0)  }
0x2ff: {  	(v2sf) =	vpush v21, $0xF;
	_ =	sdelay $0xe  }
0x300: {  	s5 =	spop (v2sf)  }
0x301: {  	p0 =	sgt.f32 s5, $0.0e+00  }
.Ltmp62:
0x302: {  	_ = 	snop;
	(pc) =	sbr.rel @!p0 .LBB2_56-.Ltmp62, $1  }
0x303: {  	_ =	sdelay $0x3  }
.LBB2_53:
0x304: {  	v21 =	vmctz.xlane vm0;
	_ =	sdelay $0x1  }
0x305: {  	v22 =	vshll.u32 v21, $0x4;
	v23 =	vshll.u32 v21, $0x7  }
0x306: {  	v24 =	vor.u32 v0, v22;
	v23 =	vand.u32 $0xFFFFFC00, v23  }
0x307: {  	v24 =	vand.u32 $0x7F, v24;
	v23 =	vadd.s32 v19, v23  }
0x308: {  	v23 =	vor.u32 v24, v23  }
0x309: {  	v23 =	vor.u32 v20, v23;
	_ =	sdelay $0x4  }
0x30a: {  	v23 =	vld.idx.msk [tilespmem:v23+s30+$0x0], $0xffff;
	_ =	sdelay $0x4  }
0x30b: {  	vm1 =	vlt.f32 v23, $0.0e+00;
	vm2 =	vgt.f32 v23, $0.0e+00  }
0x30c: {  	vm1 =	vmor vm2, vm1  }
0x30d: {  	v23 =	vsel vm1, $0x3F800000, v1  }
0x30e: {  	(xrf0) =	vmax.scan.msk.f32 $0xffff, v23;
	_ =	sdelay $0x5  }
0x30f: {  	v23, _, _ =	vpop (xrf0)  }
0x310: {  	(v2sf) =	vpush v23, $0xF;
	_ =	sdelay $0xe  }
0x311: {  	s5 =	spop (v2sf)  }
0x312: {  	p0 =	sgt.f32 s5, $0.0e+00  }
.Ltmp63:
0x313: {  	_ = 	snop;
	(pc) =	sbr.rel @!p0 .LBB2_55-.Ltmp63, $1  }
0x314: {  	_ =	sdelay $0x3  }
.LBB2_54:
0x315: {  	v23 =	vmctz.xlane vm1;
	_ =	sdelay $0x1  }
0x316: {  	vm2 =	vne.s32 v23, v0  }
0x317: {  	vm1 =	vmand vm1, vm2  }
0x318: {  	v24 =	vsel vm1, $0x3F800000, v1  }
0x319: {  	(xrf0) =	vmax.scan.msk.f32 $0xffff, v24;
	_ =	sdelay $0x4  }
0x31a: {  	v23 =	vadd.s32 v22, v23  }
0x31b: {  	v58 =	vshll.u32 v23, $0x3;
	v26, _, _ =	vpop (xrf0)  }
0x31c: {  	v25 =	vand.u32 $0x7F, v23;
	v23 =	vshll.u32 v23, $0x7;
	(v2sf) =	vpush v26, $0xF  }
0x31d: {  	v59 =	vor.u32 v0, v23  }
0x31e: {  	v27 =	vor.u32 v2, v23;
	v24 =	vand.u32 $0xFFFFFC00, v58  }
0x31f: {  	v28 =	vor.u32 v4, v23;
	v24 =	vadd.s32 v19, v24  }
0x320: {  	v29 =	vor.u32 v5, v23;
	v24 =	vor.u32 v25, v24  }
0x321: {  	v24 =	vor.u32 v20, v24  }
0x322: {  	v60 =	vor.u32 v3, v23;
	v25 =	vld.idx.msk [tilespmem:v59+s29+$0x0], $0xffff  }
0x323: {  	v30 =	vor.u32 v6, v23;
	v27 =	vld.idx.msk [tilespmem:v27+s29+$0x0], $0xffff  }
0x324: {  	v31 =	vor.u32 v7, v23;
	v28 =	vld.idx.msk [tilespmem:v28+s29+$0x0], $0xffff  }
0x325: {  	v23 =	vor.u32 v8, v23;
	v29 =	vld.idx.msk [tilespmem:v29+s29+$0x0], $0xffff  }
0x326: {  	v24 =	vld.idx.msk [tilespmem:v24+s30+$0x0], $0xffff  }
0x327: {  	v26 =	vld.idx.msk [tilespmem:v60+s29+$0x0], $0xffff  }
0x328: {  	v30 =	vld.idx.msk [tilespmem:v30+s29+$0x0], $0xffff  }
0x329: {  	v31 =	vld.idx.msk [tilespmem:v31+s29+$0x0], $0xffff  }
0x32a: {  	v23 =	vld.idx.msk [tilespmem:v23+s29+$0x0], $0xffff  }
0x32b: {  	v25 =	vmul.f32 v25, v24;
	s5 =	spop (v2sf)  }
0x32c: {  	v27 =	vmul.f32 v27, v24;
	v26 =	vmul.f32 v26, v24;
	p0 =	sgt.f32 s5, $0.0e+00  }
.Ltmp64:
0x32d: {  	v28 =	vmul.f32 v28, v24;
	v61 =	vmul.f32 v29, v24;
	(pc) =	sbr.rel @p0 .LBB2_54-.Ltmp64, $4  }
0x32e: {  	v62 =	vmul.f32 v30, v24;
	v63 =	vmul.f32 v31, v24  }
0x32f: {  	v23 =	vmul.f32 v23, v24;
	v16 =	vmax.f32 v16, v25;
	v15 =	vmax.f32 v15, v27  }
0x330: {  	v14 =	vmax.f32 v14, v26;
	v13 =	vmax.f32 v13, v28;
	v12 =	vmax.f32 v12, v61  }
0x331: {  	v11 =	vmax.f32 v11, v62;
	v10 =	vmax.f32 v10, v63;
	v9 =	vmax.f32 v9, v23  }
.Ltmp65:
0x332: {  	_ = 	snop;
	(pc) =	sbr.rel .LBB2_55-.Ltmp65, $1  }
0x333: {  	_ =	sdelay $0x3  }
.LBB2_58:
0x334: {  	_ =	sfence.sel $0x180000  }
0x335: {  	[bflag:$0x0] =	sbarrier.arrive $0xFFFF  }
0x336: {  	_ =	strace $0x90000047  }
0x337: {  	s0 =	stileid.u32;
	[bflag:$0x2] =	sbarrier.arrive $0xFFFF  }
0x338: {  	p0 =	sne.s32 s0, $0x0;
	s0 =	rddreg [dreg:$0x2]  }
0x339: {  	s0 =	sadd.s32 @!p0 $0x100000, s0  }
0x33a: {  	[sflag:s0] =	ssyncadd.tile.s32 @!p0 $0x1;
	_ =	shalt  }
.Lfunc_end2:
_tile_overlayer_lowered:
.L_overlay_start_2:
0x33b: {  	(tag) =	ssettag $0x2  }
0x33c: {  	s0 =	rddreg [dreg:$0x0];
	s2 =	stileid.u32  }
0x33d: {  	s1 =	rddreg [dreg:$0x1];
	p0 =	sne.s32 s2, $0x0  }
0x33e: {  	s3 =	rddreg [dreg:$0x2];
	[bflag:$0x3] =	sbarrier.arrive $0xFFFF;
	s2 =	simm.s32 @!p0 $0x1C03  }
0x33f: {  	[timem:s3], [sflag:s2] =	dma.local @!p0 [hbm:s0], s1  }
0x340: {  	s0 =	simm.s32 @!p0 $0x3  }
0x341: {  	_ =	swait.ge @!p0 [sflag:s0], s1  }
0x342: {  	s1 =	ssub.s32 @!p0 $0x0, s1;
	[sflag:s0] =	ssyncset.done @!p0 $0x0  }
0x343: {  	[sflag:s0] =	ssyncadd.s32 @!p0 s1  }
0x344: {  	[bflag:$0x3] =	sbarrier.arrive $0xFFFF  }
0x345: {  	_ =	shalt  }

</sc_bundles>
